<compile_context>
chip_gen: v7x
topology: tpu7x:2x2x1
jax: 0.10.2.dev20260603
libtpu: 0.0.44.dev20260713+nightly
codegen_flags: <defaults>
</compile_context>

<pallas_src>
import functools

import jax
import jax.numpy as jnp
from jax import lax
from jax.experimental import pallas as pl
from jax.experimental.pallas import tpu as pltpu
from jax.experimental.pallas import tpu_sc as plsc

_BS, _TPD, _D = 16384, 4, 32
_G, _K = 4, 512
_GK = _G * _K
_ROWS = 4096
_NBLK = _BS // _ROWS

_NW = 32
_BPW = (_BS * _G) // _NW
_HPW = (_BS * _G) // 16

_KT = 128
_NKT = _K // _KT


def _tc_body(x_ref, emb_ref, idx_ref):
    xb = x_ref[...]
    idx_cols = []
    lane = jax.lax.broadcasted_iota(jnp.int32, (_ROWS, _KT), 1)
    for g in range(_G):
        xg = xb[:, g * _D:(g + 1) * _D]
        x_sq = jnp.sum(xg * xg, axis=1, keepdims=True)
        m = None
        for kt in range(_NKT):
            egt = emb_ref[g, kt * _KT:(kt + 1) * _KT, :]
            cross = jax.lax.dot_general(
                xg, egt, (((1,), (1,)), ((), ())),
                preferred_element_type=jnp.float32)
            e_sq = jnp.sum(egt * egt, axis=1)
            d2t = jnp.maximum(x_sq - 2.0 * cross + e_sq[None, :], 0.0)
            if m is None:
                m, gi = d2t, lane
            else:
                take = d2t < m
                m = jnp.where(take, d2t, m)
                gi = jnp.where(take, lane + kt * _KT, gi)
        gmin = jnp.min(m, axis=1, keepdims=True)
        cand = jnp.where(m == gmin, gi, _GK)
        idxg = jnp.min(cand, axis=1).astype(jnp.int32)
        idx_cols.append(idxg.reshape(_ROWS, 1))
    idx_ref[...] = jnp.concatenate(idx_cols, axis=1)


def _tc_indices(x2, embeddings):
    return pl.pallas_call(
        _tc_body,
        grid=(_NBLK,),
        in_specs=[
            pl.BlockSpec((_ROWS, _G * _D), lambda i: (i, 0)),
            pl.BlockSpec((_G, _K, _D), lambda i: (0, 0, 0)),
        ],
        out_specs=pl.BlockSpec((_ROWS, _G), lambda i: (i, 0)),
        out_shape=jax.ShapeDtypeStruct((_BS, _G), jnp.int32),
    )(x2, embeddings)


_SC_MESH = plsc.VectorSubcoreMesh(core_axis_name="c", subcore_axis_name="s")


@functools.partial(
    pl.kernel,
    mesh=_SC_MESH,
    compiler_params=pltpu.CompilerParams(
        needs_layout_passes=False, use_tc_tiling_on_sc=False),
    out_type=[
        jax.ShapeDtypeStruct((_BS, _G * _D), jnp.float32),
        jax.ShapeDtypeStruct((_GK,), jnp.float32),
    ],
    scratch_types=[
        pltpu.VMEM((_BPW,), jnp.int32),
        pltpu.VMEM((_BPW // 2, _D), jnp.float32),
        pltpu.VMEM((_BPW // 8, 128), jnp.float32),
        pltpu.VMEM((_HPW,), jnp.int32),
        pltpu.VMEM((16 * _GK,), jnp.float32),
        pltpu.VMEM((_GK,), jnp.float32),
        pltpu.VMEM((128,), jnp.float32),
        pltpu.VMEM((128,), jnp.float32),
        pltpu.VMEM_SHARED((16, _GK), jnp.float32),
        pltpu.SemaphoreType.DMA,
    ],
)
def _sc_gather_count(idx_hbm, table_hbm, cnt_hbm, xq_hbm, cnt_out_hbm,
                     idx_v, rows_v, rows128_v, hidx_v, hist_v, hsum_v,
                     t1_v, t2_v, shared_hist, sem):
    c = lax.axis_index("c")
    s = lax.axis_index("s")
    wid = c * 16 + s
    base = wid * _BPW

    lane = lax.broadcasted_iota(jnp.int32, (16,), 0)
    offs = (lane % 4) * _K
    ones = jnp.full((16,), 1.0, dtype=jnp.float32)
    zeros = jnp.zeros((16,), dtype=jnp.float32)

    pltpu.sync_copy(idx_hbm.at[pl.ds(base, _BPW)], idx_v)

    def _add_offs(k, _):
        idx_v[pl.ds(k * 16, 16)] += offs
        return 0
    lax.fori_loop(0, _BPW // 16, _add_offs, 0)

    copies0 = []
    for r in range(8):
        copies0.append(pltpu.async_copy(
            table_hbm.at[idx_v.at[pl.ds(r * 128, 128)]],
            rows_v.at[pl.ds(r * 128, 128)], sem))

    @pl.when(c == 0)
    def _():
        def _zero(k, _):
            hist_v[pl.ds(k * 16, 16)] = zeros
            return 0
        lax.fori_loop(0, 16 * _GK // 16, _zero, 0)

        pltpu.sync_copy(idx_hbm.at[pl.ds(s * _HPW, _HPW)], hidx_v)

        def _hist(k, _):
            binv = hidx_v[pl.ds(k * 16, 16)] + offs
            plsc.addupdate_scatter(hist_v, [lane * _GK + binv], ones)
            return 0
        lax.fori_loop(0, _HPW // 16, _hist, 0)

        def _red(k, _):
            acc = zeros
            for l in range(16):
                acc += hist_v[pl.ds(l * _GK + k * 16, 16)]
            hsum_v[pl.ds(k * 16, 16)] = acc
            return 0
        lax.fori_loop(0, _GK // 16, _red, 0)

        pltpu.sync_copy(hsum_v, shared_hist.at[s])

    for h in range(2):
        if h == 1:
            copies0 = []
            for r in range(8):
                copies0.append(pltpu.async_copy(
                    table_hbm.at[idx_v.at[pl.ds((8 + r) * 128, 128)]],
                    rows_v.at[pl.ds(r * 128, 128)], sem))
        for cp in copies0:
            cp.wait()

        def _repack(r, _):
            for col in range(8):
                rows128_v[r, pl.ds(col * 16, 16)] = (
                    rows_v[4 * r + col // 2, pl.ds((col % 2) * 16, 16)])
            return 0
        lax.fori_loop(0, _BPW // 8, _repack, 0)
        pltpu.sync_copy(
            rows128_v, xq_hbm.at[pl.ds(wid * (_BPW // 4) + h * (_BPW // 8),
                                       _BPW // 8)])

    @pl.when(c == 0)
    def _():
        plsc.subcore_barrier()
        pltpu.sync_copy(cnt_hbm.at[pl.ds(s * 128, 128)], t2_v)
        for r in range(16):
            pltpu.sync_copy(shared_hist.at[r, pl.ds(s * 128, 128)], t1_v)

            def _addc(k, _):
                t2_v[pl.ds(k * 16, 16)] += t1_v[pl.ds(k * 16, 16)]
                return 0
            lax.fori_loop(0, 8, _addc, 0)
        pltpu.sync_copy(t2_v, cnt_out_hbm.at[pl.ds(s * 128, 128)])


@jax.jit
def kernel(x, embeddings, count):
    x2 = x.reshape(_BS, _G * _D)
    idx = _tc_indices(x2, embeddings)
    xq2, cnt = _sc_gather_count(
        idx.reshape(_BS * _G), embeddings.reshape(_GK, _D),
        count.reshape(_GK))
    return xq2.reshape(_BS, _TPD, _D), idx, cnt.reshape(_G, _K)

# --- scband reference (transcript-rebuilt; emitter-appended) ---
"""Pipeline reference for scband-quantizer-24653112279399 (READ-ONLY COPY).

The authoritative reference and input builder live on the scoring server;
editing this copy changes nothing except your own understanding.
"""

import jax, jax.numpy as jnp
import numpy as np

BS = 16384
TPD = 4
CODE_DIM = 32
NUM_CODE = 512
NUM_GROUP = 4


def setup_inputs(seed: int = 0) -> dict:
    key = jax.random.key(seed)
    k1, k2 = jax.random.split(key)
    x = jax.random.normal(k1, (BS, TPD, CODE_DIM), dtype=jnp.float32)
    embeddings = jax.random.normal(k2, (NUM_GROUP, NUM_CODE, CODE_DIM), dtype=jnp.float32)
    count = jnp.zeros((NUM_GROUP, NUM_CODE), dtype=jnp.float32)
    return {"x": x, "embeddings": embeddings, "count": count}


def reference(x, embeddings, count):
    # x: (BS, TPD, D); embeddings: (G, K, D); count: (G, K)
    BS_, TPD_, D = x.shape
    G, K, _ = embeddings.shape
    # x.view(-1, num_group, code_dim).permute(1, 0, 2) -> (G, N, D)
    xg = x.reshape(-1, G, D).transpose(1, 0, 2)
    N = xg.shape[1]
    # cdist per group via ||x||^2 - 2 x.e + ||e||^2 (vmapped find_nearest)
    x_sq = jnp.sum(xg * xg, axis=-1, keepdims=True)          # (G, N, 1)
    e_sq = jnp.sum(embeddings * embeddings, axis=-1)          # (G, K)
    cross = jnp.einsum('gnd,gkd->gnk', xg, embeddings)        # (G, N, K)
    dist2 = jnp.maximum(x_sq - 2.0 * cross + e_sq[:, None, :], 0.0)
    dist = jnp.sqrt(dist2)
    min_dist = jnp.min(dist, axis=-1)                         # (G, N) (discarded by torch forward)
    indices = jnp.argmin(dist, axis=-1)                       # (G, N)
    # count.scatter_add_(dim=-1, index=indices, src=ones)
    new_count = jax.vmap(lambda c, idx: c.at[idx].add(1.0))(count, indices)
    # indices.permute(1, 0) + index_offset, gather flattened codebook
    indices_t = indices.transpose(1, 0)                       # (N, G)
    index_offset = jnp.arange(G, dtype=indices_t.dtype) * K   # [0, K, 2K, 3K]
    idx_flat = (indices_t + index_offset[None, :]).reshape(-1)
    x_quant = embeddings.reshape(-1, D)[idx_flat].reshape(BS_, TPD_, D)
    indices_out = indices_t.reshape(BS_, -1)
    return (x_quant, indices_out, new_count)

if __name__ == "__main__":
    import jax
    _d = setup_inputs()
    print(jax.jit(kernel)(*tuple(_d.values())))

</pallas_src>

<mosaic_0001>
#map = affine_map<(d0, d1) -> (0)>
#map1 = affine_map<(d0, d1) -> (0, 0)>
module attributes {stable_mosaic.version = 14 : i64} {
  func.func @_sc_gather_count(%arg0: i32, %arg1: i32, %arg2: memref<65536xi32, #tpu.memory_space<hbm>>, %arg3: memref<2048x32xf32, #tpu.memory_space<hbm>>, %arg4: memref<2048xf32, #tpu.memory_space<hbm>>, %arg5: memref<16384x128xf32, #tpu.memory_space<hbm>>, %arg6: memref<2048xf32, #tpu.memory_space<hbm>>, %arg7: memref<2048xi32, #tpu.memory_space<vmem>>, %arg8: memref<1024x32xf32, #tpu.memory_space<vmem>>, %arg9: memref<256x128xf32, #tpu.memory_space<vmem>>, %arg10: memref<4096xi32, #tpu.memory_space<vmem>>, %arg11: memref<32768xf32, #tpu.memory_space<vmem>>, %arg12: memref<2048xf32, #tpu.memory_space<vmem>>, %arg13: memref<128xf32, #tpu.memory_space<vmem>>, %arg14: memref<128xf32, #tpu.memory_space<vmem>>, %arg15: memref<16x2048xf32, #tpu.memory_space<vmem_shared>>, %arg16: memref<!tpu.dma_semaphore, #tpu.memory_space<semaphore_mem>>) attributes {dimension_semantics = [#tpu.dimension_semantics<core_parallel>, #tpu.dimension_semantics<subcore_parallel>], iteration_bounds = array<i64: 2, 16>, scalar_prefetch = 0 : i64, scratch_operands = 10 : i64, tpu.core_type = #tpu.core_type<sc_vector_subcore>, window_params = [{transform_indices = #map}, {transform_indices = #map1}, {transform_indices = #map}, {transform_indices = #map1}, {transform_indices = #map}]} {
    %mul3A = arith.constant 16 : i32
    %mul3A_0 = arith.muli %arg0, %mul3A : i32
    %add3A = arith.addi %mul3A_0, %arg1 : i32
    %mul3A_1 = arith.constant 2048 : i32
    %mul3A_2 = arith.muli %add3A, %mul3A_1 : i32
    %iota3A = tpu.iota {dimensions = array<i32: 0>} : vector<16xi32>
    %jit3A = arith.constant 4 : i32
    %eq3A = arith.constant 0 : i32
    %eq3A_3 = arith.cmpi eq, %jit3A, %eq3A : i32
    %jit3A_4 = arith.constant 1 : i32
    %select_n3A = arith.select %eq3A_3, %jit3A_4, %jit3A : i32
    %rem3A = vector.broadcast %select_n3A : i32 to vector<16xi32>
    %rem3A_5 = arith.remsi %iota3A, %rem3A : vector<16xi32>
    %ne3A = arith.constant 0 : i32
    %ne3A_6 = vector.broadcast %ne3A : i32 to vector<16xi32>
    %ne3A_7 = arith.cmpi ne, %rem3A_5, %ne3A_6 : vector<16xi32>
    %lt3A = arith.constant 0 : i32
    %lt3A_8 = vector.broadcast %lt3A : i32 to vector<16xi32>
    %lt3A_9 = arith.cmpi slt, %rem3A_5, %lt3A_8 : vector<16xi32>
    %lt3A_10 = arith.constant 0 : i32
    %lt3A_11 = arith.cmpi slt, %select_n3A, %lt3A_10 : i32
    %ne3A_12 = vector.broadcast %lt3A_11 : i1 to vector<16xi1>
    %ne3A_13 = vector.broadcast %ne3A_12 : vector<16xi1> to vector<16xi1>
    %ne3A_14 = arith.xori %lt3A_9, %ne3A_13 : vector<16xi1>
    %and3A = arith.andi %ne3A_14, %ne3A_7 : vector<16xi1>
    %add3A_15 = vector.broadcast %select_n3A : i32 to vector<16xi32>
    %add3A_16 = arith.addi %rem3A_5, %add3A_15 : vector<16xi32>
    %select_n3A_17 = arith.select %and3A, %add3A_16, %rem3A_5 : vector<16xi1>, vector<16xi32>
    %mul3A_18 = arith.constant 512 : i32
    %mul3A_19 = vector.broadcast %mul3A_18 : i32 to vector<16xi32>
    %mul3A_20 = arith.muli %select_n3A_17, %mul3A_19 : vector<16xi32>
    %broadcast_in_dim3A = arith.constant 1.000000e+00 : f32
    %broadcast_in_dim3A_21 = vector.broadcast %broadcast_in_dim3A : f32 to vector<16xf32>
    %broadcast_in_dim3A_22 = arith.constant 0.000000e+00 : f32
    %broadcast_in_dim3A_23 = vector.broadcast %broadcast_in_dim3A_22 : f32 to vector<16xf32>
    "tpu.region"() ({
      %run_scoped3A = tpu.sem_alloc : memref<!tpu.dma_semaphore, #tpu.memory_space<semaphore_mem>>
      %dma_start3A_314 = tpu.memref_slice %arg2[%mul3A_2] : memref<65536xi32, #tpu.memory_space<hbm>> -> memref<2048xi32, #tpu.memory_space<hbm>>
      %dma_start3A_315 = tpu.memref_slice %arg2[%mul3A_2] : memref<65536xi32, #tpu.memory_space<hbm>> -> memref<2048xi32, #tpu.memory_space<hbm>>
      tpu.enqueue_dma source(%dma_start3A_315 : memref<2048xi32, #tpu.memory_space<hbm>>) target(%arg7 : memref<2048xi32, #tpu.memory_space<vmem>>) target_semaphore(%run_scoped3A : memref<!tpu.dma_semaphore, #tpu.memory_space<semaphore_mem>>)
      %dma_wait3A_316 = tpu.memref_slice %arg2[%mul3A_2] : memref<65536xi32, #tpu.memory_space<hbm>> -> memref<2048xi32, #tpu.memory_space<hbm>>
      %dma_wait3A_317 = tpu.memref_slice %arg2[%mul3A_2] : memref<65536xi32, #tpu.memory_space<hbm>> -> memref<2048xi32, #tpu.memory_space<hbm>>
      tpu.wait_dma2 semaphore(%run_scoped3A : memref<!tpu.dma_semaphore, #tpu.memory_space<semaphore_mem>>) src(%dma_wait3A_317 : memref<2048xi32, #tpu.memory_space<hbm>>) dst(%arg7 : memref<2048xi32, #tpu.memory_space<vmem>>)
      tpu.yield
    }) : () -> ()
    %scan3A = arith.constant 0 : i32
    %scan3A_24 = arith.constant 0 : i32
    %scan3A_25 = arith.constant 128 : i32
    %scan3A_26 = arith.addi %scan3A_24, %scan3A_25 : i32
    %scan3A_27 = arith.constant 1 : i32
    %scan3A_28 = scf.for %scan3A_314 = %scan3A_24 to %scan3A_26 step %scan3A_27 iter_args(%scan3A_315 = %scan3A) -> (i32)  : i32 {
      %mul3A_316 = arith.constant 16 : i32
      %mul3A_317 = arith.muli %scan3A_314, %mul3A_316 : i32
      %get3A = arith.index_cast %mul3A_317 : i32 to index
      %get3A_318 = tpu.vector_load %arg7[%get3A] {strides = array<i32>} : memref<2048xi32, #tpu.memory_space<vmem>>, vector<16xi32>,
      %add3A_319 = arith.addi %get3A_318, %mul3A_20 : vector<16xi32>
      %swap3A = arith.index_cast %mul3A_317 : i32 to index
      %swap3A_320 = tpu.vector_load %arg7[%swap3A] {strides = array<i32>} : memref<2048xi32, #tpu.memory_space<vmem>>, vector<16xi32>,
      tpu.vector_store %arg7[%swap3A], %add3A_319 {strides = array<i32>} : memref<2048xi32, #tpu.memory_space<vmem>>, vector<16xi32>,
      %scan3A_321 = arith.constant 0 : i32
      scf.yield %scan3A_321 : i32
    }
    %scan3A_29 = arith.constant 128 : i32
    %dma_start3A = arith.constant 0 : i32
    %dma_start3A_30 = arith.constant 0 : i32
    %dma_start3A_31 = tpu.memref_slice %arg8[%dma_start3A, %dma_start3A_30] : memref<1024x32xf32, #tpu.memory_space<vmem>> -> memref<128x32xf32, #tpu.memory_space<vmem>>
    %dma_start3A_32 = arith.constant 0 : i32
    %dma_start3A_33 = tpu.memref_slice %arg7[%dma_start3A_32] : memref<2048xi32, #tpu.memory_space<vmem>> -> memref<128xi32, #tpu.memory_space<vmem>>
    %dma_start3A_34 = arith.constant 0 : i32
    %dma_start3A_35 = arith.constant 0 : i32
    %dma_start3A_36 = tpu.memref_slice %arg3[%dma_start3A_34, %dma_start3A_35] : memref<2048x32xf32, #tpu.memory_space<hbm>> -> memref<2048x32xf32, #tpu.memory_space<hbm>>
    tpu.enqueue_indirect_dma source(%dma_start3A_36 : memref<2048x32xf32, #tpu.memory_space<hbm>>) target(%dma_start3A_31 : memref<128x32xf32, #tpu.memory_space<vmem>>) offsets(%dma_start3A_33 : memref<128xi32, #tpu.memory_space<vmem>>) semaphore(%arg16 : memref<!tpu.dma_semaphore, #tpu.memory_space<semaphore_mem>>)
    %dma_start3A_37 = arith.constant 128 : i32
    %dma_start3A_38 = arith.constant 0 : i32
    %dma_start3A_39 = tpu.memref_slice %arg8[%dma_start3A_37, %dma_start3A_38] : memref<1024x32xf32, #tpu.memory_space<vmem>> -> memref<128x32xf32, #tpu.memory_space<vmem>>
    %dma_start3A_40 = arith.constant 128 : i32
    %dma_start3A_41 = tpu.memref_slice %arg7[%dma_start3A_40] : memref<2048xi32, #tpu.memory_space<vmem>> -> memref<128xi32, #tpu.memory_space<vmem>>
    %dma_start3A_42 = arith.constant 0 : i32
    %dma_start3A_43 = arith.constant 0 : i32
    %dma_start3A_44 = tpu.memref_slice %arg3[%dma_start3A_42, %dma_start3A_43] : memref<2048x32xf32, #tpu.memory_space<hbm>> -> memref<2048x32xf32, #tpu.memory_space<hbm>>
    tpu.enqueue_indirect_dma source(%dma_start3A_44 : memref<2048x32xf32, #tpu.memory_space<hbm>>) target(%dma_start3A_39 : memref<128x32xf32, #tpu.memory_space<vmem>>) offsets(%dma_start3A_41 : memref<128xi32, #tpu.memory_space<vmem>>) semaphore(%arg16 : memref<!tpu.dma_semaphore, #tpu.memory_space<semaphore_mem>>)
    %dma_start3A_45 = arith.constant 256 : i32
    %dma_start3A_46 = arith.constant 0 : i32
    %dma_start3A_47 = tpu.memref_slice %arg8[%dma_start3A_45, %dma_start3A_46] : memref<1024x32xf32, #tpu.memory_space<vmem>> -> memref<128x32xf32, #tpu.memory_space<vmem>>
    %dma_start3A_48 = arith.constant 256 : i32
    %dma_start3A_49 = tpu.memref_slice %arg7[%dma_start3A_48] : memref<2048xi32, #tpu.memory_space<vmem>> -> memref<128xi32, #tpu.memory_space<vmem>>
    %dma_start3A_50 = arith.constant 0 : i32
    %dma_start3A_51 = arith.constant 0 : i32
    %dma_start3A_52 = tpu.memref_slice %arg3[%dma_start3A_50, %dma_start3A_51] : memref<2048x32xf32, #tpu.memory_space<hbm>> -> memref<2048x32xf32, #tpu.memory_space<hbm>>
    tpu.enqueue_indirect_dma source(%dma_start3A_52 : memref<2048x32xf32, #tpu.memory_space<hbm>>) target(%dma_start3A_47 : memref<128x32xf32, #tpu.memory_space<vmem>>) offsets(%dma_start3A_49 : memref<128xi32, #tpu.memory_space<vmem>>) semaphore(%arg16 : memref<!tpu.dma_semaphore, #tpu.memory_space<semaphore_mem>>)
    %dma_start3A_53 = arith.constant 384 : i32
    %dma_start3A_54 = arith.constant 0 : i32
    %dma_start3A_55 = tpu.memref_slice %arg8[%dma_start3A_53, %dma_start3A_54] : memref<1024x32xf32, #tpu.memory_space<vmem>> -> memref<128x32xf32, #tpu.memory_space<vmem>>
    %dma_start3A_56 = arith.constant 384 : i32
    %dma_start3A_57 = tpu.memref_slice %arg7[%dma_start3A_56] : memref<2048xi32, #tpu.memory_space<vmem>> -> memref<128xi32, #tpu.memory_space<vmem>>
    %dma_start3A_58 = arith.constant 0 : i32
    %dma_start3A_59 = arith.constant 0 : i32
    %dma_start3A_60 = tpu.memref_slice %arg3[%dma_start3A_58, %dma_start3A_59] : memref<2048x32xf32, #tpu.memory_space<hbm>> -> memref<2048x32xf32, #tpu.memory_space<hbm>>
    tpu.enqueue_indirect_dma source(%dma_start3A_60 : memref<2048x32xf32, #tpu.memory_space<hbm>>) target(%dma_start3A_55 : memref<128x32xf32, #tpu.memory_space<vmem>>) offsets(%dma_start3A_57 : memref<128xi32, #tpu.memory_space<vmem>>) semaphore(%arg16 : memref<!tpu.dma_semaphore, #tpu.memory_space<semaphore_mem>>)
    %dma_start3A_61 = arith.constant 512 : i32
    %dma_start3A_62 = arith.constant 0 : i32
    %dma_start3A_63 = tpu.memref_slice %arg8[%dma_start3A_61, %dma_start3A_62] : memref<1024x32xf32, #tpu.memory_space<vmem>> -> memref<128x32xf32, #tpu.memory_space<vmem>>
    %dma_start3A_64 = arith.constant 512 : i32
    %dma_start3A_65 = tpu.memref_slice %arg7[%dma_start3A_64] : memref<2048xi32, #tpu.memory_space<vmem>> -> memref<128xi32, #tpu.memory_space<vmem>>
    %dma_start3A_66 = arith.constant 0 : i32
    %dma_start3A_67 = arith.constant 0 : i32
    %dma_start3A_68 = tpu.memref_slice %arg3[%dma_start3A_66, %dma_start3A_67] : memref<2048x32xf32, #tpu.memory_space<hbm>> -> memref<2048x32xf32, #tpu.memory_space<hbm>>
    tpu.enqueue_indirect_dma source(%dma_start3A_68 : memref<2048x32xf32, #tpu.memory_space<hbm>>) target(%dma_start3A_63 : memref<128x32xf32, #tpu.memory_space<vmem>>) offsets(%dma_start3A_65 : memref<128xi32, #tpu.memory_space<vmem>>) semaphore(%arg16 : memref<!tpu.dma_semaphore, #tpu.memory_space<semaphore_mem>>)
    %dma_start3A_69 = arith.constant 640 : i32
    %dma_start3A_70 = arith.constant 0 : i32
    %dma_start3A_71 = tpu.memref_slice %arg8[%dma_start3A_69, %dma_start3A_70] : memref<1024x32xf32, #tpu.memory_space<vmem>> -> memref<128x32xf32, #tpu.memory_space<vmem>>
    %dma_start3A_72 = arith.constant 640 : i32
    %dma_start3A_73 = tpu.memref_slice %arg7[%dma_start3A_72] : memref<2048xi32, #tpu.memory_space<vmem>> -> memref<128xi32, #tpu.memory_space<vmem>>
    %dma_start3A_74 = arith.constant 0 : i32
    %dma_start3A_75 = arith.constant 0 : i32
    %dma_start3A_76 = tpu.memref_slice %arg3[%dma_start3A_74, %dma_start3A_75] : memref<2048x32xf32, #tpu.memory_space<hbm>> -> memref<2048x32xf32, #tpu.memory_space<hbm>>
    tpu.enqueue_indirect_dma source(%dma_start3A_76 : memref<2048x32xf32, #tpu.memory_space<hbm>>) target(%dma_start3A_71 : memref<128x32xf32, #tpu.memory_space<vmem>>) offsets(%dma_start3A_73 : memref<128xi32, #tpu.memory_space<vmem>>) semaphore(%arg16 : memref<!tpu.dma_semaphore, #tpu.memory_space<semaphore_mem>>)
    %dma_start3A_77 = arith.constant 768 : i32
    %dma_start3A_78 = arith.constant 0 : i32
    %dma_start3A_79 = tpu.memref_slice %arg8[%dma_start3A_77, %dma_start3A_78] : memref<1024x32xf32, #tpu.memory_space<vmem>> -> memref<128x32xf32, #tpu.memory_space<vmem>>
    %dma_start3A_80 = arith.constant 768 : i32
    %dma_start3A_81 = tpu.memref_slice %arg7[%dma_start3A_80] : memref<2048xi32, #tpu.memory_space<vmem>> -> memref<128xi32, #tpu.memory_space<vmem>>
    %dma_start3A_82 = arith.constant 0 : i32
    %dma_start3A_83 = arith.constant 0 : i32
    %dma_start3A_84 = tpu.memref_slice %arg3[%dma_start3A_82, %dma_start3A_83] : memref<2048x32xf32, #tpu.memory_space<hbm>> -> memref<2048x32xf32, #tpu.memory_space<hbm>>
    tpu.enqueue_indirect_dma source(%dma_start3A_84 : memref<2048x32xf32, #tpu.memory_space<hbm>>) target(%dma_start3A_79 : memref<128x32xf32, #tpu.memory_space<vmem>>) offsets(%dma_start3A_81 : memref<128xi32, #tpu.memory_space<vmem>>) semaphore(%arg16 : memref<!tpu.dma_semaphore, #tpu.memory_space<semaphore_mem>>)
    %dma_start3A_85 = arith.constant 896 : i32
    %dma_start3A_86 = arith.constant 0 : i32
    %dma_start3A_87 = tpu.memref_slice %arg8[%dma_start3A_85, %dma_start3A_86] : memref<1024x32xf32, #tpu.memory_space<vmem>> -> memref<128x32xf32, #tpu.memory_space<vmem>>
    %dma_start3A_88 = arith.constant 896 : i32
    %dma_start3A_89 = tpu.memref_slice %arg7[%dma_start3A_88] : memref<2048xi32, #tpu.memory_space<vmem>> -> memref<128xi32, #tpu.memory_space<vmem>>
    %dma_start3A_90 = arith.constant 0 : i32
    %dma_start3A_91 = arith.constant 0 : i32
    %dma_start3A_92 = tpu.memref_slice %arg3[%dma_start3A_90, %dma_start3A_91] : memref<2048x32xf32, #tpu.memory_space<hbm>> -> memref<2048x32xf32, #tpu.memory_space<hbm>>
    tpu.enqueue_indirect_dma source(%dma_start3A_92 : memref<2048x32xf32, #tpu.memory_space<hbm>>) target(%dma_start3A_87 : memref<128x32xf32, #tpu.memory_space<vmem>>) offsets(%dma_start3A_89 : memref<128xi32, #tpu.memory_space<vmem>>) semaphore(%arg16 : memref<!tpu.dma_semaphore, #tpu.memory_space<semaphore_mem>>)
    %eq3A_93 = arith.constant 0 : i32
    %eq3A_94 = arith.cmpi eq, %arg0, %eq3A_93 : i32
    %convert_element_type3A = arith.extui %eq3A_94 : i1 to i32
    %cond3A = arith.constant 0 : i32
    %cond3A_95 = arith.cmpi ne, %convert_element_type3A, %cond3A : i32
    scf.if %cond3A_95 {
      %scan3A_314 = arith.constant 0 : i32
      %scan3A_315 = arith.constant 0 : i32
      %scan3A_316 = arith.constant 2048 : i32
      %scan3A_317 = arith.addi %scan3A_315, %scan3A_316 : i32
      %scan3A_318 = arith.constant 1 : i32
      %scan3A_319 = scf.for %scan3A_337 = %scan3A_315 to %scan3A_317 step %scan3A_318 iter_args(%scan3A_338 = %scan3A_314) -> (i32)  : i32 {
        %mul3A_339 = arith.constant 16 : i32
        %mul3A_340 = arith.muli %scan3A_337, %mul3A_339 : i32
        %swap3A = arith.index_cast %mul3A_340 : i32 to index
        %swap3A_341 = tpu.vector_load %arg11[%swap3A] {strides = array<i32>} : memref<32768xf32, #tpu.memory_space<vmem>>, vector<16xf32>,
        tpu.vector_store %arg11[%swap3A], %broadcast_in_dim3A_23 {strides = array<i32>} : memref<32768xf32, #tpu.memory_space<vmem>>, vector<16xf32>,
        %scan3A_342 = arith.constant 0 : i32
        scf.yield %scan3A_342 : i32
      }
      %scan3A_320 = arith.constant 2048 : i32
      %mul3A_321 = arith.constant 4096 : i32
      %mul3A_322 = arith.muli %arg1, %mul3A_321 : i32
      "tpu.region"() ({
        %run_scoped3A = tpu.sem_alloc : memref<!tpu.dma_semaphore, #tpu.memory_space<semaphore_mem>>
        %dma_start3A_337 = tpu.memref_slice %arg2[%mul3A_322] : memref<65536xi32, #tpu.memory_space<hbm>> -> memref<4096xi32, #tpu.memory_space<hbm>>
        %dma_start3A_338 = tpu.memref_slice %arg2[%mul3A_322] : memref<65536xi32, #tpu.memory_space<hbm>> -> memref<4096xi32, #tpu.memory_space<hbm>>
        tpu.enqueue_dma source(%dma_start3A_338 : memref<4096xi32, #tpu.memory_space<hbm>>) target(%arg10 : memref<4096xi32, #tpu.memory_space<vmem>>) target_semaphore(%run_scoped3A : memref<!tpu.dma_semaphore, #tpu.memory_space<semaphore_mem>>)
        %dma_wait3A_339 = tpu.memref_slice %arg2[%mul3A_322] : memref<65536xi32, #tpu.memory_space<hbm>> -> memref<4096xi32, #tpu.memory_space<hbm>>
        %dma_wait3A_340 = tpu.memref_slice %arg2[%mul3A_322] : memref<65536xi32, #tpu.memory_space<hbm>> -> memref<4096xi32, #tpu.memory_space<hbm>>
        tpu.wait_dma2 semaphore(%run_scoped3A : memref<!tpu.dma_semaphore, #tpu.memory_space<semaphore_mem>>) src(%dma_wait3A_340 : memref<4096xi32, #tpu.memory_space<hbm>>) dst(%arg10 : memref<4096xi32, #tpu.memory_space<vmem>>)
        tpu.yield
      }) : () -> ()
      %scan3A_323 = arith.constant 0 : i32
      %scan3A_324 = arith.constant 0 : i32
      %scan3A_325 = arith.constant 256 : i32
      %scan3A_326 = arith.addi %scan3A_324, %scan3A_325 : i32
      %scan3A_327 = arith.constant 1 : i32
      %scan3A_328 = scf.for %scan3A_337 = %scan3A_324 to %scan3A_326 step %scan3A_327 iter_args(%scan3A_338 = %scan3A_323) -> (i32)  : i32 {
        %mul3A_339 = arith.constant 16 : i32
        %mul3A_340 = arith.muli %scan3A_337, %mul3A_339 : i32
        %get3A = arith.index_cast %mul3A_340 : i32 to index
        %get3A_341 = tpu.vector_load %arg10[%get3A] {strides = array<i32>} : memref<4096xi32, #tpu.memory_space<vmem>>, vector<16xi32>,
        %add3A_342 = arith.addi %get3A_341, %mul3A_20 : vector<16xi32>
        %mul3A_343 = arith.constant 2048 : i32
        %mul3A_344 = vector.broadcast %mul3A_343 : i32 to vector<16xi32>
        %mul3A_345 = arith.muli %iota3A, %mul3A_344 : vector<16xi32>
        %add3A_346 = arith.addi %mul3A_345, %add3A_342 : vector<16xi32>
        tpu.vector_store_idx %arg11[%add3A_346], %broadcast_in_dim3A_21 {add = true} : memref<32768xf32, #tpu.memory_space<vmem>>[vector<16xi32>], vector<16xf32>,
        %scan3A_347 = arith.constant 0 : i32
        scf.yield %scan3A_347 : i32
      }
      %scan3A_329 = arith.constant 256 : i32
      %scan3A_330 = arith.constant 0 : i32
      %scan3A_331 = arith.constant 0 : i32
      %scan3A_332 = arith.constant 128 : i32
      %scan3A_333 = arith.addi %scan3A_331, %scan3A_332 : i32
      %scan3A_334 = arith.constant 1 : i32
      %scan3A_335 = scf.for %scan3A_337 = %scan3A_331 to %scan3A_333 step %scan3A_334 iter_args(%scan3A_338 = %scan3A_330) -> (i32)  : i32 {
        %mul3A_339 = arith.constant 16 : i32
        %mul3A_340 = arith.muli %scan3A_337, %mul3A_339 : i32
        %add3A_341 = arith.constant 0 : i32
        %add3A_342 = arith.addi %add3A_341, %mul3A_340 : i32
        %get3A = arith.index_cast %add3A_342 : i32 to index
        %get3A_343 = tpu.vector_load %arg11[%get3A] {strides = array<i32>} : memref<32768xf32, #tpu.memory_space<vmem>>, vector<16xf32>,
        %add3A_344 = arith.addf %broadcast_in_dim3A_23, %get3A_343 : vector<16xf32>
        %mul3A_345 = arith.constant 16 : i32
        %mul3A_346 = arith.muli %scan3A_337, %mul3A_345 : i32
        %add3A_347 = arith.constant 2048 : i32
        %add3A_348 = arith.addi %add3A_347, %mul3A_346 : i32
        %get3A_349 = arith.index_cast %add3A_348 : i32 to index
        %get3A_350 = tpu.vector_load %arg11[%get3A_349] {strides = array<i32>} : memref<32768xf32, #tpu.memory_space<vmem>>, vector<16xf32>,
        %add3A_351 = arith.addf %add3A_344, %get3A_350 : vector<16xf32>
        %mul3A_352 = arith.constant 16 : i32
        %mul3A_353 = arith.muli %scan3A_337, %mul3A_352 : i32
        %add3A_354 = arith.constant 4096 : i32
        %add3A_355 = arith.addi %add3A_354, %mul3A_353 : i32
        %get3A_356 = arith.index_cast %add3A_355 : i32 to index
        %get3A_357 = tpu.vector_load %arg11[%get3A_356] {strides = array<i32>} : memref<32768xf32, #tpu.memory_space<vmem>>, vector<16xf32>,
        %add3A_358 = arith.addf %add3A_351, %get3A_357 : vector<16xf32>
        %mul3A_359 = arith.constant 16 : i32
        %mul3A_360 = arith.muli %scan3A_337, %mul3A_359 : i32
        %add3A_361 = arith.constant 6144 : i32
        %add3A_362 = arith.addi %add3A_361, %mul3A_360 : i32
        %get3A_363 = arith.index_cast %add3A_362 : i32 to index
        %get3A_364 = tpu.vector_load %arg11[%get3A_363] {strides = array<i32>} : memref<32768xf32, #tpu.memory_space<vmem>>, vector<16xf32>,
        %add3A_365 = arith.addf %add3A_358, %get3A_364 : vector<16xf32>
        %mul3A_366 = arith.constant 16 : i32
        %mul3A_367 = arith.muli %scan3A_337, %mul3A_366 : i32
        %add3A_368 = arith.constant 8192 : i32
        %add3A_369 = arith.addi %add3A_368, %mul3A_367 : i32
        %get3A_370 = arith.index_cast %add3A_369 : i32 to index
        %get3A_371 = tpu.vector_load %arg11[%get3A_370] {strides = array<i32>} : memref<32768xf32, #tpu.memory_space<vmem>>, vector<16xf32>,
        %add3A_372 = arith.addf %add3A_365, %get3A_371 : vector<16xf32>
        %mul3A_373 = arith.constant 16 : i32
        %mul3A_374 = arith.muli %scan3A_337, %mul3A_373 : i32
        %add3A_375 = arith.constant 10240 : i32
        %add3A_376 = arith.addi %add3A_375, %mul3A_374 : i32
        %get3A_377 = arith.index_cast %add3A_376 : i32 to index
        %get3A_378 = tpu.vector_load %arg11[%get3A_377] {strides = array<i32>} : memref<32768xf32, #tpu.memory_space<vmem>>, vector<16xf32>,
        %add3A_379 = arith.addf %add3A_372, %get3A_378 : vector<16xf32>
        %mul3A_380 = arith.constant 16 : i32
        %mul3A_381 = arith.muli %scan3A_337, %mul3A_380 : i32
        %add3A_382 = arith.constant 12288 : i32
        %add3A_383 = arith.addi %add3A_382, %mul3A_381 : i32
        %get3A_384 = arith.index_cast %add3A_383 : i32 to index
        %get3A_385 = tpu.vector_load %arg11[%get3A_384] {strides = array<i32>} : memref<32768xf32, #tpu.memory_space<vmem>>, vector<16xf32>,
        %add3A_386 = arith.addf %add3A_379, %get3A_385 : vector<16xf32>
        %mul3A_387 = arith.constant 16 : i32
        %mul3A_388 = arith.muli %scan3A_337, %mul3A_387 : i32
        %add3A_389 = arith.constant 14336 : i32
        %add3A_390 = arith.addi %add3A_389, %mul3A_388 : i32
        %get3A_391 = arith.index_cast %add3A_390 : i32 to index
        %get3A_392 = tpu.vector_load %arg11[%get3A_391] {strides = array<i32>} : memref<32768xf32, #tpu.memory_space<vmem>>, vector<16xf32>,
        %add3A_393 = arith.addf %add3A_386, %get3A_392 : vector<16xf32>
        %mul3A_394 = arith.constant 16 : i32
        %mul3A_395 = arith.muli %scan3A_337, %mul3A_394 : i32
        %add3A_396 = arith.constant 16384 : i32
        %add3A_397 = arith.addi %add3A_396, %mul3A_395 : i32
        %get3A_398 = arith.index_cast %add3A_397 : i32 to index
        %get3A_399 = tpu.vector_load %arg11[%get3A_398] {strides = array<i32>} : memref<32768xf32, #tpu.memory_space<vmem>>, vector<16xf32>,
        %add3A_400 = arith.addf %add3A_393, %get3A_399 : vector<16xf32>
        %mul3A_401 = arith.constant 16 : i32
        %mul3A_402 = arith.muli %scan3A_337, %mul3A_401 : i32
        %add3A_403 = arith.constant 18432 : i32
        %add3A_404 = arith.addi %add3A_403, %mul3A_402 : i32
        %get3A_405 = arith.index_cast %add3A_404 : i32 to index
        %get3A_406 = tpu.vector_load %arg11[%get3A_405] {strides = array<i32>} : memref<32768xf32, #tpu.memory_space<vmem>>, vector<16xf32>,
        %add3A_407 = arith.addf %add3A_400, %get3A_406 : vector<16xf32>
        %mul3A_408 = arith.constant 16 : i32
        %mul3A_409 = arith.muli %scan3A_337, %mul3A_408 : i32
        %add3A_410 = arith.constant 20480 : i32
        %add3A_411 = arith.addi %add3A_410, %mul3A_409 : i32
        %get3A_412 = arith.index_cast %add3A_411 : i32 to index
        %get3A_413 = tpu.vector_load %arg11[%get3A_412] {strides = array<i32>} : memref<32768xf32, #tpu.memory_space<vmem>>, vector<16xf32>,
        %add3A_414 = arith.addf %add3A_407, %get3A_413 : vector<16xf32>
        %mul3A_415 = arith.constant 16 : i32
        %mul3A_416 = arith.muli %scan3A_337, %mul3A_415 : i32
        %add3A_417 = arith.constant 22528 : i32
        %add3A_418 = arith.addi %add3A_417, %mul3A_416 : i32
        %get3A_419 = arith.index_cast %add3A_418 : i32 to index
        %get3A_420 = tpu.vector_load %arg11[%get3A_419] {strides = array<i32>} : memref<32768xf32, #tpu.memory_space<vmem>>, vector<16xf32>,
        %add3A_421 = arith.addf %add3A_414, %get3A_420 : vector<16xf32>
        %mul3A_422 = arith.constant 16 : i32
        %mul3A_423 = arith.muli %scan3A_337, %mul3A_422 : i32
        %add3A_424 = arith.constant 24576 : i32
        %add3A_425 = arith.addi %add3A_424, %mul3A_423 : i32
        %get3A_426 = arith.index_cast %add3A_425 : i32 to index
        %get3A_427 = tpu.vector_load %arg11[%get3A_426] {strides = array<i32>} : memref<32768xf32, #tpu.memory_space<vmem>>, vector<16xf32>,
        %add3A_428 = arith.addf %add3A_421, %get3A_427 : vector<16xf32>
        %mul3A_429 = arith.constant 16 : i32
        %mul3A_430 = arith.muli %scan3A_337, %mul3A_429 : i32
        %add3A_431 = arith.constant 26624 : i32
        %add3A_432 = arith.addi %add3A_431, %mul3A_430 : i32
        %get3A_433 = arith.index_cast %add3A_432 : i32 to index
        %get3A_434 = tpu.vector_load %arg11[%get3A_433] {strides = array<i32>} : memref<32768xf32, #tpu.memory_space<vmem>>, vector<16xf32>,
        %add3A_435 = arith.addf %add3A_428, %get3A_434 : vector<16xf32>
        %mul3A_436 = arith.constant 16 : i32
        %mul3A_437 = arith.muli %scan3A_337, %mul3A_436 : i32
        %add3A_438 = arith.constant 28672 : i32
        %add3A_439 = arith.addi %add3A_438, %mul3A_437 : i32
        %get3A_440 = arith.index_cast %add3A_439 : i32 to index
        %get3A_441 = tpu.vector_load %arg11[%get3A_440] {strides = array<i32>} : memref<32768xf32, #tpu.memory_space<vmem>>, vector<16xf32>,
        %add3A_442 = arith.addf %add3A_435, %get3A_441 : vector<16xf32>
        %mul3A_443 = arith.constant 16 : i32
        %mul3A_444 = arith.muli %scan3A_337, %mul3A_443 : i32
        %add3A_445 = arith.constant 30720 : i32
        %add3A_446 = arith.addi %add3A_445, %mul3A_444 : i32
        %get3A_447 = arith.index_cast %add3A_446 : i32 to index
        %get3A_448 = tpu.vector_load %arg11[%get3A_447] {strides = array<i32>} : memref<32768xf32, #tpu.memory_space<vmem>>, vector<16xf32>,
        %add3A_449 = arith.addf %add3A_442, %get3A_448 : vector<16xf32>
        %mul3A_450 = arith.constant 16 : i32
        %mul3A_451 = arith.muli %scan3A_337, %mul3A_450 : i32
        %swap3A = arith.index_cast %mul3A_451 : i32 to index
        %swap3A_452 = tpu.vector_load %arg12[%swap3A] {strides = array<i32>} : memref<2048xf32, #tpu.memory_space<vmem>>, vector<16xf32>,
        tpu.vector_store %arg12[%swap3A], %add3A_449 {strides = array<i32>} : memref<2048xf32, #tpu.memory_space<vmem>>, vector<16xf32>,
        %scan3A_453 = arith.constant 0 : i32
        scf.yield %scan3A_453 : i32
      }
      %scan3A_336 = arith.constant 128 : i32
      "tpu.region"() ({
        %run_scoped3A = tpu.sem_alloc : memref<!tpu.dma_semaphore, #tpu.memory_space<semaphore_mem>>
        %dma_start3A_337 = arith.constant 0 : i32
        %dma_start3A_338 = tpu.memref_slice %arg15[%arg1, %dma_start3A_337] : memref<16x2048xf32, #tpu.memory_space<vmem_shared>> -> memref<1x2048xf32, #tpu.memory_space<vmem_shared>>
        %dma_start3A_339 = tpu.memref_squeeze %dma_start3A_338 : memref<1x2048xf32, #tpu.memory_space<vmem_shared>> -> memref<2048xf32, #tpu.memory_space<vmem_shared>>
        %dma_start3A_340 = arith.constant 0 : i32
        %dma_start3A_341 = tpu.memref_slice %arg15[%arg1, %dma_start3A_340] : memref<16x2048xf32, #tpu.memory_space<vmem_shared>> -> memref<1x2048xf32, #tpu.memory_space<vmem_shared>>
        %dma_start3A_342 = tpu.memref_squeeze %dma_start3A_341 : memref<1x2048xf32, #tpu.memory_space<vmem_shared>> -> memref<2048xf32, #tpu.memory_space<vmem_shared>>
        tpu.enqueue_dma source(%arg12 : memref<2048xf32, #tpu.memory_space<vmem>>) target(%dma_start3A_342 : memref<2048xf32, #tpu.memory_space<vmem_shared>>) target_semaphore(%run_scoped3A : memref<!tpu.dma_semaphore, #tpu.memory_space<semaphore_mem>>)
        %dma_wait3A_343 = arith.constant 0 : i32
        %dma_wait3A_344 = tpu.memref_slice %arg15[%arg1, %dma_wait3A_343] : memref<16x2048xf32, #tpu.memory_space<vmem_shared>> -> memref<1x2048xf32, #tpu.memory_space<vmem_shared>>
        %dma_wait3A_345 = tpu.memref_squeeze %dma_wait3A_344 : memref<1x2048xf32, #tpu.memory_space<vmem_shared>> -> memref<2048xf32, #tpu.memory_space<vmem_shared>>
        %dma_wait3A_346 = arith.constant 0 : i32
        %dma_wait3A_347 = tpu.memref_slice %arg15[%arg1, %dma_wait3A_346] : memref<16x2048xf32, #tpu.memory_space<vmem_shared>> -> memref<1x2048xf32, #tpu.memory_space<vmem_shared>>
        %dma_wait3A_348 = tpu.memref_squeeze %dma_wait3A_347 : memref<1x2048xf32, #tpu.memory_space<vmem_shared>> -> memref<2048xf32, #tpu.memory_space<vmem_shared>>
        tpu.wait_dma2 semaphore(%run_scoped3A : memref<!tpu.dma_semaphore, #tpu.memory_space<semaphore_mem>>) src(%arg12 : memref<2048xf32, #tpu.memory_space<vmem>>) dst(%dma_wait3A_348 : memref<2048xf32, #tpu.memory_space<vmem_shared>>)
        tpu.yield
      }) : () -> ()
    } else {
    }
    %dma_wait3A = arith.constant 0 : i32
    %dma_wait3A_96 = arith.constant 0 : i32
    %dma_wait3A_97 = tpu.memref_slice %arg8[%dma_wait3A, %dma_wait3A_96] : memref<1024x32xf32, #tpu.memory_space<vmem>> -> memref<128x32xf32, #tpu.memory_space<vmem>>
    %dma_wait3A_98 = arith.constant 0 : i32
    %dma_wait3A_99 = tpu.memref_slice %arg7[%dma_wait3A_98] : memref<2048xi32, #tpu.memory_space<vmem>> -> memref<128xi32, #tpu.memory_space<vmem>>
    %dma_wait3A_100 = arith.constant 0 : i32
    %dma_wait3A_101 = arith.constant 0 : i32
    %dma_wait3A_102 = tpu.memref_slice %arg3[%dma_wait3A_100, %dma_wait3A_101] : memref<2048x32xf32, #tpu.memory_space<hbm>> -> memref<2048x32xf32, #tpu.memory_space<hbm>>
    tpu.wait_indirect_dma semaphore(%arg16 : memref<!tpu.dma_semaphore, #tpu.memory_space<semaphore_mem>>) src(%dma_wait3A_102 : memref<2048x32xf32, #tpu.memory_space<hbm>>) dst(%dma_wait3A_97 : memref<128x32xf32, #tpu.memory_space<vmem>>)
    %dma_wait3A_103 = arith.constant 128 : i32
    %dma_wait3A_104 = arith.constant 0 : i32
    %dma_wait3A_105 = tpu.memref_slice %arg8[%dma_wait3A_103, %dma_wait3A_104] : memref<1024x32xf32, #tpu.memory_space<vmem>> -> memref<128x32xf32, #tpu.memory_space<vmem>>
    %dma_wait3A_106 = arith.constant 128 : i32
    %dma_wait3A_107 = tpu.memref_slice %arg7[%dma_wait3A_106] : memref<2048xi32, #tpu.memory_space<vmem>> -> memref<128xi32, #tpu.memory_space<vmem>>
    %dma_wait3A_108 = arith.constant 0 : i32
    %dma_wait3A_109 = arith.constant 0 : i32
    %dma_wait3A_110 = tpu.memref_slice %arg3[%dma_wait3A_108, %dma_wait3A_109] : memref<2048x32xf32, #tpu.memory_space<hbm>> -> memref<2048x32xf32, #tpu.memory_space<hbm>>
    tpu.wait_indirect_dma semaphore(%arg16 : memref<!tpu.dma_semaphore, #tpu.memory_space<semaphore_mem>>) src(%dma_wait3A_110 : memref<2048x32xf32, #tpu.memory_space<hbm>>) dst(%dma_wait3A_105 : memref<128x32xf32, #tpu.memory_space<vmem>>)
    %dma_wait3A_111 = arith.constant 256 : i32
    %dma_wait3A_112 = arith.constant 0 : i32
    %dma_wait3A_113 = tpu.memref_slice %arg8[%dma_wait3A_111, %dma_wait3A_112] : memref<1024x32xf32, #tpu.memory_space<vmem>> -> memref<128x32xf32, #tpu.memory_space<vmem>>
    %dma_wait3A_114 = arith.constant 256 : i32
    %dma_wait3A_115 = tpu.memref_slice %arg7[%dma_wait3A_114] : memref<2048xi32, #tpu.memory_space<vmem>> -> memref<128xi32, #tpu.memory_space<vmem>>
    %dma_wait3A_116 = arith.constant 0 : i32
    %dma_wait3A_117 = arith.constant 0 : i32
    %dma_wait3A_118 = tpu.memref_slice %arg3[%dma_wait3A_116, %dma_wait3A_117] : memref<2048x32xf32, #tpu.memory_space<hbm>> -> memref<2048x32xf32, #tpu.memory_space<hbm>>
    tpu.wait_indirect_dma semaphore(%arg16 : memref<!tpu.dma_semaphore, #tpu.memory_space<semaphore_mem>>) src(%dma_wait3A_118 : memref<2048x32xf32, #tpu.memory_space<hbm>>) dst(%dma_wait3A_113 : memref<128x32xf32, #tpu.memory_space<vmem>>)
    %dma_wait3A_119 = arith.constant 384 : i32
    %dma_wait3A_120 = arith.constant 0 : i32
    %dma_wait3A_121 = tpu.memref_slice %arg8[%dma_wait3A_119, %dma_wait3A_120] : memref<1024x32xf32, #tpu.memory_space<vmem>> -> memref<128x32xf32, #tpu.memory_space<vmem>>
    %dma_wait3A_122 = arith.constant 384 : i32
    %dma_wait3A_123 = tpu.memref_slice %arg7[%dma_wait3A_122] : memref<2048xi32, #tpu.memory_space<vmem>> -> memref<128xi32, #tpu.memory_space<vmem>>
    %dma_wait3A_124 = arith.constant 0 : i32
    %dma_wait3A_125 = arith.constant 0 : i32
    %dma_wait3A_126 = tpu.memref_slice %arg3[%dma_wait3A_124, %dma_wait3A_125] : memref<2048x32xf32, #tpu.memory_space<hbm>> -> memref<2048x32xf32, #tpu.memory_space<hbm>>
    tpu.wait_indirect_dma semaphore(%arg16 : memref<!tpu.dma_semaphore, #tpu.memory_space<semaphore_mem>>) src(%dma_wait3A_126 : memref<2048x32xf32, #tpu.memory_space<hbm>>) dst(%dma_wait3A_121 : memref<128x32xf32, #tpu.memory_space<vmem>>)
    %dma_wait3A_127 = arith.constant 512 : i32
    %dma_wait3A_128 = arith.constant 0 : i32
    %dma_wait3A_129 = tpu.memref_slice %arg8[%dma_wait3A_127, %dma_wait3A_128] : memref<1024x32xf32, #tpu.memory_space<vmem>> -> memref<128x32xf32, #tpu.memory_space<vmem>>
    %dma_wait3A_130 = arith.constant 512 : i32
    %dma_wait3A_131 = tpu.memref_slice %arg7[%dma_wait3A_130] : memref<2048xi32, #tpu.memory_space<vmem>> -> memref<128xi32, #tpu.memory_space<vmem>>
    %dma_wait3A_132 = arith.constant 0 : i32
    %dma_wait3A_133 = arith.constant 0 : i32
    %dma_wait3A_134 = tpu.memref_slice %arg3[%dma_wait3A_132, %dma_wait3A_133] : memref<2048x32xf32, #tpu.memory_space<hbm>> -> memref<2048x32xf32, #tpu.memory_space<hbm>>
    tpu.wait_indirect_dma semaphore(%arg16 : memref<!tpu.dma_semaphore, #tpu.memory_space<semaphore_mem>>) src(%dma_wait3A_134 : memref<2048x32xf32, #tpu.memory_space<hbm>>) dst(%dma_wait3A_129 : memref<128x32xf32, #tpu.memory_space<vmem>>)
    %dma_wait3A_135 = arith.constant 640 : i32
    %dma_wait3A_136 = arith.constant 0 : i32
    %dma_wait3A_137 = tpu.memref_slice %arg8[%dma_wait3A_135, %dma_wait3A_136] : memref<1024x32xf32, #tpu.memory_space<vmem>> -> memref<128x32xf32, #tpu.memory_space<vmem>>
    %dma_wait3A_138 = arith.constant 640 : i32
    %dma_wait3A_139 = tpu.memref_slice %arg7[%dma_wait3A_138] : memref<2048xi32, #tpu.memory_space<vmem>> -> memref<128xi32, #tpu.memory_space<vmem>>
    %dma_wait3A_140 = arith.constant 0 : i32
    %dma_wait3A_141 = arith.constant 0 : i32
    %dma_wait3A_142 = tpu.memref_slice %arg3[%dma_wait3A_140, %dma_wait3A_141] : memref<2048x32xf32, #tpu.memory_space<hbm>> -> memref<2048x32xf32, #tpu.memory_space<hbm>>
    tpu.wait_indirect_dma semaphore(%arg16 : memref<!tpu.dma_semaphore, #tpu.memory_space<semaphore_mem>>) src(%dma_wait3A_142 : memref<2048x32xf32, #tpu.memory_space<hbm>>) dst(%dma_wait3A_137 : memref<128x32xf32, #tpu.memory_space<vmem>>)
    %dma_wait3A_143 = arith.constant 768 : i32
    %dma_wait3A_144 = arith.constant 0 : i32
    %dma_wait3A_145 = tpu.memref_slice %arg8[%dma_wait3A_143, %dma_wait3A_144] : memref<1024x32xf32, #tpu.memory_space<vmem>> -> memref<128x32xf32, #tpu.memory_space<vmem>>
    %dma_wait3A_146 = arith.constant 768 : i32
    %dma_wait3A_147 = tpu.memref_slice %arg7[%dma_wait3A_146] : memref<2048xi32, #tpu.memory_space<vmem>> -> memref<128xi32, #tpu.memory_space<vmem>>
    %dma_wait3A_148 = arith.constant 0 : i32
    %dma_wait3A_149 = arith.constant 0 : i32
    %dma_wait3A_150 = tpu.memref_slice %arg3[%dma_wait3A_148, %dma_wait3A_149] : memref<2048x32xf32, #tpu.memory_space<hbm>> -> memref<2048x32xf32, #tpu.memory_space<hbm>>
    tpu.wait_indirect_dma semaphore(%arg16 : memref<!tpu.dma_semaphore, #tpu.memory_space<semaphore_mem>>) src(%dma_wait3A_150 : memref<2048x32xf32, #tpu.memory_space<hbm>>) dst(%dma_wait3A_145 : memref<128x32xf32, #tpu.memory_space<vmem>>)
    %dma_wait3A_151 = arith.constant 896 : i32
    %dma_wait3A_152 = arith.constant 0 : i32
    %dma_wait3A_153 = tpu.memref_slice %arg8[%dma_wait3A_151, %dma_wait3A_152] : memref<1024x32xf32, #tpu.memory_space<vmem>> -> memref<128x32xf32, #tpu.memory_space<vmem>>
    %dma_wait3A_154 = arith.constant 896 : i32
    %dma_wait3A_155 = tpu.memref_slice %arg7[%dma_wait3A_154] : memref<2048xi32, #tpu.memory_space<vmem>> -> memref<128xi32, #tpu.memory_space<vmem>>
    %dma_wait3A_156 = arith.constant 0 : i32
    %dma_wait3A_157 = arith.constant 0 : i32
    %dma_wait3A_158 = tpu.memref_slice %arg3[%dma_wait3A_156, %dma_wait3A_157] : memref<2048x32xf32, #tpu.memory_space<hbm>> -> memref<2048x32xf32, #tpu.memory_space<hbm>>
    tpu.wait_indirect_dma semaphore(%arg16 : memref<!tpu.dma_semaphore, #tpu.memory_space<semaphore_mem>>) src(%dma_wait3A_158 : memref<2048x32xf32, #tpu.memory_space<hbm>>) dst(%dma_wait3A_153 : memref<128x32xf32, #tpu.memory_space<vmem>>)
    %scan3A_159 = arith.constant 0 : i32
    %scan3A_160 = arith.constant 0 : i32
    %scan3A_161 = arith.constant 256 : i32
    %scan3A_162 = arith.addi %scan3A_160, %scan3A_161 : i32
    %scan3A_163 = arith.constant 1 : i32
    %scan3A_164 = scf.for %scan3A_314 = %scan3A_160 to %scan3A_162 step %scan3A_163 iter_args(%scan3A_315 = %scan3A_159) -> (i32)  : i32 {
      %mul3A_316 = arith.constant 4 : i32
      %mul3A_317 = arith.muli %mul3A_316, %scan3A_314 : i32
      %add3A_318 = arith.constant 0 : i32
      %add3A_319 = arith.addi %mul3A_317, %add3A_318 : i32
      %get3A = arith.index_cast %add3A_319 : i32 to index
      %get3A_320 = arith.constant 0 : index
      %get3A_321 = tpu.vector_load %arg8[%get3A, %get3A_320] {strides = array<i32>} : memref<1024x32xf32, #tpu.memory_space<vmem>>, vector<16xf32>,
      %swap3A = arith.index_cast %scan3A_314 : i32 to index
      %swap3A_322 = arith.constant 0 : index
      %swap3A_323 = tpu.vector_load %arg9[%swap3A, %swap3A_322] {strides = array<i32>} : memref<256x128xf32, #tpu.memory_space<vmem>>, vector<16xf32>,
      tpu.vector_store %arg9[%swap3A, %swap3A_322], %get3A_321 {strides = array<i32>} : memref<256x128xf32, #tpu.memory_space<vmem>>, vector<16xf32>,
      %mul3A_324 = arith.constant 4 : i32
      %mul3A_325 = arith.muli %mul3A_324, %scan3A_314 : i32
      %add3A_326 = arith.constant 0 : i32
      %add3A_327 = arith.addi %mul3A_325, %add3A_326 : i32
      %get3A_328 = arith.index_cast %add3A_327 : i32 to index
      %get3A_329 = arith.constant 16 : index
      %get3A_330 = tpu.vector_load %arg8[%get3A_328, %get3A_329] {strides = array<i32>} : memref<1024x32xf32, #tpu.memory_space<vmem>>, vector<16xf32>,
      %swap3A_331 = arith.index_cast %scan3A_314 : i32 to index
      %swap3A_332 = arith.constant 16 : index
      %swap3A_333 = tpu.vector_load %arg9[%swap3A_331, %swap3A_332] {strides = array<i32>} : memref<256x128xf32, #tpu.memory_space<vmem>>, vector<16xf32>,
      tpu.vector_store %arg9[%swap3A_331, %swap3A_332], %get3A_330 {strides = array<i32>} : memref<256x128xf32, #tpu.memory_space<vmem>>, vector<16xf32>,
      %mul3A_334 = arith.constant 4 : i32
      %mul3A_335 = arith.muli %mul3A_334, %scan3A_314 : i32
      %add3A_336 = arith.constant 1 : i32
      %add3A_337 = arith.addi %mul3A_335, %add3A_336 : i32
      %get3A_338 = arith.index_cast %add3A_337 : i32 to index
      %get3A_339 = arith.constant 0 : index
      %get3A_340 = tpu.vector_load %arg8[%get3A_338, %get3A_339] {strides = array<i32>} : memref<1024x32xf32, #tpu.memory_space<vmem>>, vector<16xf32>,
      %swap3A_341 = arith.index_cast %scan3A_314 : i32 to index
      %swap3A_342 = arith.constant 32 : index
      %swap3A_343 = tpu.vector_load %arg9[%swap3A_341, %swap3A_342] {strides = array<i32>} : memref<256x128xf32, #tpu.memory_space<vmem>>, vector<16xf32>,
      tpu.vector_store %arg9[%swap3A_341, %swap3A_342], %get3A_340 {strides = array<i32>} : memref<256x128xf32, #tpu.memory_space<vmem>>, vector<16xf32>,
      %mul3A_344 = arith.constant 4 : i32
      %mul3A_345 = arith.muli %mul3A_344, %scan3A_314 : i32
      %add3A_346 = arith.constant 1 : i32
      %add3A_347 = arith.addi %mul3A_345, %add3A_346 : i32
      %get3A_348 = arith.index_cast %add3A_347 : i32 to index
      %get3A_349 = arith.constant 16 : index
      %get3A_350 = tpu.vector_load %arg8[%get3A_348, %get3A_349] {strides = array<i32>} : memref<1024x32xf32, #tpu.memory_space<vmem>>, vector<16xf32>,
      %swap3A_351 = arith.index_cast %scan3A_314 : i32 to index
      %swap3A_352 = arith.constant 48 : index
      %swap3A_353 = tpu.vector_load %arg9[%swap3A_351, %swap3A_352] {strides = array<i32>} : memref<256x128xf32, #tpu.memory_space<vmem>>, vector<16xf32>,
      tpu.vector_store %arg9[%swap3A_351, %swap3A_352], %get3A_350 {strides = array<i32>} : memref<256x128xf32, #tpu.memory_space<vmem>>, vector<16xf32>,
      %mul3A_354 = arith.constant 4 : i32
      %mul3A_355 = arith.muli %mul3A_354, %scan3A_314 : i32
      %add3A_356 = arith.constant 2 : i32
      %add3A_357 = arith.addi %mul3A_355, %add3A_356 : i32
      %get3A_358 = arith.index_cast %add3A_357 : i32 to index
      %get3A_359 = arith.constant 0 : index
      %get3A_360 = tpu.vector_load %arg8[%get3A_358, %get3A_359] {strides = array<i32>} : memref<1024x32xf32, #tpu.memory_space<vmem>>, vector<16xf32>,
      %swap3A_361 = arith.index_cast %scan3A_314 : i32 to index
      %swap3A_362 = arith.constant 64 : index
      %swap3A_363 = tpu.vector_load %arg9[%swap3A_361, %swap3A_362] {strides = array<i32>} : memref<256x128xf32, #tpu.memory_space<vmem>>, vector<16xf32>,
      tpu.vector_store %arg9[%swap3A_361, %swap3A_362], %get3A_360 {strides = array<i32>} : memref<256x128xf32, #tpu.memory_space<vmem>>, vector<16xf32>,
      %mul3A_364 = arith.constant 4 : i32
      %mul3A_365 = arith.muli %mul3A_364, %scan3A_314 : i32
      %add3A_366 = arith.constant 2 : i32
      %add3A_367 = arith.addi %mul3A_365, %add3A_366 : i32
      %get3A_368 = arith.index_cast %add3A_367 : i32 to index
      %get3A_369 = arith.constant 16 : index
      %get3A_370 = tpu.vector_load %arg8[%get3A_368, %get3A_369] {strides = array<i32>} : memref<1024x32xf32, #tpu.memory_space<vmem>>, vector<16xf32>,
      %swap3A_371 = arith.index_cast %scan3A_314 : i32 to index
      %swap3A_372 = arith.constant 80 : index
      %swap3A_373 = tpu.vector_load %arg9[%swap3A_371, %swap3A_372] {strides = array<i32>} : memref<256x128xf32, #tpu.memory_space<vmem>>, vector<16xf32>,
      tpu.vector_store %arg9[%swap3A_371, %swap3A_372], %get3A_370 {strides = array<i32>} : memref<256x128xf32, #tpu.memory_space<vmem>>, vector<16xf32>,
      %mul3A_374 = arith.constant 4 : i32
      %mul3A_375 = arith.muli %mul3A_374, %scan3A_314 : i32
      %add3A_376 = arith.constant 3 : i32
      %add3A_377 = arith.addi %mul3A_375, %add3A_376 : i32
      %get3A_378 = arith.index_cast %add3A_377 : i32 to index
      %get3A_379 = arith.constant 0 : index
      %get3A_380 = tpu.vector_load %arg8[%get3A_378, %get3A_379] {strides = array<i32>} : memref<1024x32xf32, #tpu.memory_space<vmem>>, vector<16xf32>,
      %swap3A_381 = arith.index_cast %scan3A_314 : i32 to index
      %swap3A_382 = arith.constant 96 : index
      %swap3A_383 = tpu.vector_load %arg9[%swap3A_381, %swap3A_382] {strides = array<i32>} : memref<256x128xf32, #tpu.memory_space<vmem>>, vector<16xf32>,
      tpu.vector_store %arg9[%swap3A_381, %swap3A_382], %get3A_380 {strides = array<i32>} : memref<256x128xf32, #tpu.memory_space<vmem>>, vector<16xf32>,
      %mul3A_384 = arith.constant 4 : i32
      %mul3A_385 = arith.muli %mul3A_384, %scan3A_314 : i32
      %add3A_386 = arith.constant 3 : i32
      %add3A_387 = arith.addi %mul3A_385, %add3A_386 : i32
      %get3A_388 = arith.index_cast %add3A_387 : i32 to index
      %get3A_389 = arith.constant 16 : index
      %get3A_390 = tpu.vector_load %arg8[%get3A_388, %get3A_389] {strides = array<i32>} : memref<1024x32xf32, #tpu.memory_space<vmem>>, vector<16xf32>,
      %swap3A_391 = arith.index_cast %scan3A_314 : i32 to index
      %swap3A_392 = arith.constant 112 : index
      %swap3A_393 = tpu.vector_load %arg9[%swap3A_391, %swap3A_392] {strides = array<i32>} : memref<256x128xf32, #tpu.memory_space<vmem>>, vector<16xf32>,
      tpu.vector_store %arg9[%swap3A_391, %swap3A_392], %get3A_390 {strides = array<i32>} : memref<256x128xf32, #tpu.memory_space<vmem>>, vector<16xf32>,
      %scan3A_394 = arith.constant 0 : i32
      scf.yield %scan3A_394 : i32
    }
    %scan3A_165 = arith.constant 256 : i32
    %mul3A_166 = arith.constant 512 : i32
    %mul3A_167 = arith.muli %add3A, %mul3A_166 : i32
    %add3A_168 = arith.constant 0 : i32
    %add3A_169 = arith.addi %mul3A_167, %add3A_168 : i32
    "tpu.region"() ({
      %run_scoped3A = tpu.sem_alloc : memref<!tpu.dma_semaphore, #tpu.memory_space<semaphore_mem>>
      %dma_start3A_314 = arith.constant 0 : i32
      %dma_start3A_315 = tpu.memref_slice %arg5[%add3A_169, %dma_start3A_314] : memref<16384x128xf32, #tpu.memory_space<hbm>> -> memref<256x128xf32, #tpu.memory_space<hbm>>
      %dma_start3A_316 = arith.constant 0 : i32
      %dma_start3A_317 = tpu.memref_slice %arg5[%add3A_169, %dma_start3A_316] : memref<16384x128xf32, #tpu.memory_space<hbm>> -> memref<256x128xf32, #tpu.memory_space<hbm>>
      tpu.enqueue_dma source(%arg9 : memref<256x128xf32, #tpu.memory_space<vmem>>) target(%dma_start3A_317 : memref<256x128xf32, #tpu.memory_space<hbm>>) target_semaphore(%run_scoped3A : memref<!tpu.dma_semaphore, #tpu.memory_space<semaphore_mem>>)
      %dma_wait3A_318 = arith.constant 0 : i32
      %dma_wait3A_319 = tpu.memref_slice %arg5[%add3A_169, %dma_wait3A_318] : memref<16384x128xf32, #tpu.memory_space<hbm>> -> memref<256x128xf32, #tpu.memory_space<hbm>>
      %dma_wait3A_320 = arith.constant 0 : i32
      %dma_wait3A_321 = tpu.memref_slice %arg5[%add3A_169, %dma_wait3A_320] : memref<16384x128xf32, #tpu.memory_space<hbm>> -> memref<256x128xf32, #tpu.memory_space<hbm>>
      tpu.wait_dma2 semaphore(%run_scoped3A : memref<!tpu.dma_semaphore, #tpu.memory_space<semaphore_mem>>) src(%arg9 : memref<256x128xf32, #tpu.memory_space<vmem>>) dst(%dma_wait3A_321 : memref<256x128xf32, #tpu.memory_space<hbm>>)
      tpu.yield
    }) : () -> ()
    %dma_start3A_170 = arith.constant 0 : i32
    %dma_start3A_171 = arith.constant 0 : i32
    %dma_start3A_172 = tpu.memref_slice %arg8[%dma_start3A_170, %dma_start3A_171] : memref<1024x32xf32, #tpu.memory_space<vmem>> -> memref<128x32xf32, #tpu.memory_space<vmem>>
    %dma_start3A_173 = arith.constant 1024 : i32
    %dma_start3A_174 = tpu.memref_slice %arg7[%dma_start3A_173] : memref<2048xi32, #tpu.memory_space<vmem>> -> memref<128xi32, #tpu.memory_space<vmem>>
    %dma_start3A_175 = arith.constant 0 : i32
    %dma_start3A_176 = arith.constant 0 : i32
    %dma_start3A_177 = tpu.memref_slice %arg3[%dma_start3A_175, %dma_start3A_176] : memref<2048x32xf32, #tpu.memory_space<hbm>> -> memref<2048x32xf32, #tpu.memory_space<hbm>>
    tpu.enqueue_indirect_dma source(%dma_start3A_177 : memref<2048x32xf32, #tpu.memory_space<hbm>>) target(%dma_start3A_172 : memref<128x32xf32, #tpu.memory_space<vmem>>) offsets(%dma_start3A_174 : memref<128xi32, #tpu.memory_space<vmem>>) semaphore(%arg16 : memref<!tpu.dma_semaphore, #tpu.memory_space<semaphore_mem>>)
    %dma_start3A_178 = arith.constant 128 : i32
    %dma_start3A_179 = arith.constant 0 : i32
    %dma_start3A_180 = tpu.memref_slice %arg8[%dma_start3A_178, %dma_start3A_179] : memref<1024x32xf32, #tpu.memory_space<vmem>> -> memref<128x32xf32, #tpu.memory_space<vmem>>
    %dma_start3A_181 = arith.constant 1152 : i32
    %dma_start3A_182 = tpu.memref_slice %arg7[%dma_start3A_181] : memref<2048xi32, #tpu.memory_space<vmem>> -> memref<128xi32, #tpu.memory_space<vmem>>
    %dma_start3A_183 = arith.constant 0 : i32
    %dma_start3A_184 = arith.constant 0 : i32
    %dma_start3A_185 = tpu.memref_slice %arg3[%dma_start3A_183, %dma_start3A_184] : memref<2048x32xf32, #tpu.memory_space<hbm>> -> memref<2048x32xf32, #tpu.memory_space<hbm>>
    tpu.enqueue_indirect_dma source(%dma_start3A_185 : memref<2048x32xf32, #tpu.memory_space<hbm>>) target(%dma_start3A_180 : memref<128x32xf32, #tpu.memory_space<vmem>>) offsets(%dma_start3A_182 : memref<128xi32, #tpu.memory_space<vmem>>) semaphore(%arg16 : memref<!tpu.dma_semaphore, #tpu.memory_space<semaphore_mem>>)
    %dma_start3A_186 = arith.constant 256 : i32
    %dma_start3A_187 = arith.constant 0 : i32
    %dma_start3A_188 = tpu.memref_slice %arg8[%dma_start3A_186, %dma_start3A_187] : memref<1024x32xf32, #tpu.memory_space<vmem>> -> memref<128x32xf32, #tpu.memory_space<vmem>>
    %dma_start3A_189 = arith.constant 1280 : i32
    %dma_start3A_190 = tpu.memref_slice %arg7[%dma_start3A_189] : memref<2048xi32, #tpu.memory_space<vmem>> -> memref<128xi32, #tpu.memory_space<vmem>>
    %dma_start3A_191 = arith.constant 0 : i32
    %dma_start3A_192 = arith.constant 0 : i32
    %dma_start3A_193 = tpu.memref_slice %arg3[%dma_start3A_191, %dma_start3A_192] : memref<2048x32xf32, #tpu.memory_space<hbm>> -> memref<2048x32xf32, #tpu.memory_space<hbm>>
    tpu.enqueue_indirect_dma source(%dma_start3A_193 : memref<2048x32xf32, #tpu.memory_space<hbm>>) target(%dma_start3A_188 : memref<128x32xf32, #tpu.memory_space<vmem>>) offsets(%dma_start3A_190 : memref<128xi32, #tpu.memory_space<vmem>>) semaphore(%arg16 : memref<!tpu.dma_semaphore, #tpu.memory_space<semaphore_mem>>)
    %dma_start3A_194 = arith.constant 384 : i32
    %dma_start3A_195 = arith.constant 0 : i32
    %dma_start3A_196 = tpu.memref_slice %arg8[%dma_start3A_194, %dma_start3A_195] : memref<1024x32xf32, #tpu.memory_space<vmem>> -> memref<128x32xf32, #tpu.memory_space<vmem>>
    %dma_start3A_197 = arith.constant 1408 : i32
    %dma_start3A_198 = tpu.memref_slice %arg7[%dma_start3A_197] : memref<2048xi32, #tpu.memory_space<vmem>> -> memref<128xi32, #tpu.memory_space<vmem>>
    %dma_start3A_199 = arith.constant 0 : i32
    %dma_start3A_200 = arith.constant 0 : i32
    %dma_start3A_201 = tpu.memref_slice %arg3[%dma_start3A_199, %dma_start3A_200] : memref<2048x32xf32, #tpu.memory_space<hbm>> -> memref<2048x32xf32, #tpu.memory_space<hbm>>
    tpu.enqueue_indirect_dma source(%dma_start3A_201 : memref<2048x32xf32, #tpu.memory_space<hbm>>) target(%dma_start3A_196 : memref<128x32xf32, #tpu.memory_space<vmem>>) offsets(%dma_start3A_198 : memref<128xi32, #tpu.memory_space<vmem>>) semaphore(%arg16 : memref<!tpu.dma_semaphore, #tpu.memory_space<semaphore_mem>>)
    %dma_start3A_202 = arith.constant 512 : i32
    %dma_start3A_203 = arith.constant 0 : i32
    %dma_start3A_204 = tpu.memref_slice %arg8[%dma_start3A_202, %dma_start3A_203] : memref<1024x32xf32, #tpu.memory_space<vmem>> -> memref<128x32xf32, #tpu.memory_space<vmem>>
    %dma_start3A_205 = arith.constant 1536 : i32
    %dma_start3A_206 = tpu.memref_slice %arg7[%dma_start3A_205] : memref<2048xi32, #tpu.memory_space<vmem>> -> memref<128xi32, #tpu.memory_space<vmem>>
    %dma_start3A_207 = arith.constant 0 : i32
    %dma_start3A_208 = arith.constant 0 : i32
    %dma_start3A_209 = tpu.memref_slice %arg3[%dma_start3A_207, %dma_start3A_208] : memref<2048x32xf32, #tpu.memory_space<hbm>> -> memref<2048x32xf32, #tpu.memory_space<hbm>>
    tpu.enqueue_indirect_dma source(%dma_start3A_209 : memref<2048x32xf32, #tpu.memory_space<hbm>>) target(%dma_start3A_204 : memref<128x32xf32, #tpu.memory_space<vmem>>) offsets(%dma_start3A_206 : memref<128xi32, #tpu.memory_space<vmem>>) semaphore(%arg16 : memref<!tpu.dma_semaphore, #tpu.memory_space<semaphore_mem>>)
    %dma_start3A_210 = arith.constant 640 : i32
    %dma_start3A_211 = arith.constant 0 : i32
    %dma_start3A_212 = tpu.memref_slice %arg8[%dma_start3A_210, %dma_start3A_211] : memref<1024x32xf32, #tpu.memory_space<vmem>> -> memref<128x32xf32, #tpu.memory_space<vmem>>
    %dma_start3A_213 = arith.constant 1664 : i32
    %dma_start3A_214 = tpu.memref_slice %arg7[%dma_start3A_213] : memref<2048xi32, #tpu.memory_space<vmem>> -> memref<128xi32, #tpu.memory_space<vmem>>
    %dma_start3A_215 = arith.constant 0 : i32
    %dma_start3A_216 = arith.constant 0 : i32
    %dma_start3A_217 = tpu.memref_slice %arg3[%dma_start3A_215, %dma_start3A_216] : memref<2048x32xf32, #tpu.memory_space<hbm>> -> memref<2048x32xf32, #tpu.memory_space<hbm>>
    tpu.enqueue_indirect_dma source(%dma_start3A_217 : memref<2048x32xf32, #tpu.memory_space<hbm>>) target(%dma_start3A_212 : memref<128x32xf32, #tpu.memory_space<vmem>>) offsets(%dma_start3A_214 : memref<128xi32, #tpu.memory_space<vmem>>) semaphore(%arg16 : memref<!tpu.dma_semaphore, #tpu.memory_space<semaphore_mem>>)
    %dma_start3A_218 = arith.constant 768 : i32
    %dma_start3A_219 = arith.constant 0 : i32
    %dma_start3A_220 = tpu.memref_slice %arg8[%dma_start3A_218, %dma_start3A_219] : memref<1024x32xf32, #tpu.memory_space<vmem>> -> memref<128x32xf32, #tpu.memory_space<vmem>>
    %dma_start3A_221 = arith.constant 1792 : i32
    %dma_start3A_222 = tpu.memref_slice %arg7[%dma_start3A_221] : memref<2048xi32, #tpu.memory_space<vmem>> -> memref<128xi32, #tpu.memory_space<vmem>>
    %dma_start3A_223 = arith.constant 0 : i32
    %dma_start3A_224 = arith.constant 0 : i32
    %dma_start3A_225 = tpu.memref_slice %arg3[%dma_start3A_223, %dma_start3A_224] : memref<2048x32xf32, #tpu.memory_space<hbm>> -> memref<2048x32xf32, #tpu.memory_space<hbm>>
    tpu.enqueue_indirect_dma source(%dma_start3A_225 : memref<2048x32xf32, #tpu.memory_space<hbm>>) target(%dma_start3A_220 : memref<128x32xf32, #tpu.memory_space<vmem>>) offsets(%dma_start3A_222 : memref<128xi32, #tpu.memory_space<vmem>>) semaphore(%arg16 : memref<!tpu.dma_semaphore, #tpu.memory_space<semaphore_mem>>)
    %dma_start3A_226 = arith.constant 896 : i32
    %dma_start3A_227 = arith.constant 0 : i32
    %dma_start3A_228 = tpu.memref_slice %arg8[%dma_start3A_226, %dma_start3A_227] : memref<1024x32xf32, #tpu.memory_space<vmem>> -> memref<128x32xf32, #tpu.memory_space<vmem>>
    %dma_start3A_229 = arith.constant 1920 : i32
    %dma_start3A_230 = tpu.memref_slice %arg7[%dma_start3A_229] : memref<2048xi32, #tpu.memory_space<vmem>> -> memref<128xi32, #tpu.memory_space<vmem>>
    %dma_start3A_231 = arith.constant 0 : i32
    %dma_start3A_232 = arith.constant 0 : i32
    %dma_start3A_233 = tpu.memref_slice %arg3[%dma_start3A_231, %dma_start3A_232] : memref<2048x32xf32, #tpu.memory_space<hbm>> -> memref<2048x32xf32, #tpu.memory_space<hbm>>
    tpu.enqueue_indirect_dma source(%dma_start3A_233 : memref<2048x32xf32, #tpu.memory_space<hbm>>) target(%dma_start3A_228 : memref<128x32xf32, #tpu.memory_space<vmem>>) offsets(%dma_start3A_230 : memref<128xi32, #tpu.memory_space<vmem>>) semaphore(%arg16 : memref<!tpu.dma_semaphore, #tpu.memory_space<semaphore_mem>>)
    %dma_wait3A_234 = arith.constant 0 : i32
    %dma_wait3A_235 = arith.constant 0 : i32
    %dma_wait3A_236 = tpu.memref_slice %arg8[%dma_wait3A_234, %dma_wait3A_235] : memref<1024x32xf32, #tpu.memory_space<vmem>> -> memref<128x32xf32, #tpu.memory_space<vmem>>
    %dma_wait3A_237 = arith.constant 1024 : i32
    %dma_wait3A_238 = tpu.memref_slice %arg7[%dma_wait3A_237] : memref<2048xi32, #tpu.memory_space<vmem>> -> memref<128xi32, #tpu.memory_space<vmem>>
    %dma_wait3A_239 = arith.constant 0 : i32
    %dma_wait3A_240 = arith.constant 0 : i32
    %dma_wait3A_241 = tpu.memref_slice %arg3[%dma_wait3A_239, %dma_wait3A_240] : memref<2048x32xf32, #tpu.memory_space<hbm>> -> memref<2048x32xf32, #tpu.memory_space<hbm>>
    tpu.wait_indirect_dma semaphore(%arg16 : memref<!tpu.dma_semaphore, #tpu.memory_space<semaphore_mem>>) src(%dma_wait3A_241 : memref<2048x32xf32, #tpu.memory_space<hbm>>) dst(%dma_wait3A_236 : memref<128x32xf32, #tpu.memory_space<vmem>>)
    %dma_wait3A_242 = arith.constant 128 : i32
    %dma_wait3A_243 = arith.constant 0 : i32
    %dma_wait3A_244 = tpu.memref_slice %arg8[%dma_wait3A_242, %dma_wait3A_243] : memref<1024x32xf32, #tpu.memory_space<vmem>> -> memref<128x32xf32, #tpu.memory_space<vmem>>
    %dma_wait3A_245 = arith.constant 1152 : i32
    %dma_wait3A_246 = tpu.memref_slice %arg7[%dma_wait3A_245] : memref<2048xi32, #tpu.memory_space<vmem>> -> memref<128xi32, #tpu.memory_space<vmem>>
    %dma_wait3A_247 = arith.constant 0 : i32
    %dma_wait3A_248 = arith.constant 0 : i32
    %dma_wait3A_249 = tpu.memref_slice %arg3[%dma_wait3A_247, %dma_wait3A_248] : memref<2048x32xf32, #tpu.memory_space<hbm>> -> memref<2048x32xf32, #tpu.memory_space<hbm>>
    tpu.wait_indirect_dma semaphore(%arg16 : memref<!tpu.dma_semaphore, #tpu.memory_space<semaphore_mem>>) src(%dma_wait3A_249 : memref<2048x32xf32, #tpu.memory_space<hbm>>) dst(%dma_wait3A_244 : memref<128x32xf32, #tpu.memory_space<vmem>>)
    %dma_wait3A_250 = arith.constant 256 : i32
    %dma_wait3A_251 = arith.constant 0 : i32
    %dma_wait3A_252 = tpu.memref_slice %arg8[%dma_wait3A_250, %dma_wait3A_251] : memref<1024x32xf32, #tpu.memory_space<vmem>> -> memref<128x32xf32, #tpu.memory_space<vmem>>
    %dma_wait3A_253 = arith.constant 1280 : i32
    %dma_wait3A_254 = tpu.memref_slice %arg7[%dma_wait3A_253] : memref<2048xi32, #tpu.memory_space<vmem>> -> memref<128xi32, #tpu.memory_space<vmem>>
    %dma_wait3A_255 = arith.constant 0 : i32
    %dma_wait3A_256 = arith.constant 0 : i32
    %dma_wait3A_257 = tpu.memref_slice %arg3[%dma_wait3A_255, %dma_wait3A_256] : memref<2048x32xf32, #tpu.memory_space<hbm>> -> memref<2048x32xf32, #tpu.memory_space<hbm>>
    tpu.wait_indirect_dma semaphore(%arg16 : memref<!tpu.dma_semaphore, #tpu.memory_space<semaphore_mem>>) src(%dma_wait3A_257 : memref<2048x32xf32, #tpu.memory_space<hbm>>) dst(%dma_wait3A_252 : memref<128x32xf32, #tpu.memory_space<vmem>>)
    %dma_wait3A_258 = arith.constant 384 : i32
    %dma_wait3A_259 = arith.constant 0 : i32
    %dma_wait3A_260 = tpu.memref_slice %arg8[%dma_wait3A_258, %dma_wait3A_259] : memref<1024x32xf32, #tpu.memory_space<vmem>> -> memref<128x32xf32, #tpu.memory_space<vmem>>
    %dma_wait3A_261 = arith.constant 1408 : i32
    %dma_wait3A_262 = tpu.memref_slice %arg7[%dma_wait3A_261] : memref<2048xi32, #tpu.memory_space<vmem>> -> memref<128xi32, #tpu.memory_space<vmem>>
    %dma_wait3A_263 = arith.constant 0 : i32
    %dma_wait3A_264 = arith.constant 0 : i32
    %dma_wait3A_265 = tpu.memref_slice %arg3[%dma_wait3A_263, %dma_wait3A_264] : memref<2048x32xf32, #tpu.memory_space<hbm>> -> memref<2048x32xf32, #tpu.memory_space<hbm>>
    tpu.wait_indirect_dma semaphore(%arg16 : memref<!tpu.dma_semaphore, #tpu.memory_space<semaphore_mem>>) src(%dma_wait3A_265 : memref<2048x32xf32, #tpu.memory_space<hbm>>) dst(%dma_wait3A_260 : memref<128x32xf32, #tpu.memory_space<vmem>>)
    %dma_wait3A_266 = arith.constant 512 : i32
    %dma_wait3A_267 = arith.constant 0 : i32
    %dma_wait3A_268 = tpu.memref_slice %arg8[%dma_wait3A_266, %dma_wait3A_267] : memref<1024x32xf32, #tpu.memory_space<vmem>> -> memref<128x32xf32, #tpu.memory_space<vmem>>
    %dma_wait3A_269 = arith.constant 1536 : i32
    %dma_wait3A_270 = tpu.memref_slice %arg7[%dma_wait3A_269] : memref<2048xi32, #tpu.memory_space<vmem>> -> memref<128xi32, #tpu.memory_space<vmem>>
    %dma_wait3A_271 = arith.constant 0 : i32
    %dma_wait3A_272 = arith.constant 0 : i32
    %dma_wait3A_273 = tpu.memref_slice %arg3[%dma_wait3A_271, %dma_wait3A_272] : memref<2048x32xf32, #tpu.memory_space<hbm>> -> memref<2048x32xf32, #tpu.memory_space<hbm>>
    tpu.wait_indirect_dma semaphore(%arg16 : memref<!tpu.dma_semaphore, #tpu.memory_space<semaphore_mem>>) src(%dma_wait3A_273 : memref<2048x32xf32, #tpu.memory_space<hbm>>) dst(%dma_wait3A_268 : memref<128x32xf32, #tpu.memory_space<vmem>>)
    %dma_wait3A_274 = arith.constant 640 : i32
    %dma_wait3A_275 = arith.constant 0 : i32
    %dma_wait3A_276 = tpu.memref_slice %arg8[%dma_wait3A_274, %dma_wait3A_275] : memref<1024x32xf32, #tpu.memory_space<vmem>> -> memref<128x32xf32, #tpu.memory_space<vmem>>
    %dma_wait3A_277 = arith.constant 1664 : i32
    %dma_wait3A_278 = tpu.memref_slice %arg7[%dma_wait3A_277] : memref<2048xi32, #tpu.memory_space<vmem>> -> memref<128xi32, #tpu.memory_space<vmem>>
    %dma_wait3A_279 = arith.constant 0 : i32
    %dma_wait3A_280 = arith.constant 0 : i32
    %dma_wait3A_281 = tpu.memref_slice %arg3[%dma_wait3A_279, %dma_wait3A_280] : memref<2048x32xf32, #tpu.memory_space<hbm>> -> memref<2048x32xf32, #tpu.memory_space<hbm>>
    tpu.wait_indirect_dma semaphore(%arg16 : memref<!tpu.dma_semaphore, #tpu.memory_space<semaphore_mem>>) src(%dma_wait3A_281 : memref<2048x32xf32, #tpu.memory_space<hbm>>) dst(%dma_wait3A_276 : memref<128x32xf32, #tpu.memory_space<vmem>>)
    %dma_wait3A_282 = arith.constant 768 : i32
    %dma_wait3A_283 = arith.constant 0 : i32
    %dma_wait3A_284 = tpu.memref_slice %arg8[%dma_wait3A_282, %dma_wait3A_283] : memref<1024x32xf32, #tpu.memory_space<vmem>> -> memref<128x32xf32, #tpu.memory_space<vmem>>
    %dma_wait3A_285 = arith.constant 1792 : i32
    %dma_wait3A_286 = tpu.memref_slice %arg7[%dma_wait3A_285] : memref<2048xi32, #tpu.memory_space<vmem>> -> memref<128xi32, #tpu.memory_space<vmem>>
    %dma_wait3A_287 = arith.constant 0 : i32
    %dma_wait3A_288 = arith.constant 0 : i32
    %dma_wait3A_289 = tpu.memref_slice %arg3[%dma_wait3A_287, %dma_wait3A_288] : memref<2048x32xf32, #tpu.memory_space<hbm>> -> memref<2048x32xf32, #tpu.memory_space<hbm>>
    tpu.wait_indirect_dma semaphore(%arg16 : memref<!tpu.dma_semaphore, #tpu.memory_space<semaphore_mem>>) src(%dma_wait3A_289 : memref<2048x32xf32, #tpu.memory_space<hbm>>) dst(%dma_wait3A_284 : memref<128x32xf32, #tpu.memory_space<vmem>>)
    %dma_wait3A_290 = arith.constant 896 : i32
    %dma_wait3A_291 = arith.constant 0 : i32
    %dma_wait3A_292 = tpu.memref_slice %arg8[%dma_wait3A_290, %dma_wait3A_291] : memref<1024x32xf32, #tpu.memory_space<vmem>> -> memref<128x32xf32, #tpu.memory_space<vmem>>
    %dma_wait3A_293 = arith.constant 1920 : i32
    %dma_wait3A_294 = tpu.memref_slice %arg7[%dma_wait3A_293] : memref<2048xi32, #tpu.memory_space<vmem>> -> memref<128xi32, #tpu.memory_space<vmem>>
    %dma_wait3A_295 = arith.constant 0 : i32
    %dma_wait3A_296 = arith.constant 0 : i32
    %dma_wait3A_297 = tpu.memref_slice %arg3[%dma_wait3A_295, %dma_wait3A_296] : memref<2048x32xf32, #tpu.memory_space<hbm>> -> memref<2048x32xf32, #tpu.memory_space<hbm>>
    tpu.wait_indirect_dma semaphore(%arg16 : memref<!tpu.dma_semaphore, #tpu.memory_space<semaphore_mem>>) src(%dma_wait3A_297 : memref<2048x32xf32, #tpu.memory_space<hbm>>) dst(%dma_wait3A_292 : memref<128x32xf32, #tpu.memory_space<vmem>>)
    %scan3A_298 = arith.constant 0 : i32
    %scan3A_299 = arith.constant 0 : i32
    %scan3A_300 = arith.constant 256 : i32
    %scan3A_301 = arith.addi %scan3A_299, %scan3A_300 : i32
    %scan3A_302 = arith.constant 1 : i32
    %scan3A_303 = scf.for %scan3A_314 = %scan3A_299 to %scan3A_301 step %scan3A_302 iter_args(%scan3A_315 = %scan3A_298) -> (i32)  : i32 {
      %mul3A_316 = arith.constant 4 : i32
      %mul3A_317 = arith.muli %mul3A_316, %scan3A_314 : i32
      %add3A_318 = arith.constant 0 : i32
      %add3A_319 = arith.addi %mul3A_317, %add3A_318 : i32
      %get3A = arith.index_cast %add3A_319 : i32 to index
      %get3A_320 = arith.constant 0 : index
      %get3A_321 = tpu.vector_load %arg8[%get3A, %get3A_320] {strides = array<i32>} : memref<1024x32xf32, #tpu.memory_space<vmem>>, vector<16xf32>,
      %swap3A = arith.index_cast %scan3A_314 : i32 to index
      %swap3A_322 = arith.constant 0 : index
      %swap3A_323 = tpu.vector_load %arg9[%swap3A, %swap3A_322] {strides = array<i32>} : memref<256x128xf32, #tpu.memory_space<vmem>>, vector<16xf32>,
      tpu.vector_store %arg9[%swap3A, %swap3A_322], %get3A_321 {strides = array<i32>} : memref<256x128xf32, #tpu.memory_space<vmem>>, vector<16xf32>,
      %mul3A_324 = arith.constant 4 : i32
      %mul3A_325 = arith.muli %mul3A_324, %scan3A_314 : i32
      %add3A_326 = arith.constant 0 : i32
      %add3A_327 = arith.addi %mul3A_325, %add3A_326 : i32
      %get3A_328 = arith.index_cast %add3A_327 : i32 to index
      %get3A_329 = arith.constant 16 : index
      %get3A_330 = tpu.vector_load %arg8[%get3A_328, %get3A_329] {strides = array<i32>} : memref<1024x32xf32, #tpu.memory_space<vmem>>, vector<16xf32>,
      %swap3A_331 = arith.index_cast %scan3A_314 : i32 to index
      %swap3A_332 = arith.constant 16 : index
      %swap3A_333 = tpu.vector_load %arg9[%swap3A_331, %swap3A_332] {strides = array<i32>} : memref<256x128xf32, #tpu.memory_space<vmem>>, vector<16xf32>,
      tpu.vector_store %arg9[%swap3A_331, %swap3A_332], %get3A_330 {strides = array<i32>} : memref<256x128xf32, #tpu.memory_space<vmem>>, vector<16xf32>,
      %mul3A_334 = arith.constant 4 : i32
      %mul3A_335 = arith.muli %mul3A_334, %scan3A_314 : i32
      %add3A_336 = arith.constant 1 : i32
      %add3A_337 = arith.addi %mul3A_335, %add3A_336 : i32
      %get3A_338 = arith.index_cast %add3A_337 : i32 to index
      %get3A_339 = arith.constant 0 : index
      %get3A_340 = tpu.vector_load %arg8[%get3A_338, %get3A_339] {strides = array<i32>} : memref<1024x32xf32, #tpu.memory_space<vmem>>, vector<16xf32>,
      %swap3A_341 = arith.index_cast %scan3A_314 : i32 to index
      %swap3A_342 = arith.constant 32 : index
      %swap3A_343 = tpu.vector_load %arg9[%swap3A_341, %swap3A_342] {strides = array<i32>} : memref<256x128xf32, #tpu.memory_space<vmem>>, vector<16xf32>,
      tpu.vector_store %arg9[%swap3A_341, %swap3A_342], %get3A_340 {strides = array<i32>} : memref<256x128xf32, #tpu.memory_space<vmem>>, vector<16xf32>,
      %mul3A_344 = arith.constant 4 : i32
      %mul3A_345 = arith.muli %mul3A_344, %scan3A_314 : i32
      %add3A_346 = arith.constant 1 : i32
      %add3A_347 = arith.addi %mul3A_345, %add3A_346 : i32
      %get3A_348 = arith.index_cast %add3A_347 : i32 to index
      %get3A_349 = arith.constant 16 : index
      %get3A_350 = tpu.vector_load %arg8[%get3A_348, %get3A_349] {strides = array<i32>} : memref<1024x32xf32, #tpu.memory_space<vmem>>, vector<16xf32>,
      %swap3A_351 = arith.index_cast %scan3A_314 : i32 to index
      %swap3A_352 = arith.constant 48 : index
      %swap3A_353 = tpu.vector_load %arg9[%swap3A_351, %swap3A_352] {strides = array<i32>} : memref<256x128xf32, #tpu.memory_space<vmem>>, vector<16xf32>,
      tpu.vector_store %arg9[%swap3A_351, %swap3A_352], %get3A_350 {strides = array<i32>} : memref<256x128xf32, #tpu.memory_space<vmem>>, vector<16xf32>,
      %mul3A_354 = arith.constant 4 : i32
      %mul3A_355 = arith.muli %mul3A_354, %scan3A_314 : i32
      %add3A_356 = arith.constant 2 : i32
      %add3A_357 = arith.addi %mul3A_355, %add3A_356 : i32
      %get3A_358 = arith.index_cast %add3A_357 : i32 to index
      %get3A_359 = arith.constant 0 : index
      %get3A_360 = tpu.vector_load %arg8[%get3A_358, %get3A_359] {strides = array<i32>} : memref<1024x32xf32, #tpu.memory_space<vmem>>, vector<16xf32>,
      %swap3A_361 = arith.index_cast %scan3A_314 : i32 to index
      %swap3A_362 = arith.constant 64 : index
      %swap3A_363 = tpu.vector_load %arg9[%swap3A_361, %swap3A_362] {strides = array<i32>} : memref<256x128xf32, #tpu.memory_space<vmem>>, vector<16xf32>,
      tpu.vector_store %arg9[%swap3A_361, %swap3A_362], %get3A_360 {strides = array<i32>} : memref<256x128xf32, #tpu.memory_space<vmem>>, vector<16xf32>,
      %mul3A_364 = arith.constant 4 : i32
      %mul3A_365 = arith.muli %mul3A_364, %scan3A_314 : i32
      %add3A_366 = arith.constant 2 : i32
      %add3A_367 = arith.addi %mul3A_365, %add3A_366 : i32
      %get3A_368 = arith.index_cast %add3A_367 : i32 to index
      %get3A_369 = arith.constant 16 : index
      %get3A_370 = tpu.vector_load %arg8[%get3A_368, %get3A_369] {strides = array<i32>} : memref<1024x32xf32, #tpu.memory_space<vmem>>, vector<16xf32>,
      %swap3A_371 = arith.index_cast %scan3A_314 : i32 to index
      %swap3A_372 = arith.constant 80 : index
      %swap3A_373 = tpu.vector_load %arg9[%swap3A_371, %swap3A_372] {strides = array<i32>} : memref<256x128xf32, #tpu.memory_space<vmem>>, vector<16xf32>,
      tpu.vector_store %arg9[%swap3A_371, %swap3A_372], %get3A_370 {strides = array<i32>} : memref<256x128xf32, #tpu.memory_space<vmem>>, vector<16xf32>,
      %mul3A_374 = arith.constant 4 : i32
      %mul3A_375 = arith.muli %mul3A_374, %scan3A_314 : i32
      %add3A_376 = arith.constant 3 : i32
      %add3A_377 = arith.addi %mul3A_375, %add3A_376 : i32
      %get3A_378 = arith.index_cast %add3A_377 : i32 to index
      %get3A_379 = arith.constant 0 : index
      %get3A_380 = tpu.vector_load %arg8[%get3A_378, %get3A_379] {strides = array<i32>} : memref<1024x32xf32, #tpu.memory_space<vmem>>, vector<16xf32>,
      %swap3A_381 = arith.index_cast %scan3A_314 : i32 to index
      %swap3A_382 = arith.constant 96 : index
      %swap3A_383 = tpu.vector_load %arg9[%swap3A_381, %swap3A_382] {strides = array<i32>} : memref<256x128xf32, #tpu.memory_space<vmem>>, vector<16xf32>,
      tpu.vector_store %arg9[%swap3A_381, %swap3A_382], %get3A_380 {strides = array<i32>} : memref<256x128xf32, #tpu.memory_space<vmem>>, vector<16xf32>,
      %mul3A_384 = arith.constant 4 : i32
      %mul3A_385 = arith.muli %mul3A_384, %scan3A_314 : i32
      %add3A_386 = arith.constant 3 : i32
      %add3A_387 = arith.addi %mul3A_385, %add3A_386 : i32
      %get3A_388 = arith.index_cast %add3A_387 : i32 to index
      %get3A_389 = arith.constant 16 : index
      %get3A_390 = tpu.vector_load %arg8[%get3A_388, %get3A_389] {strides = array<i32>} : memref<1024x32xf32, #tpu.memory_space<vmem>>, vector<16xf32>,
      %swap3A_391 = arith.index_cast %scan3A_314 : i32 to index
      %swap3A_392 = arith.constant 112 : index
      %swap3A_393 = tpu.vector_load %arg9[%swap3A_391, %swap3A_392] {strides = array<i32>} : memref<256x128xf32, #tpu.memory_space<vmem>>, vector<16xf32>,
      tpu.vector_store %arg9[%swap3A_391, %swap3A_392], %get3A_390 {strides = array<i32>} : memref<256x128xf32, #tpu.memory_space<vmem>>, vector<16xf32>,
      %scan3A_394 = arith.constant 0 : i32
      scf.yield %scan3A_394 : i32
    }
    %scan3A_304 = arith.constant 256 : i32
    %mul3A_305 = arith.constant 512 : i32
    %mul3A_306 = arith.muli %add3A, %mul3A_305 : i32
    %add3A_307 = arith.constant 256 : i32
    %add3A_308 = arith.addi %mul3A_306, %add3A_307 : i32
    "tpu.region"() ({
      %run_scoped3A = tpu.sem_alloc : memref<!tpu.dma_semaphore, #tpu.memory_space<semaphore_mem>>
      %dma_start3A_314 = arith.constant 0 : i32
      %dma_start3A_315 = tpu.memref_slice %arg5[%add3A_308, %dma_start3A_314] : memref<16384x128xf32, #tpu.memory_space<hbm>> -> memref<256x128xf32, #tpu.memory_space<hbm>>
      %dma_start3A_316 = arith.constant 0 : i32
      %dma_start3A_317 = tpu.memref_slice %arg5[%add3A_308, %dma_start3A_316] : memref<16384x128xf32, #tpu.memory_space<hbm>> -> memref<256x128xf32, #tpu.memory_space<hbm>>
      tpu.enqueue_dma source(%arg9 : memref<256x128xf32, #tpu.memory_space<vmem>>) target(%dma_start3A_317 : memref<256x128xf32, #tpu.memory_space<hbm>>) target_semaphore(%run_scoped3A : memref<!tpu.dma_semaphore, #tpu.memory_space<semaphore_mem>>)
      %dma_wait3A_318 = arith.constant 0 : i32
      %dma_wait3A_319 = tpu.memref_slice %arg5[%add3A_308, %dma_wait3A_318] : memref<16384x128xf32, #tpu.memory_space<hbm>> -> memref<256x128xf32, #tpu.memory_space<hbm>>
      %dma_wait3A_320 = arith.constant 0 : i32
      %dma_wait3A_321 = tpu.memref_slice %arg5[%add3A_308, %dma_wait3A_320] : memref<16384x128xf32, #tpu.memory_space<hbm>> -> memref<256x128xf32, #tpu.memory_space<hbm>>
      tpu.wait_dma2 semaphore(%run_scoped3A : memref<!tpu.dma_semaphore, #tpu.memory_space<semaphore_mem>>) src(%arg9 : memref<256x128xf32, #tpu.memory_space<vmem>>) dst(%dma_wait3A_321 : memref<256x128xf32, #tpu.memory_space<hbm>>)
      tpu.yield
    }) : () -> ()
    %eq3A_309 = arith.constant 0 : i32
    %eq3A_310 = arith.cmpi eq, %arg0, %eq3A_309 : i32
    %convert_element_type3A_311 = arith.extui %eq3A_310 : i1 to i32
    %cond3A_312 = arith.constant 0 : i32
    %cond3A_313 = arith.cmpi ne, %convert_element_type3A_311, %cond3A_312 : i32
    scf.if %cond3A_313 {
      %barrier3A = arith.constant 0 : index
      tpu.barrier barrier_id(%barrier3A)
      %mul3A_314 = arith.constant 128 : i32
      %mul3A_315 = arith.muli %arg1, %mul3A_314 : i32
      "tpu.region"() ({
        %run_scoped3A_477 = tpu.sem_alloc : memref<!tpu.dma_semaphore, #tpu.memory_space<semaphore_mem>>
        %dma_start3A_478 = tpu.memref_slice %arg4[%mul3A_315] : memref<2048xf32, #tpu.memory_space<hbm>> -> memref<128xf32, #tpu.memory_space<hbm>>
        %dma_start3A_479 = tpu.memref_slice %arg4[%mul3A_315] : memref<2048xf32, #tpu.memory_space<hbm>> -> memref<128xf32, #tpu.memory_space<hbm>>
        tpu.enqueue_dma source(%dma_start3A_479 : memref<128xf32, #tpu.memory_space<hbm>>) target(%arg14 : memref<128xf32, #tpu.memory_space<vmem>>) target_semaphore(%run_scoped3A_477 : memref<!tpu.dma_semaphore, #tpu.memory_space<semaphore_mem>>)
        %dma_wait3A_480 = tpu.memref_slice %arg4[%mul3A_315] : memref<2048xf32, #tpu.memory_space<hbm>> -> memref<128xf32, #tpu.memory_space<hbm>>
        %dma_wait3A_481 = tpu.memref_slice %arg4[%mul3A_315] : memref<2048xf32, #tpu.memory_space<hbm>> -> memref<128xf32, #tpu.memory_space<hbm>>
        tpu.wait_dma2 semaphore(%run_scoped3A_477 : memref<!tpu.dma_semaphore, #tpu.memory_space<semaphore_mem>>) src(%dma_wait3A_481 : memref<128xf32, #tpu.memory_space<hbm>>) dst(%arg14 : memref<128xf32, #tpu.memory_space<vmem>>)
        tpu.yield
      }) : () -> ()
      %mul3A_316 = arith.constant 128 : i32
      %mul3A_317 = arith.muli %arg1, %mul3A_316 : i32
      %run_scoped3A = arith.constant 0 : i32
      "tpu.region"() ({
        %run_scoped3A_477 = tpu.sem_alloc : memref<!tpu.dma_semaphore, #tpu.memory_space<semaphore_mem>>
        %dma_start3A_478 = tpu.memref_slice %arg15[%run_scoped3A, %mul3A_317] : memref<16x2048xf32, #tpu.memory_space<vmem_shared>> -> memref<1x128xf32, #tpu.memory_space<vmem_shared>>
        %dma_start3A_479 = tpu.memref_squeeze %dma_start3A_478 : memref<1x128xf32, #tpu.memory_space<vmem_shared>> -> memref<128xf32, #tpu.memory_space<vmem_shared>>
        %dma_start3A_480 = tpu.memref_slice %arg15[%run_scoped3A, %mul3A_317] : memref<16x2048xf32, #tpu.memory_space<vmem_shared>> -> memref<1x128xf32, #tpu.memory_space<vmem_shared>>
        %dma_start3A_481 = tpu.memref_squeeze %dma_start3A_480 : memref<1x128xf32, #tpu.memory_space<vmem_shared>> -> memref<128xf32, #tpu.memory_space<vmem_shared>>
        tpu.enqueue_dma source(%dma_start3A_481 : memref<128xf32, #tpu.memory_space<vmem_shared>>) target(%arg13 : memref<128xf32, #tpu.memory_space<vmem>>) target_semaphore(%run_scoped3A_477 : memref<!tpu.dma_semaphore, #tpu.memory_space<semaphore_mem>>)
        %dma_wait3A_482 = tpu.memref_slice %arg15[%run_scoped3A, %mul3A_317] : memref<16x2048xf32, #tpu.memory_space<vmem_shared>> -> memref<1x128xf32, #tpu.memory_space<vmem_shared>>
        %dma_wait3A_483 = tpu.memref_squeeze %dma_wait3A_482 : memref<1x128xf32, #tpu.memory_space<vmem_shared>> -> memref<128xf32, #tpu.memory_space<vmem_shared>>
        %dma_wait3A_484 = tpu.memref_slice %arg15[%run_scoped3A, %mul3A_317] : memref<16x2048xf32, #tpu.memory_space<vmem_shared>> -> memref<1x128xf32, #tpu.memory_space<vmem_shared>>
        %dma_wait3A_485 = tpu.memref_squeeze %dma_wait3A_484 : memref<1x128xf32, #tpu.memory_space<vmem_shared>> -> memref<128xf32, #tpu.memory_space<vmem_shared>>
        tpu.wait_dma2 semaphore(%run_scoped3A_477 : memref<!tpu.dma_semaphore, #tpu.memory_space<semaphore_mem>>) src(%dma_wait3A_485 : memref<128xf32, #tpu.memory_space<vmem_shared>>) dst(%arg13 : memref<128xf32, #tpu.memory_space<vmem>>)
        tpu.yield
      }) : () -> ()
      %scan3A_318 = arith.constant 0 : i32
      %scan3A_319 = arith.constant 0 : i32
      %scan3A_320 = arith.constant 8 : i32
      %scan3A_321 = arith.addi %scan3A_319, %scan3A_320 : i32
      %scan3A_322 = arith.constant 1 : i32
      %scan3A_323 = scf.for %scan3A_477 = %scan3A_319 to %scan3A_321 step %scan3A_322 iter_args(%scan3A_478 = %scan3A_318) -> (i32)  : i32 {
        %mul3A_479 = arith.constant 16 : i32
        %mul3A_480 = arith.muli %scan3A_477, %mul3A_479 : i32
        %get3A = arith.index_cast %mul3A_480 : i32 to index
        %get3A_481 = tpu.vector_load %arg14[%get3A] {strides = array<i32>} : memref<128xf32, #tpu.memory_space<vmem>>, vector<16xf32>,
        %mul3A_482 = arith.constant 16 : i32
        %mul3A_483 = arith.muli %scan3A_477, %mul3A_482 : i32
        %get3A_484 = arith.index_cast %mul3A_483 : i32 to index
        %get3A_485 = tpu.vector_load %arg13[%get3A_484] {strides = array<i32>} : memref<128xf32, #tpu.memory_space<vmem>>, vector<16xf32>,
        %add3A_486 = arith.addf %get3A_481, %get3A_485 : vector<16xf32>
        %swap3A = arith.index_cast %mul3A_480 : i32 to index
        %swap3A_487 = tpu.vector_load %arg14[%swap3A] {strides = array<i32>} : memref<128xf32, #tpu.memory_space<vmem>>, vector<16xf32>,
        tpu.vector_store %arg14[%swap3A], %add3A_486 {strides = array<i32>} : memref<128xf32, #tpu.memory_space<vmem>>, vector<16xf32>,
        %scan3A_488 = arith.constant 0 : i32
        scf.yield %scan3A_488 : i32
      }
      %scan3A_324 = arith.constant 8 : i32
      %mul3A_325 = arith.constant 128 : i32
      %mul3A_326 = arith.muli %arg1, %mul3A_325 : i32
      %run_scoped3A_327 = arith.constant 1 : i32
      "tpu.region"() ({
        %run_scoped3A_477 = tpu.sem_alloc : memref<!tpu.dma_semaphore, #tpu.memory_space<semaphore_mem>>
        %dma_start3A_478 = tpu.memref_slice %arg15[%run_scoped3A_327, %mul3A_326] : memref<16x2048xf32, #tpu.memory_space<vmem_shared>> -> memref<1x128xf32, #tpu.memory_space<vmem_shared>>
        %dma_start3A_479 = tpu.memref_squeeze %dma_start3A_478 : memref<1x128xf32, #tpu.memory_space<vmem_shared>> -> memref<128xf32, #tpu.memory_space<vmem_shared>>
        %dma_start3A_480 = tpu.memref_slice %arg15[%run_scoped3A_327, %mul3A_326] : memref<16x2048xf32, #tpu.memory_space<vmem_shared>> -> memref<1x128xf32, #tpu.memory_space<vmem_shared>>
        %dma_start3A_481 = tpu.memref_squeeze %dma_start3A_480 : memref<1x128xf32, #tpu.memory_space<vmem_shared>> -> memref<128xf32, #tpu.memory_space<vmem_shared>>
        tpu.enqueue_dma source(%dma_start3A_481 : memref<128xf32, #tpu.memory_space<vmem_shared>>) target(%arg13 : memref<128xf32, #tpu.memory_space<vmem>>) target_semaphore(%run_scoped3A_477 : memref<!tpu.dma_semaphore, #tpu.memory_space<semaphore_mem>>)
        %dma_wait3A_482 = tpu.memref_slice %arg15[%run_scoped3A_327, %mul3A_326] : memref<16x2048xf32, #tpu.memory_space<vmem_shared>> -> memref<1x128xf32, #tpu.memory_space<vmem_shared>>
        %dma_wait3A_483 = tpu.memref_squeeze %dma_wait3A_482 : memref<1x128xf32, #tpu.memory_space<vmem_shared>> -> memref<128xf32, #tpu.memory_space<vmem_shared>>
        %dma_wait3A_484 = tpu.memref_slice %arg15[%run_scoped3A_327, %mul3A_326] : memref<16x2048xf32, #tpu.memory_space<vmem_shared>> -> memref<1x128xf32, #tpu.memory_space<vmem_shared>>
        %dma_wait3A_485 = tpu.memref_squeeze %dma_wait3A_484 : memref<1x128xf32, #tpu.memory_space<vmem_shared>> -> memref<128xf32, #tpu.memory_space<vmem_shared>>
        tpu.wait_dma2 semaphore(%run_scoped3A_477 : memref<!tpu.dma_semaphore, #tpu.memory_space<semaphore_mem>>) src(%dma_wait3A_485 : memref<128xf32, #tpu.memory_space<vmem_shared>>) dst(%arg13 : memref<128xf32, #tpu.memory_space<vmem>>)
        tpu.yield
      }) : () -> ()
      %scan3A_328 = arith.constant 0 : i32
      %scan3A_329 = arith.constant 0 : i32
      %scan3A_330 = arith.constant 8 : i32
      %scan3A_331 = arith.addi %scan3A_329, %scan3A_330 : i32
      %scan3A_332 = arith.constant 1 : i32
      %scan3A_333 = scf.for %scan3A_477 = %scan3A_329 to %scan3A_331 step %scan3A_332 iter_args(%scan3A_478 = %scan3A_328) -> (i32)  : i32 {
        %mul3A_479 = arith.constant 16 : i32
        %mul3A_480 = arith.muli %scan3A_477, %mul3A_479 : i32
        %get3A = arith.index_cast %mul3A_480 : i32 to index
        %get3A_481 = tpu.vector_load %arg14[%get3A] {strides = array<i32>} : memref<128xf32, #tpu.memory_space<vmem>>, vector<16xf32>,
        %mul3A_482 = arith.constant 16 : i32
        %mul3A_483 = arith.muli %scan3A_477, %mul3A_482 : i32
        %get3A_484 = arith.index_cast %mul3A_483 : i32 to index
        %get3A_485 = tpu.vector_load %arg13[%get3A_484] {strides = array<i32>} : memref<128xf32, #tpu.memory_space<vmem>>, vector<16xf32>,
        %add3A_486 = arith.addf %get3A_481, %get3A_485 : vector<16xf32>
        %swap3A = arith.index_cast %mul3A_480 : i32 to index
        %swap3A_487 = tpu.vector_load %arg14[%swap3A] {strides = array<i32>} : memref<128xf32, #tpu.memory_space<vmem>>, vector<16xf32>,
        tpu.vector_store %arg14[%swap3A], %add3A_486 {strides = array<i32>} : memref<128xf32, #tpu.memory_space<vmem>>, vector<16xf32>,
        %scan3A_488 = arith.constant 0 : i32
        scf.yield %scan3A_488 : i32
      }
      %scan3A_334 = arith.constant 8 : i32
      %mul3A_335 = arith.constant 128 : i32
      %mul3A_336 = arith.muli %arg1, %mul3A_335 : i32
      %run_scoped3A_337 = arith.constant 2 : i32
      "tpu.region"() ({
        %run_scoped3A_477 = tpu.sem_alloc : memref<!tpu.dma_semaphore, #tpu.memory_space<semaphore_mem>>
        %dma_start3A_478 = tpu.memref_slice %arg15[%run_scoped3A_337, %mul3A_336] : memref<16x2048xf32, #tpu.memory_space<vmem_shared>> -> memref<1x128xf32, #tpu.memory_space<vmem_shared>>
        %dma_start3A_479 = tpu.memref_squeeze %dma_start3A_478 : memref<1x128xf32, #tpu.memory_space<vmem_shared>> -> memref<128xf32, #tpu.memory_space<vmem_shared>>
        %dma_start3A_480 = tpu.memref_slice %arg15[%run_scoped3A_337, %mul3A_336] : memref<16x2048xf32, #tpu.memory_space<vmem_shared>> -> memref<1x128xf32, #tpu.memory_space<vmem_shared>>
        %dma_start3A_481 = tpu.memref_squeeze %dma_start3A_480 : memref<1x128xf32, #tpu.memory_space<vmem_shared>> -> memref<128xf32, #tpu.memory_space<vmem_shared>>
        tpu.enqueue_dma source(%dma_start3A_481 : memref<128xf32, #tpu.memory_space<vmem_shared>>) target(%arg13 : memref<128xf32, #tpu.memory_space<vmem>>) target_semaphore(%run_scoped3A_477 : memref<!tpu.dma_semaphore, #tpu.memory_space<semaphore_mem>>)
        %dma_wait3A_482 = tpu.memref_slice %arg15[%run_scoped3A_337, %mul3A_336] : memref<16x2048xf32, #tpu.memory_space<vmem_shared>> -> memref<1x128xf32, #tpu.memory_space<vmem_shared>>
        %dma_wait3A_483 = tpu.memref_squeeze %dma_wait3A_482 : memref<1x128xf32, #tpu.memory_space<vmem_shared>> -> memref<128xf32, #tpu.memory_space<vmem_shared>>
        %dma_wait3A_484 = tpu.memref_slice %arg15[%run_scoped3A_337, %mul3A_336] : memref<16x2048xf32, #tpu.memory_space<vmem_shared>> -> memref<1x128xf32, #tpu.memory_space<vmem_shared>>
        %dma_wait3A_485 = tpu.memref_squeeze %dma_wait3A_484 : memref<1x128xf32, #tpu.memory_space<vmem_shared>> -> memref<128xf32, #tpu.memory_space<vmem_shared>>
        tpu.wait_dma2 semaphore(%run_scoped3A_477 : memref<!tpu.dma_semaphore, #tpu.memory_space<semaphore_mem>>) src(%dma_wait3A_485 : memref<128xf32, #tpu.memory_space<vmem_shared>>) dst(%arg13 : memref<128xf32, #tpu.memory_space<vmem>>)
        tpu.yield
      }) : () -> ()
      %scan3A_338 = arith.constant 0 : i32
      %scan3A_339 = arith.constant 0 : i32
      %scan3A_340 = arith.constant 8 : i32
      %scan3A_341 = arith.addi %scan3A_339, %scan3A_340 : i32
      %scan3A_342 = arith.constant 1 : i32
      %scan3A_343 = scf.for %scan3A_477 = %scan3A_339 to %scan3A_341 step %scan3A_342 iter_args(%scan3A_478 = %scan3A_338) -> (i32)  : i32 {
        %mul3A_479 = arith.constant 16 : i32
        %mul3A_480 = arith.muli %scan3A_477, %mul3A_479 : i32
        %get3A = arith.index_cast %mul3A_480 : i32 to index
        %get3A_481 = tpu.vector_load %arg14[%get3A] {strides = array<i32>} : memref<128xf32, #tpu.memory_space<vmem>>, vector<16xf32>,
        %mul3A_482 = arith.constant 16 : i32
        %mul3A_483 = arith.muli %scan3A_477, %mul3A_482 : i32
        %get3A_484 = arith.index_cast %mul3A_483 : i32 to index
        %get3A_485 = tpu.vector_load %arg13[%get3A_484] {strides = array<i32>} : memref<128xf32, #tpu.memory_space<vmem>>, vector<16xf32>,
        %add3A_486 = arith.addf %get3A_481, %get3A_485 : vector<16xf32>
        %swap3A = arith.index_cast %mul3A_480 : i32 to index
        %swap3A_487 = tpu.vector_load %arg14[%swap3A] {strides = array<i32>} : memref<128xf32, #tpu.memory_space<vmem>>, vector<16xf32>,
        tpu.vector_store %arg14[%swap3A], %add3A_486 {strides = array<i32>} : memref<128xf32, #tpu.memory_space<vmem>>, vector<16xf32>,
        %scan3A_488 = arith.constant 0 : i32
        scf.yield %scan3A_488 : i32
      }
      %scan3A_344 = arith.constant 8 : i32
      %mul3A_345 = arith.constant 128 : i32
      %mul3A_346 = arith.muli %arg1, %mul3A_345 : i32
      %run_scoped3A_347 = arith.constant 3 : i32
      "tpu.region"() ({
        %run_scoped3A_477 = tpu.sem_alloc : memref<!tpu.dma_semaphore, #tpu.memory_space<semaphore_mem>>
        %dma_start3A_478 = tpu.memref_slice %arg15[%run_scoped3A_347, %mul3A_346] : memref<16x2048xf32, #tpu.memory_space<vmem_shared>> -> memref<1x128xf32, #tpu.memory_space<vmem_shared>>
        %dma_start3A_479 = tpu.memref_squeeze %dma_start3A_478 : memref<1x128xf32, #tpu.memory_space<vmem_shared>> -> memref<128xf32, #tpu.memory_space<vmem_shared>>
        %dma_start3A_480 = tpu.memref_slice %arg15[%run_scoped3A_347, %mul3A_346] : memref<16x2048xf32, #tpu.memory_space<vmem_shared>> -> memref<1x128xf32, #tpu.memory_space<vmem_shared>>
        %dma_start3A_481 = tpu.memref_squeeze %dma_start3A_480 : memref<1x128xf32, #tpu.memory_space<vmem_shared>> -> memref<128xf32, #tpu.memory_space<vmem_shared>>
        tpu.enqueue_dma source(%dma_start3A_481 : memref<128xf32, #tpu.memory_space<vmem_shared>>) target(%arg13 : memref<128xf32, #tpu.memory_space<vmem>>) target_semaphore(%run_scoped3A_477 : memref<!tpu.dma_semaphore, #tpu.memory_space<semaphore_mem>>)
        %dma_wait3A_482 = tpu.memref_slice %arg15[%run_scoped3A_347, %mul3A_346] : memref<16x2048xf32, #tpu.memory_space<vmem_shared>> -> memref<1x128xf32, #tpu.memory_space<vmem_shared>>
        %dma_wait3A_483 = tpu.memref_squeeze %dma_wait3A_482 : memref<1x128xf32, #tpu.memory_space<vmem_shared>> -> memref<128xf32, #tpu.memory_space<vmem_shared>>
        %dma_wait3A_484 = tpu.memref_slice %arg15[%run_scoped3A_347, %mul3A_346] : memref<16x2048xf32, #tpu.memory_space<vmem_shared>> -> memref<1x128xf32, #tpu.memory_space<vmem_shared>>
        %dma_wait3A_485 = tpu.memref_squeeze %dma_wait3A_484 : memref<1x128xf32, #tpu.memory_space<vmem_shared>> -> memref<128xf32, #tpu.memory_space<vmem_shared>>
        tpu.wait_dma2 semaphore(%run_scoped3A_477 : memref<!tpu.dma_semaphore, #tpu.memory_space<semaphore_mem>>) src(%dma_wait3A_485 : memref<128xf32, #tpu.memory_space<vmem_shared>>) dst(%arg13 : memref<128xf32, #tpu.memory_space<vmem>>)
        tpu.yield
      }) : () -> ()
      %scan3A_348 = arith.constant 0 : i32
      %scan3A_349 = arith.constant 0 : i32
      %scan3A_350 = arith.constant 8 : i32
      %scan3A_351 = arith.addi %scan3A_349, %scan3A_350 : i32
      %scan3A_352 = arith.constant 1 : i32
      %scan3A_353 = scf.for %scan3A_477 = %scan3A_349 to %scan3A_351 step %scan3A_352 iter_args(%scan3A_478 = %scan3A_348) -> (i32)  : i32 {
        %mul3A_479 = arith.constant 16 : i32
        %mul3A_480 = arith.muli %scan3A_477, %mul3A_479 : i32
        %get3A = arith.index_cast %mul3A_480 : i32 to index
        %get3A_481 = tpu.vector_load %arg14[%get3A] {strides = array<i32>} : memref<128xf32, #tpu.memory_space<vmem>>, vector<16xf32>,
        %mul3A_482 = arith.constant 16 : i32
        %mul3A_483 = arith.muli %scan3A_477, %mul3A_482 : i32
        %get3A_484 = arith.index_cast %mul3A_483 : i32 to index
        %get3A_485 = tpu.vector_load %arg13[%get3A_484] {strides = array<i32>} : memref<128xf32, #tpu.memory_space<vmem>>, vector<16xf32>,
        %add3A_486 = arith.addf %get3A_481, %get3A_485 : vector<16xf32>
        %swap3A = arith.index_cast %mul3A_480 : i32 to index
        %swap3A_487 = tpu.vector_load %arg14[%swap3A] {strides = array<i32>} : memref<128xf32, #tpu.memory_space<vmem>>, vector<16xf32>,
        tpu.vector_store %arg14[%swap3A], %add3A_486 {strides = array<i32>} : memref<128xf32, #tpu.memory_space<vmem>>, vector<16xf32>,
        %scan3A_488 = arith.constant 0 : i32
        scf.yield %scan3A_488 : i32
      }
      %scan3A_354 = arith.constant 8 : i32
      %mul3A_355 = arith.constant 128 : i32
      %mul3A_356 = arith.muli %arg1, %mul3A_355 : i32
      %run_scoped3A_357 = arith.constant 4 : i32
      "tpu.region"() ({
        %run_scoped3A_477 = tpu.sem_alloc : memref<!tpu.dma_semaphore, #tpu.memory_space<semaphore_mem>>
        %dma_start3A_478 = tpu.memref_slice %arg15[%run_scoped3A_357, %mul3A_356] : memref<16x2048xf32, #tpu.memory_space<vmem_shared>> -> memref<1x128xf32, #tpu.memory_space<vmem_shared>>
        %dma_start3A_479 = tpu.memref_squeeze %dma_start3A_478 : memref<1x128xf32, #tpu.memory_space<vmem_shared>> -> memref<128xf32, #tpu.memory_space<vmem_shared>>
        %dma_start3A_480 = tpu.memref_slice %arg15[%run_scoped3A_357, %mul3A_356] : memref<16x2048xf32, #tpu.memory_space<vmem_shared>> -> memref<1x128xf32, #tpu.memory_space<vmem_shared>>
        %dma_start3A_481 = tpu.memref_squeeze %dma_start3A_480 : memref<1x128xf32, #tpu.memory_space<vmem_shared>> -> memref<128xf32, #tpu.memory_space<vmem_shared>>
        tpu.enqueue_dma source(%dma_start3A_481 : memref<128xf32, #tpu.memory_space<vmem_shared>>) target(%arg13 : memref<128xf32, #tpu.memory_space<vmem>>) target_semaphore(%run_scoped3A_477 : memref<!tpu.dma_semaphore, #tpu.memory_space<semaphore_mem>>)
        %dma_wait3A_482 = tpu.memref_slice %arg15[%run_scoped3A_357, %mul3A_356] : memref<16x2048xf32, #tpu.memory_space<vmem_shared>> -> memref<1x128xf32, #tpu.memory_space<vmem_shared>>
        %dma_wait3A_483 = tpu.memref_squeeze %dma_wait3A_482 : memref<1x128xf32, #tpu.memory_space<vmem_shared>> -> memref<128xf32, #tpu.memory_space<vmem_shared>>
        %dma_wait3A_484 = tpu.memref_slice %arg15[%run_scoped3A_357, %mul3A_356] : memref<16x2048xf32, #tpu.memory_space<vmem_shared>> -> memref<1x128xf32, #tpu.memory_space<vmem_shared>>
        %dma_wait3A_485 = tpu.memref_squeeze %dma_wait3A_484 : memref<1x128xf32, #tpu.memory_space<vmem_shared>> -> memref<128xf32, #tpu.memory_space<vmem_shared>>
        tpu.wait_dma2 semaphore(%run_scoped3A_477 : memref<!tpu.dma_semaphore, #tpu.memory_space<semaphore_mem>>) src(%dma_wait3A_485 : memref<128xf32, #tpu.memory_space<vmem_shared>>) dst(%arg13 : memref<128xf32, #tpu.memory_space<vmem>>)
        tpu.yield
      }) : () -> ()
      %scan3A_358 = arith.constant 0 : i32
      %scan3A_359 = arith.constant 0 : i32
      %scan3A_360 = arith.constant 8 : i32
      %scan3A_361 = arith.addi %scan3A_359, %scan3A_360 : i32
      %scan3A_362 = arith.constant 1 : i32
      %scan3A_363 = scf.for %scan3A_477 = %scan3A_359 to %scan3A_361 step %scan3A_362 iter_args(%scan3A_478 = %scan3A_358) -> (i32)  : i32 {
        %mul3A_479 = arith.constant 16 : i32
        %mul3A_480 = arith.muli %scan3A_477, %mul3A_479 : i32
        %get3A = arith.index_cast %mul3A_480 : i32 to index
        %get3A_481 = tpu.vector_load %arg14[%get3A] {strides = array<i32>} : memref<128xf32, #tpu.memory_space<vmem>>, vector<16xf32>,
        %mul3A_482 = arith.constant 16 : i32
        %mul3A_483 = arith.muli %scan3A_477, %mul3A_482 : i32
        %get3A_484 = arith.index_cast %mul3A_483 : i32 to index
        %get3A_485 = tpu.vector_load %arg13[%get3A_484] {strides = array<i32>} : memref<128xf32, #tpu.memory_space<vmem>>, vector<16xf32>,
        %add3A_486 = arith.addf %get3A_481, %get3A_485 : vector<16xf32>
        %swap3A = arith.index_cast %mul3A_480 : i32 to index
        %swap3A_487 = tpu.vector_load %arg14[%swap3A] {strides = array<i32>} : memref<128xf32, #tpu.memory_space<vmem>>, vector<16xf32>,
        tpu.vector_store %arg14[%swap3A], %add3A_486 {strides = array<i32>} : memref<128xf32, #tpu.memory_space<vmem>>, vector<16xf32>,
        %scan3A_488 = arith.constant 0 : i32
        scf.yield %scan3A_488 : i32
      }
      %scan3A_364 = arith.constant 8 : i32
      %mul3A_365 = arith.constant 128 : i32
      %mul3A_366 = arith.muli %arg1, %mul3A_365 : i32
      %run_scoped3A_367 = arith.constant 5 : i32
      "tpu.region"() ({
        %run_scoped3A_477 = tpu.sem_alloc : memref<!tpu.dma_semaphore, #tpu.memory_space<semaphore_mem>>
        %dma_start3A_478 = tpu.memref_slice %arg15[%run_scoped3A_367, %mul3A_366] : memref<16x2048xf32, #tpu.memory_space<vmem_shared>> -> memref<1x128xf32, #tpu.memory_space<vmem_shared>>
        %dma_start3A_479 = tpu.memref_squeeze %dma_start3A_478 : memref<1x128xf32, #tpu.memory_space<vmem_shared>> -> memref<128xf32, #tpu.memory_space<vmem_shared>>
        %dma_start3A_480 = tpu.memref_slice %arg15[%run_scoped3A_367, %mul3A_366] : memref<16x2048xf32, #tpu.memory_space<vmem_shared>> -> memref<1x128xf32, #tpu.memory_space<vmem_shared>>
        %dma_start3A_481 = tpu.memref_squeeze %dma_start3A_480 : memref<1x128xf32, #tpu.memory_space<vmem_shared>> -> memref<128xf32, #tpu.memory_space<vmem_shared>>
        tpu.enqueue_dma source(%dma_start3A_481 : memref<128xf32, #tpu.memory_space<vmem_shared>>) target(%arg13 : memref<128xf32, #tpu.memory_space<vmem>>) target_semaphore(%run_scoped3A_477 : memref<!tpu.dma_semaphore, #tpu.memory_space<semaphore_mem>>)
        %dma_wait3A_482 = tpu.memref_slice %arg15[%run_scoped3A_367, %mul3A_366] : memref<16x2048xf32, #tpu.memory_space<vmem_shared>> -> memref<1x128xf32, #tpu.memory_space<vmem_shared>>
        %dma_wait3A_483 = tpu.memref_squeeze %dma_wait3A_482 : memref<1x128xf32, #tpu.memory_space<vmem_shared>> -> memref<128xf32, #tpu.memory_space<vmem_shared>>
        %dma_wait3A_484 = tpu.memref_slice %arg15[%run_scoped3A_367, %mul3A_366] : memref<16x2048xf32, #tpu.memory_space<vmem_shared>> -> memref<1x128xf32, #tpu.memory_space<vmem_shared>>
        %dma_wait3A_485 = tpu.memref_squeeze %dma_wait3A_484 : memref<1x128xf32, #tpu.memory_space<vmem_shared>> -> memref<128xf32, #tpu.memory_space<vmem_shared>>
        tpu.wait_dma2 semaphore(%run_scoped3A_477 : memref<!tpu.dma_semaphore, #tpu.memory_space<semaphore_mem>>) src(%dma_wait3A_485 : memref<128xf32, #tpu.memory_space<vmem_shared>>) dst(%arg13 : memref<128xf32, #tpu.memory_space<vmem>>)
        tpu.yield
      }) : () -> ()
      %scan3A_368 = arith.constant 0 : i32
      %scan3A_369 = arith.constant 0 : i32
      %scan3A_370 = arith.constant 8 : i32
      %scan3A_371 = arith.addi %scan3A_369, %scan3A_370 : i32
      %scan3A_372 = arith.constant 1 : i32
      %scan3A_373 = scf.for %scan3A_477 = %scan3A_369 to %scan3A_371 step %scan3A_372 iter_args(%scan3A_478 = %scan3A_368) -> (i32)  : i32 {
        %mul3A_479 = arith.constant 16 : i32
        %mul3A_480 = arith.muli %scan3A_477, %mul3A_479 : i32
        %get3A = arith.index_cast %mul3A_480 : i32 to index
        %get3A_481 = tpu.vector_load %arg14[%get3A] {strides = array<i32>} : memref<128xf32, #tpu.memory_space<vmem>>, vector<16xf32>,
        %mul3A_482 = arith.constant 16 : i32
        %mul3A_483 = arith.muli %scan3A_477, %mul3A_482 : i32
        %get3A_484 = arith.index_cast %mul3A_483 : i32 to index
        %get3A_485 = tpu.vector_load %arg13[%get3A_484] {strides = array<i32>} : memref<128xf32, #tpu.memory_space<vmem>>, vector<16xf32>,
        %add3A_486 = arith.addf %get3A_481, %get3A_485 : vector<16xf32>
        %swap3A = arith.index_cast %mul3A_480 : i32 to index
        %swap3A_487 = tpu.vector_load %arg14[%swap3A] {strides = array<i32>} : memref<128xf32, #tpu.memory_space<vmem>>, vector<16xf32>,
        tpu.vector_store %arg14[%swap3A], %add3A_486 {strides = array<i32>} : memref<128xf32, #tpu.memory_space<vmem>>, vector<16xf32>,
        %scan3A_488 = arith.constant 0 : i32
        scf.yield %scan3A_488 : i32
      }
      %scan3A_374 = arith.constant 8 : i32
      %mul3A_375 = arith.constant 128 : i32
      %mul3A_376 = arith.muli %arg1, %mul3A_375 : i32
      %run_scoped3A_377 = arith.constant 6 : i32
      "tpu.region"() ({
        %run_scoped3A_477 = tpu.sem_alloc : memref<!tpu.dma_semaphore, #tpu.memory_space<semaphore_mem>>
        %dma_start3A_478 = tpu.memref_slice %arg15[%run_scoped3A_377, %mul3A_376] : memref<16x2048xf32, #tpu.memory_space<vmem_shared>> -> memref<1x128xf32, #tpu.memory_space<vmem_shared>>
        %dma_start3A_479 = tpu.memref_squeeze %dma_start3A_478 : memref<1x128xf32, #tpu.memory_space<vmem_shared>> -> memref<128xf32, #tpu.memory_space<vmem_shared>>
        %dma_start3A_480 = tpu.memref_slice %arg15[%run_scoped3A_377, %mul3A_376] : memref<16x2048xf32, #tpu.memory_space<vmem_shared>> -> memref<1x128xf32, #tpu.memory_space<vmem_shared>>
        %dma_start3A_481 = tpu.memref_squeeze %dma_start3A_480 : memref<1x128xf32, #tpu.memory_space<vmem_shared>> -> memref<128xf32, #tpu.memory_space<vmem_shared>>
        tpu.enqueue_dma source(%dma_start3A_481 : memref<128xf32, #tpu.memory_space<vmem_shared>>) target(%arg13 : memref<128xf32, #tpu.memory_space<vmem>>) target_semaphore(%run_scoped3A_477 : memref<!tpu.dma_semaphore, #tpu.memory_space<semaphore_mem>>)
        %dma_wait3A_482 = tpu.memref_slice %arg15[%run_scoped3A_377, %mul3A_376] : memref<16x2048xf32, #tpu.memory_space<vmem_shared>> -> memref<1x128xf32, #tpu.memory_space<vmem_shared>>
        %dma_wait3A_483 = tpu.memref_squeeze %dma_wait3A_482 : memref<1x128xf32, #tpu.memory_space<vmem_shared>> -> memref<128xf32, #tpu.memory_space<vmem_shared>>
        %dma_wait3A_484 = tpu.memref_slice %arg15[%run_scoped3A_377, %mul3A_376] : memref<16x2048xf32, #tpu.memory_space<vmem_shared>> -> memref<1x128xf32, #tpu.memory_space<vmem_shared>>
        %dma_wait3A_485 = tpu.memref_squeeze %dma_wait3A_484 : memref<1x128xf32, #tpu.memory_space<vmem_shared>> -> memref<128xf32, #tpu.memory_space<vmem_shared>>
        tpu.wait_dma2 semaphore(%run_scoped3A_477 : memref<!tpu.dma_semaphore, #tpu.memory_space<semaphore_mem>>) src(%dma_wait3A_485 : memref<128xf32, #tpu.memory_space<vmem_shared>>) dst(%arg13 : memref<128xf32, #tpu.memory_space<vmem>>)
        tpu.yield
      }) : () -> ()
      %scan3A_378 = arith.constant 0 : i32
      %scan3A_379 = arith.constant 0 : i32
      %scan3A_380 = arith.constant 8 : i32
      %scan3A_381 = arith.addi %scan3A_379, %scan3A_380 : i32
      %scan3A_382 = arith.constant 1 : i32
      %scan3A_383 = scf.for %scan3A_477 = %scan3A_379 to %scan3A_381 step %scan3A_382 iter_args(%scan3A_478 = %scan3A_378) -> (i32)  : i32 {
        %mul3A_479 = arith.constant 16 : i32
        %mul3A_480 = arith.muli %scan3A_477, %mul3A_479 : i32
        %get3A = arith.index_cast %mul3A_480 : i32 to index
        %get3A_481 = tpu.vector_load %arg14[%get3A] {strides = array<i32>} : memref<128xf32, #tpu.memory_space<vmem>>, vector<16xf32>,
        %mul3A_482 = arith.constant 16 : i32
        %mul3A_483 = arith.muli %scan3A_477, %mul3A_482 : i32
        %get3A_484 = arith.index_cast %mul3A_483 : i32 to index
        %get3A_485 = tpu.vector_load %arg13[%get3A_484] {strides = array<i32>} : memref<128xf32, #tpu.memory_space<vmem>>, vector<16xf32>,
        %add3A_486 = arith.addf %get3A_481, %get3A_485 : vector<16xf32>
        %swap3A = arith.index_cast %mul3A_480 : i32 to index
        %swap3A_487 = tpu.vector_load %arg14[%swap3A] {strides = array<i32>} : memref<128xf32, #tpu.memory_space<vmem>>, vector<16xf32>,
        tpu.vector_store %arg14[%swap3A], %add3A_486 {strides = array<i32>} : memref<128xf32, #tpu.memory_space<vmem>>, vector<16xf32>,
        %scan3A_488 = arith.constant 0 : i32
        scf.yield %scan3A_488 : i32
      }
      %scan3A_384 = arith.constant 8 : i32
      %mul3A_385 = arith.constant 128 : i32
      %mul3A_386 = arith.muli %arg1, %mul3A_385 : i32
      %run_scoped3A_387 = arith.constant 7 : i32
      "tpu.region"() ({
        %run_scoped3A_477 = tpu.sem_alloc : memref<!tpu.dma_semaphore, #tpu.memory_space<semaphore_mem>>
        %dma_start3A_478 = tpu.memref_slice %arg15[%run_scoped3A_387, %mul3A_386] : memref<16x2048xf32, #tpu.memory_space<vmem_shared>> -> memref<1x128xf32, #tpu.memory_space<vmem_shared>>
        %dma_start3A_479 = tpu.memref_squeeze %dma_start3A_478 : memref<1x128xf32, #tpu.memory_space<vmem_shared>> -> memref<128xf32, #tpu.memory_space<vmem_shared>>
        %dma_start3A_480 = tpu.memref_slice %arg15[%run_scoped3A_387, %mul3A_386] : memref<16x2048xf32, #tpu.memory_space<vmem_shared>> -> memref<1x128xf32, #tpu.memory_space<vmem_shared>>
        %dma_start3A_481 = tpu.memref_squeeze %dma_start3A_480 : memref<1x128xf32, #tpu.memory_space<vmem_shared>> -> memref<128xf32, #tpu.memory_space<vmem_shared>>
        tpu.enqueue_dma source(%dma_start3A_481 : memref<128xf32, #tpu.memory_space<vmem_shared>>) target(%arg13 : memref<128xf32, #tpu.memory_space<vmem>>) target_semaphore(%run_scoped3A_477 : memref<!tpu.dma_semaphore, #tpu.memory_space<semaphore_mem>>)
        %dma_wait3A_482 = tpu.memref_slice %arg15[%run_scoped3A_387, %mul3A_386] : memref<16x2048xf32, #tpu.memory_space<vmem_shared>> -> memref<1x128xf32, #tpu.memory_space<vmem_shared>>
        %dma_wait3A_483 = tpu.memref_squeeze %dma_wait3A_482 : memref<1x128xf32, #tpu.memory_space<vmem_shared>> -> memref<128xf32, #tpu.memory_space<vmem_shared>>
        %dma_wait3A_484 = tpu.memref_slice %arg15[%run_scoped3A_387, %mul3A_386] : memref<16x2048xf32, #tpu.memory_space<vmem_shared>> -> memref<1x128xf32, #tpu.memory_space<vmem_shared>>
        %dma_wait3A_485 = tpu.memref_squeeze %dma_wait3A_484 : memref<1x128xf32, #tpu.memory_space<vmem_shared>> -> memref<128xf32, #tpu.memory_space<vmem_shared>>
        tpu.wait_dma2 semaphore(%run_scoped3A_477 : memref<!tpu.dma_semaphore, #tpu.memory_space<semaphore_mem>>) src(%dma_wait3A_485 : memref<128xf32, #tpu.memory_space<vmem_shared>>) dst(%arg13 : memref<128xf32, #tpu.memory_space<vmem>>)
        tpu.yield
      }) : () -> ()
      %scan3A_388 = arith.constant 0 : i32
      %scan3A_389 = arith.constant 0 : i32
      %scan3A_390 = arith.constant 8 : i32
      %scan3A_391 = arith.addi %scan3A_389, %scan3A_390 : i32
      %scan3A_392 = arith.constant 1 : i32
      %scan3A_393 = scf.for %scan3A_477 = %scan3A_389 to %scan3A_391 step %scan3A_392 iter_args(%scan3A_478 = %scan3A_388) -> (i32)  : i32 {
        %mul3A_479 = arith.constant 16 : i32
        %mul3A_480 = arith.muli %scan3A_477, %mul3A_479 : i32
        %get3A = arith.index_cast %mul3A_480 : i32 to index
        %get3A_481 = tpu.vector_load %arg14[%get3A] {strides = array<i32>} : memref<128xf32, #tpu.memory_space<vmem>>, vector<16xf32>,
        %mul3A_482 = arith.constant 16 : i32
        %mul3A_483 = arith.muli %scan3A_477, %mul3A_482 : i32
        %get3A_484 = arith.index_cast %mul3A_483 : i32 to index
        %get3A_485 = tpu.vector_load %arg13[%get3A_484] {strides = array<i32>} : memref<128xf32, #tpu.memory_space<vmem>>, vector<16xf32>,
        %add3A_486 = arith.addf %get3A_481, %get3A_485 : vector<16xf32>
        %swap3A = arith.index_cast %mul3A_480 : i32 to index
        %swap3A_487 = tpu.vector_load %arg14[%swap3A] {strides = array<i32>} : memref<128xf32, #tpu.memory_space<vmem>>, vector<16xf32>,
        tpu.vector_store %arg14[%swap3A], %add3A_486 {strides = array<i32>} : memref<128xf32, #tpu.memory_space<vmem>>, vector<16xf32>,
        %scan3A_488 = arith.constant 0 : i32
        scf.yield %scan3A_488 : i32
      }
      %scan3A_394 = arith.constant 8 : i32
      %mul3A_395 = arith.constant 128 : i32
      %mul3A_396 = arith.muli %arg1, %mul3A_395 : i32
      %run_scoped3A_397 = arith.constant 8 : i32
      "tpu.region"() ({
        %run_scoped3A_477 = tpu.sem_alloc : memref<!tpu.dma_semaphore, #tpu.memory_space<semaphore_mem>>
        %dma_start3A_478 = tpu.memref_slice %arg15[%run_scoped3A_397, %mul3A_396] : memref<16x2048xf32, #tpu.memory_space<vmem_shared>> -> memref<1x128xf32, #tpu.memory_space<vmem_shared>>
        %dma_start3A_479 = tpu.memref_squeeze %dma_start3A_478 : memref<1x128xf32, #tpu.memory_space<vmem_shared>> -> memref<128xf32, #tpu.memory_space<vmem_shared>>
        %dma_start3A_480 = tpu.memref_slice %arg15[%run_scoped3A_397, %mul3A_396] : memref<16x2048xf32, #tpu.memory_space<vmem_shared>> -> memref<1x128xf32, #tpu.memory_space<vmem_shared>>
        %dma_start3A_481 = tpu.memref_squeeze %dma_start3A_480 : memref<1x128xf32, #tpu.memory_space<vmem_shared>> -> memref<128xf32, #tpu.memory_space<vmem_shared>>
        tpu.enqueue_dma source(%dma_start3A_481 : memref<128xf32, #tpu.memory_space<vmem_shared>>) target(%arg13 : memref<128xf32, #tpu.memory_space<vmem>>) target_semaphore(%run_scoped3A_477 : memref<!tpu.dma_semaphore, #tpu.memory_space<semaphore_mem>>)
        %dma_wait3A_482 = tpu.memref_slice %arg15[%run_scoped3A_397, %mul3A_396] : memref<16x2048xf32, #tpu.memory_space<vmem_shared>> -> memref<1x128xf32, #tpu.memory_space<vmem_shared>>
        %dma_wait3A_483 = tpu.memref_squeeze %dma_wait3A_482 : memref<1x128xf32, #tpu.memory_space<vmem_shared>> -> memref<128xf32, #tpu.memory_space<vmem_shared>>
        %dma_wait3A_484 = tpu.memref_slice %arg15[%run_scoped3A_397, %mul3A_396] : memref<16x2048xf32, #tpu.memory_space<vmem_shared>> -> memref<1x128xf32, #tpu.memory_space<vmem_shared>>
        %dma_wait3A_485 = tpu.memref_squeeze %dma_wait3A_484 : memref<1x128xf32, #tpu.memory_space<vmem_shared>> -> memref<128xf32, #tpu.memory_space<vmem_shared>>
        tpu.wait_dma2 semaphore(%run_scoped3A_477 : memref<!tpu.dma_semaphore, #tpu.memory_space<semaphore_mem>>) src(%dma_wait3A_485 : memref<128xf32, #tpu.memory_space<vmem_shared>>) dst(%arg13 : memref<128xf32, #tpu.memory_space<vmem>>)
        tpu.yield
      }) : () -> ()
      %scan3A_398 = arith.constant 0 : i32
      %scan3A_399 = arith.constant 0 : i32
      %scan3A_400 = arith.constant 8 : i32
      %scan3A_401 = arith.addi %scan3A_399, %scan3A_400 : i32
      %scan3A_402 = arith.constant 1 : i32
      %scan3A_403 = scf.for %scan3A_477 = %scan3A_399 to %scan3A_401 step %scan3A_402 iter_args(%scan3A_478 = %scan3A_398) -> (i32)  : i32 {
        %mul3A_479 = arith.constant 16 : i32
        %mul3A_480 = arith.muli %scan3A_477, %mul3A_479 : i32
        %get3A = arith.index_cast %mul3A_480 : i32 to index
        %get3A_481 = tpu.vector_load %arg14[%get3A] {strides = array<i32>} : memref<128xf32, #tpu.memory_space<vmem>>, vector<16xf32>,
        %mul3A_482 = arith.constant 16 : i32
        %mul3A_483 = arith.muli %scan3A_477, %mul3A_482 : i32
        %get3A_484 = arith.index_cast %mul3A_483 : i32 to index
        %get3A_485 = tpu.vector_load %arg13[%get3A_484] {strides = array<i32>} : memref<128xf32, #tpu.memory_space<vmem>>, vector<16xf32>,
        %add3A_486 = arith.addf %get3A_481, %get3A_485 : vector<16xf32>
        %swap3A = arith.index_cast %mul3A_480 : i32 to index
        %swap3A_487 = tpu.vector_load %arg14[%swap3A] {strides = array<i32>} : memref<128xf32, #tpu.memory_space<vmem>>, vector<16xf32>,
        tpu.vector_store %arg14[%swap3A], %add3A_486 {strides = array<i32>} : memref<128xf32, #tpu.memory_space<vmem>>, vector<16xf32>,
        %scan3A_488 = arith.constant 0 : i32
        scf.yield %scan3A_488 : i32
      }
      %scan3A_404 = arith.constant 8 : i32
      %mul3A_405 = arith.constant 128 : i32
      %mul3A_406 = arith.muli %arg1, %mul3A_405 : i32
      %run_scoped3A_407 = arith.constant 9 : i32
      "tpu.region"() ({
        %run_scoped3A_477 = tpu.sem_alloc : memref<!tpu.dma_semaphore, #tpu.memory_space<semaphore_mem>>
        %dma_start3A_478 = tpu.memref_slice %arg15[%run_scoped3A_407, %mul3A_406] : memref<16x2048xf32, #tpu.memory_space<vmem_shared>> -> memref<1x128xf32, #tpu.memory_space<vmem_shared>>
        %dma_start3A_479 = tpu.memref_squeeze %dma_start3A_478 : memref<1x128xf32, #tpu.memory_space<vmem_shared>> -> memref<128xf32, #tpu.memory_space<vmem_shared>>
        %dma_start3A_480 = tpu.memref_slice %arg15[%run_scoped3A_407, %mul3A_406] : memref<16x2048xf32, #tpu.memory_space<vmem_shared>> -> memref<1x128xf32, #tpu.memory_space<vmem_shared>>
        %dma_start3A_481 = tpu.memref_squeeze %dma_start3A_480 : memref<1x128xf32, #tpu.memory_space<vmem_shared>> -> memref<128xf32, #tpu.memory_space<vmem_shared>>
        tpu.enqueue_dma source(%dma_start3A_481 : memref<128xf32, #tpu.memory_space<vmem_shared>>) target(%arg13 : memref<128xf32, #tpu.memory_space<vmem>>) target_semaphore(%run_scoped3A_477 : memref<!tpu.dma_semaphore, #tpu.memory_space<semaphore_mem>>)
        %dma_wait3A_482 = tpu.memref_slice %arg15[%run_scoped3A_407, %mul3A_406] : memref<16x2048xf32, #tpu.memory_space<vmem_shared>> -> memref<1x128xf32, #tpu.memory_space<vmem_shared>>
        %dma_wait3A_483 = tpu.memref_squeeze %dma_wait3A_482 : memref<1x128xf32, #tpu.memory_space<vmem_shared>> -> memref<128xf32, #tpu.memory_space<vmem_shared>>
        %dma_wait3A_484 = tpu.memref_slice %arg15[%run_scoped3A_407, %mul3A_406] : memref<16x2048xf32, #tpu.memory_space<vmem_shared>> -> memref<1x128xf32, #tpu.memory_space<vmem_shared>>
        %dma_wait3A_485 = tpu.memref_squeeze %dma_wait3A_484 : memref<1x128xf32, #tpu.memory_space<vmem_shared>> -> memref<128xf32, #tpu.memory_space<vmem_shared>>
        tpu.wait_dma2 semaphore(%run_scoped3A_477 : memref<!tpu.dma_semaphore, #tpu.memory_space<semaphore_mem>>) src(%dma_wait3A_485 : memref<128xf32, #tpu.memory_space<vmem_shared>>) dst(%arg13 : memref<128xf32, #tpu.memory_space<vmem>>)
        tpu.yield
      }) : () -> ()
      %scan3A_408 = arith.constant 0 : i32
      %scan3A_409 = arith.constant 0 : i32
      %scan3A_410 = arith.constant 8 : i32
      %scan3A_411 = arith.addi %scan3A_409, %scan3A_410 : i32
      %scan3A_412 = arith.constant 1 : i32
      %scan3A_413 = scf.for %scan3A_477 = %scan3A_409 to %scan3A_411 step %scan3A_412 iter_args(%scan3A_478 = %scan3A_408) -> (i32)  : i32 {
        %mul3A_479 = arith.constant 16 : i32
        %mul3A_480 = arith.muli %scan3A_477, %mul3A_479 : i32
        %get3A = arith.index_cast %mul3A_480 : i32 to index
        %get3A_481 = tpu.vector_load %arg14[%get3A] {strides = array<i32>} : memref<128xf32, #tpu.memory_space<vmem>>, vector<16xf32>,
        %mul3A_482 = arith.constant 16 : i32
        %mul3A_483 = arith.muli %scan3A_477, %mul3A_482 : i32
        %get3A_484 = arith.index_cast %mul3A_483 : i32 to index
        %get3A_485 = tpu.vector_load %arg13[%get3A_484] {strides = array<i32>} : memref<128xf32, #tpu.memory_space<vmem>>, vector<16xf32>,
        %add3A_486 = arith.addf %get3A_481, %get3A_485 : vector<16xf32>
        %swap3A = arith.index_cast %mul3A_480 : i32 to index
        %swap3A_487 = tpu.vector_load %arg14[%swap3A] {strides = array<i32>} : memref<128xf32, #tpu.memory_space<vmem>>, vector<16xf32>,
        tpu.vector_store %arg14[%swap3A], %add3A_486 {strides = array<i32>} : memref<128xf32, #tpu.memory_space<vmem>>, vector<16xf32>,
        %scan3A_488 = arith.constant 0 : i32
        scf.yield %scan3A_488 : i32
      }
      %scan3A_414 = arith.constant 8 : i32
      %mul3A_415 = arith.constant 128 : i32
      %mul3A_416 = arith.muli %arg1, %mul3A_415 : i32
      %run_scoped3A_417 = arith.constant 10 : i32
      "tpu.region"() ({
        %run_scoped3A_477 = tpu.sem_alloc : memref<!tpu.dma_semaphore, #tpu.memory_space<semaphore_mem>>
        %dma_start3A_478 = tpu.memref_slice %arg15[%run_scoped3A_417, %mul3A_416] : memref<16x2048xf32, #tpu.memory_space<vmem_shared>> -> memref<1x128xf32, #tpu.memory_space<vmem_shared>>
        %dma_start3A_479 = tpu.memref_squeeze %dma_start3A_478 : memref<1x128xf32, #tpu.memory_space<vmem_shared>> -> memref<128xf32, #tpu.memory_space<vmem_shared>>
        %dma_start3A_480 = tpu.memref_slice %arg15[%run_scoped3A_417, %mul3A_416] : memref<16x2048xf32, #tpu.memory_space<vmem_shared>> -> memref<1x128xf32, #tpu.memory_space<vmem_shared>>
        %dma_start3A_481 = tpu.memref_squeeze %dma_start3A_480 : memref<1x128xf32, #tpu.memory_space<vmem_shared>> -> memref<128xf32, #tpu.memory_space<vmem_shared>>
        tpu.enqueue_dma source(%dma_start3A_481 : memref<128xf32, #tpu.memory_space<vmem_shared>>) target(%arg13 : memref<128xf32, #tpu.memory_space<vmem>>) target_semaphore(%run_scoped3A_477 : memref<!tpu.dma_semaphore, #tpu.memory_space<semaphore_mem>>)
        %dma_wait3A_482 = tpu.memref_slice %arg15[%run_scoped3A_417, %mul3A_416] : memref<16x2048xf32, #tpu.memory_space<vmem_shared>> -> memref<1x128xf32, #tpu.memory_space<vmem_shared>>
        %dma_wait3A_483 = tpu.memref_squeeze %dma_wait3A_482 : memref<1x128xf32, #tpu.memory_space<vmem_shared>> -> memref<128xf32, #tpu.memory_space<vmem_shared>>
        %dma_wait3A_484 = tpu.memref_slice %arg15[%run_scoped3A_417, %mul3A_416] : memref<16x2048xf32, #tpu.memory_space<vmem_shared>> -> memref<1x128xf32, #tpu.memory_space<vmem_shared>>
        %dma_wait3A_485 = tpu.memref_squeeze %dma_wait3A_484 : memref<1x128xf32, #tpu.memory_space<vmem_shared>> -> memref<128xf32, #tpu.memory_space<vmem_shared>>
        tpu.wait_dma2 semaphore(%run_scoped3A_477 : memref<!tpu.dma_semaphore, #tpu.memory_space<semaphore_mem>>) src(%dma_wait3A_485 : memref<128xf32, #tpu.memory_space<vmem_shared>>) dst(%arg13 : memref<128xf32, #tpu.memory_space<vmem>>)
        tpu.yield
      }) : () -> ()
      %scan3A_418 = arith.constant 0 : i32
      %scan3A_419 = arith.constant 0 : i32
      %scan3A_420 = arith.constant 8 : i32
      %scan3A_421 = arith.addi %scan3A_419, %scan3A_420 : i32
      %scan3A_422 = arith.constant 1 : i32
      %scan3A_423 = scf.for %scan3A_477 = %scan3A_419 to %scan3A_421 step %scan3A_422 iter_args(%scan3A_478 = %scan3A_418) -> (i32)  : i32 {
        %mul3A_479 = arith.constant 16 : i32
        %mul3A_480 = arith.muli %scan3A_477, %mul3A_479 : i32
        %get3A = arith.index_cast %mul3A_480 : i32 to index
        %get3A_481 = tpu.vector_load %arg14[%get3A] {strides = array<i32>} : memref<128xf32, #tpu.memory_space<vmem>>, vector<16xf32>,
        %mul3A_482 = arith.constant 16 : i32
        %mul3A_483 = arith.muli %scan3A_477, %mul3A_482 : i32
        %get3A_484 = arith.index_cast %mul3A_483 : i32 to index
        %get3A_485 = tpu.vector_load %arg13[%get3A_484] {strides = array<i32>} : memref<128xf32, #tpu.memory_space<vmem>>, vector<16xf32>,
        %add3A_486 = arith.addf %get3A_481, %get3A_485 : vector<16xf32>
        %swap3A = arith.index_cast %mul3A_480 : i32 to index
        %swap3A_487 = tpu.vector_load %arg14[%swap3A] {strides = array<i32>} : memref<128xf32, #tpu.memory_space<vmem>>, vector<16xf32>,
        tpu.vector_store %arg14[%swap3A], %add3A_486 {strides = array<i32>} : memref<128xf32, #tpu.memory_space<vmem>>, vector<16xf32>,
        %scan3A_488 = arith.constant 0 : i32
        scf.yield %scan3A_488 : i32
      }
      %scan3A_424 = arith.constant 8 : i32
      %mul3A_425 = arith.constant 128 : i32
      %mul3A_426 = arith.muli %arg1, %mul3A_425 : i32
      %run_scoped3A_427 = arith.constant 11 : i32
      "tpu.region"() ({
        %run_scoped3A_477 = tpu.sem_alloc : memref<!tpu.dma_semaphore, #tpu.memory_space<semaphore_mem>>
        %dma_start3A_478 = tpu.memref_slice %arg15[%run_scoped3A_427, %mul3A_426] : memref<16x2048xf32, #tpu.memory_space<vmem_shared>> -> memref<1x128xf32, #tpu.memory_space<vmem_shared>>
        %dma_start3A_479 = tpu.memref_squeeze %dma_start3A_478 : memref<1x128xf32, #tpu.memory_space<vmem_shared>> -> memref<128xf32, #tpu.memory_space<vmem_shared>>
        %dma_start3A_480 = tpu.memref_slice %arg15[%run_scoped3A_427, %mul3A_426] : memref<16x2048xf32, #tpu.memory_space<vmem_shared>> -> memref<1x128xf32, #tpu.memory_space<vmem_shared>>
        %dma_start3A_481 = tpu.memref_squeeze %dma_start3A_480 : memref<1x128xf32, #tpu.memory_space<vmem_shared>> -> memref<128xf32, #tpu.memory_space<vmem_shared>>
        tpu.enqueue_dma source(%dma_start3A_481 : memref<128xf32, #tpu.memory_space<vmem_shared>>) target(%arg13 : memref<128xf32, #tpu.memory_space<vmem>>) target_semaphore(%run_scoped3A_477 : memref<!tpu.dma_semaphore, #tpu.memory_space<semaphore_mem>>)
        %dma_wait3A_482 = tpu.memref_slice %arg15[%run_scoped3A_427, %mul3A_426] : memref<16x2048xf32, #tpu.memory_space<vmem_shared>> -> memref<1x128xf32, #tpu.memory_space<vmem_shared>>
        %dma_wait3A_483 = tpu.memref_squeeze %dma_wait3A_482 : memref<1x128xf32, #tpu.memory_space<vmem_shared>> -> memref<128xf32, #tpu.memory_space<vmem_shared>>
        %dma_wait3A_484 = tpu.memref_slice %arg15[%run_scoped3A_427, %mul3A_426] : memref<16x2048xf32, #tpu.memory_space<vmem_shared>> -> memref<1x128xf32, #tpu.memory_space<vmem_shared>>
        %dma_wait3A_485 = tpu.memref_squeeze %dma_wait3A_484 : memref<1x128xf32, #tpu.memory_space<vmem_shared>> -> memref<128xf32, #tpu.memory_space<vmem_shared>>
        tpu.wait_dma2 semaphore(%run_scoped3A_477 : memref<!tpu.dma_semaphore, #tpu.memory_space<semaphore_mem>>) src(%dma_wait3A_485 : memref<128xf32, #tpu.memory_space<vmem_shared>>) dst(%arg13 : memref<128xf32, #tpu.memory_space<vmem>>)
        tpu.yield
      }) : () -> ()
      %scan3A_428 = arith.constant 0 : i32
      %scan3A_429 = arith.constant 0 : i32
      %scan3A_430 = arith.constant 8 : i32
      %scan3A_431 = arith.addi %scan3A_429, %scan3A_430 : i32
      %scan3A_432 = arith.constant 1 : i32
      %scan3A_433 = scf.for %scan3A_477 = %scan3A_429 to %scan3A_431 step %scan3A_432 iter_args(%scan3A_478 = %scan3A_428) -> (i32)  : i32 {
        %mul3A_479 = arith.constant 16 : i32
        %mul3A_480 = arith.muli %scan3A_477, %mul3A_479 : i32
        %get3A = arith.index_cast %mul3A_480 : i32 to index
        %get3A_481 = tpu.vector_load %arg14[%get3A] {strides = array<i32>} : memref<128xf32, #tpu.memory_space<vmem>>, vector<16xf32>,
        %mul3A_482 = arith.constant 16 : i32
        %mul3A_483 = arith.muli %scan3A_477, %mul3A_482 : i32
        %get3A_484 = arith.index_cast %mul3A_483 : i32 to index
        %get3A_485 = tpu.vector_load %arg13[%get3A_484] {strides = array<i32>} : memref<128xf32, #tpu.memory_space<vmem>>, vector<16xf32>,
        %add3A_486 = arith.addf %get3A_481, %get3A_485 : vector<16xf32>
        %swap3A = arith.index_cast %mul3A_480 : i32 to index
        %swap3A_487 = tpu.vector_load %arg14[%swap3A] {strides = array<i32>} : memref<128xf32, #tpu.memory_space<vmem>>, vector<16xf32>,
        tpu.vector_store %arg14[%swap3A], %add3A_486 {strides = array<i32>} : memref<128xf32, #tpu.memory_space<vmem>>, vector<16xf32>,
        %scan3A_488 = arith.constant 0 : i32
        scf.yield %scan3A_488 : i32
      }
      %scan3A_434 = arith.constant 8 : i32
      %mul3A_435 = arith.constant 128 : i32
      %mul3A_436 = arith.muli %arg1, %mul3A_435 : i32
      %run_scoped3A_437 = arith.constant 12 : i32
      "tpu.region"() ({
        %run_scoped3A_477 = tpu.sem_alloc : memref<!tpu.dma_semaphore, #tpu.memory_space<semaphore_mem>>
        %dma_start3A_478 = tpu.memref_slice %arg15[%run_scoped3A_437, %mul3A_436] : memref<16x2048xf32, #tpu.memory_space<vmem_shared>> -> memref<1x128xf32, #tpu.memory_space<vmem_shared>>
        %dma_start3A_479 = tpu.memref_squeeze %dma_start3A_478 : memref<1x128xf32, #tpu.memory_space<vmem_shared>> -> memref<128xf32, #tpu.memory_space<vmem_shared>>
        %dma_start3A_480 = tpu.memref_slice %arg15[%run_scoped3A_437, %mul3A_436] : memref<16x2048xf32, #tpu.memory_space<vmem_shared>> -> memref<1x128xf32, #tpu.memory_space<vmem_shared>>
        %dma_start3A_481 = tpu.memref_squeeze %dma_start3A_480 : memref<1x128xf32, #tpu.memory_space<vmem_shared>> -> memref<128xf32, #tpu.memory_space<vmem_shared>>
        tpu.enqueue_dma source(%dma_start3A_481 : memref<128xf32, #tpu.memory_space<vmem_shared>>) target(%arg13 : memref<128xf32, #tpu.memory_space<vmem>>) target_semaphore(%run_scoped3A_477 : memref<!tpu.dma_semaphore, #tpu.memory_space<semaphore_mem>>)
        %dma_wait3A_482 = tpu.memref_slice %arg15[%run_scoped3A_437, %mul3A_436] : memref<16x2048xf32, #tpu.memory_space<vmem_shared>> -> memref<1x128xf32, #tpu.memory_space<vmem_shared>>
        %dma_wait3A_483 = tpu.memref_squeeze %dma_wait3A_482 : memref<1x128xf32, #tpu.memory_space<vmem_shared>> -> memref<128xf32, #tpu.memory_space<vmem_shared>>
        %dma_wait3A_484 = tpu.memref_slice %arg15[%run_scoped3A_437, %mul3A_436] : memref<16x2048xf32, #tpu.memory_space<vmem_shared>> -> memref<1x128xf32, #tpu.memory_space<vmem_shared>>
        %dma_wait3A_485 = tpu.memref_squeeze %dma_wait3A_484 : memref<1x128xf32, #tpu.memory_space<vmem_shared>> -> memref<128xf32, #tpu.memory_space<vmem_shared>>
        tpu.wait_dma2 semaphore(%run_scoped3A_477 : memref<!tpu.dma_semaphore, #tpu.memory_space<semaphore_mem>>) src(%dma_wait3A_485 : memref<128xf32, #tpu.memory_space<vmem_shared>>) dst(%arg13 : memref<128xf32, #tpu.memory_space<vmem>>)
        tpu.yield
      }) : () -> ()
      %scan3A_438 = arith.constant 0 : i32
      %scan3A_439 = arith.constant 0 : i32
      %scan3A_440 = arith.constant 8 : i32
      %scan3A_441 = arith.addi %scan3A_439, %scan3A_440 : i32
      %scan3A_442 = arith.constant 1 : i32
      %scan3A_443 = scf.for %scan3A_477 = %scan3A_439 to %scan3A_441 step %scan3A_442 iter_args(%scan3A_478 = %scan3A_438) -> (i32)  : i32 {
        %mul3A_479 = arith.constant 16 : i32
        %mul3A_480 = arith.muli %scan3A_477, %mul3A_479 : i32
        %get3A = arith.index_cast %mul3A_480 : i32 to index
        %get3A_481 = tpu.vector_load %arg14[%get3A] {strides = array<i32>} : memref<128xf32, #tpu.memory_space<vmem>>, vector<16xf32>,
        %mul3A_482 = arith.constant 16 : i32
        %mul3A_483 = arith.muli %scan3A_477, %mul3A_482 : i32
        %get3A_484 = arith.index_cast %mul3A_483 : i32 to index
        %get3A_485 = tpu.vector_load %arg13[%get3A_484] {strides = array<i32>} : memref<128xf32, #tpu.memory_space<vmem>>, vector<16xf32>,
        %add3A_486 = arith.addf %get3A_481, %get3A_485 : vector<16xf32>
        %swap3A = arith.index_cast %mul3A_480 : i32 to index
        %swap3A_487 = tpu.vector_load %arg14[%swap3A] {strides = array<i32>} : memref<128xf32, #tpu.memory_space<vmem>>, vector<16xf32>,
        tpu.vector_store %arg14[%swap3A], %add3A_486 {strides = array<i32>} : memref<128xf32, #tpu.memory_space<vmem>>, vector<16xf32>,
        %scan3A_488 = arith.constant 0 : i32
        scf.yield %scan3A_488 : i32
      }
      %scan3A_444 = arith.constant 8 : i32
      %mul3A_445 = arith.constant 128 : i32
      %mul3A_446 = arith.muli %arg1, %mul3A_445 : i32
      %run_scoped3A_447 = arith.constant 13 : i32
      "tpu.region"() ({
        %run_scoped3A_477 = tpu.sem_alloc : memref<!tpu.dma_semaphore, #tpu.memory_space<semaphore_mem>>
        %dma_start3A_478 = tpu.memref_slice %arg15[%run_scoped3A_447, %mul3A_446] : memref<16x2048xf32, #tpu.memory_space<vmem_shared>> -> memref<1x128xf32, #tpu.memory_space<vmem_shared>>
        %dma_start3A_479 = tpu.memref_squeeze %dma_start3A_478 : memref<1x128xf32, #tpu.memory_space<vmem_shared>> -> memref<128xf32, #tpu.memory_space<vmem_shared>>
        %dma_start3A_480 = tpu.memref_slice %arg15[%run_scoped3A_447, %mul3A_446] : memref<16x2048xf32, #tpu.memory_space<vmem_shared>> -> memref<1x128xf32, #tpu.memory_space<vmem_shared>>
        %dma_start3A_481 = tpu.memref_squeeze %dma_start3A_480 : memref<1x128xf32, #tpu.memory_space<vmem_shared>> -> memref<128xf32, #tpu.memory_space<vmem_shared>>
        tpu.enqueue_dma source(%dma_start3A_481 : memref<128xf32, #tpu.memory_space<vmem_shared>>) target(%arg13 : memref<128xf32, #tpu.memory_space<vmem>>) target_semaphore(%run_scoped3A_477 : memref<!tpu.dma_semaphore, #tpu.memory_space<semaphore_mem>>)
        %dma_wait3A_482 = tpu.memref_slice %arg15[%run_scoped3A_447, %mul3A_446] : memref<16x2048xf32, #tpu.memory_space<vmem_shared>> -> memref<1x128xf32, #tpu.memory_space<vmem_shared>>
        %dma_wait3A_483 = tpu.memref_squeeze %dma_wait3A_482 : memref<1x128xf32, #tpu.memory_space<vmem_shared>> -> memref<128xf32, #tpu.memory_space<vmem_shared>>
        %dma_wait3A_484 = tpu.memref_slice %arg15[%run_scoped3A_447, %mul3A_446] : memref<16x2048xf32, #tpu.memory_space<vmem_shared>> -> memref<1x128xf32, #tpu.memory_space<vmem_shared>>
        %dma_wait3A_485 = tpu.memref_squeeze %dma_wait3A_484 : memref<1x128xf32, #tpu.memory_space<vmem_shared>> -> memref<128xf32, #tpu.memory_space<vmem_shared>>
        tpu.wait_dma2 semaphore(%run_scoped3A_477 : memref<!tpu.dma_semaphore, #tpu.memory_space<semaphore_mem>>) src(%dma_wait3A_485 : memref<128xf32, #tpu.memory_space<vmem_shared>>) dst(%arg13 : memref<128xf32, #tpu.memory_space<vmem>>)
        tpu.yield
      }) : () -> ()
      %scan3A_448 = arith.constant 0 : i32
      %scan3A_449 = arith.constant 0 : i32
      %scan3A_450 = arith.constant 8 : i32
      %scan3A_451 = arith.addi %scan3A_449, %scan3A_450 : i32
      %scan3A_452 = arith.constant 1 : i32
      %scan3A_453 = scf.for %scan3A_477 = %scan3A_449 to %scan3A_451 step %scan3A_452 iter_args(%scan3A_478 = %scan3A_448) -> (i32)  : i32 {
        %mul3A_479 = arith.constant 16 : i32
        %mul3A_480 = arith.muli %scan3A_477, %mul3A_479 : i32
        %get3A = arith.index_cast %mul3A_480 : i32 to index
        %get3A_481 = tpu.vector_load %arg14[%get3A] {strides = array<i32>} : memref<128xf32, #tpu.memory_space<vmem>>, vector<16xf32>,
        %mul3A_482 = arith.constant 16 : i32
        %mul3A_483 = arith.muli %scan3A_477, %mul3A_482 : i32
        %get3A_484 = arith.index_cast %mul3A_483 : i32 to index
        %get3A_485 = tpu.vector_load %arg13[%get3A_484] {strides = array<i32>} : memref<128xf32, #tpu.memory_space<vmem>>, vector<16xf32>,
        %add3A_486 = arith.addf %get3A_481, %get3A_485 : vector<16xf32>
        %swap3A = arith.index_cast %mul3A_480 : i32 to index
        %swap3A_487 = tpu.vector_load %arg14[%swap3A] {strides = array<i32>} : memref<128xf32, #tpu.memory_space<vmem>>, vector<16xf32>,
        tpu.vector_store %arg14[%swap3A], %add3A_486 {strides = array<i32>} : memref<128xf32, #tpu.memory_space<vmem>>, vector<16xf32>,
        %scan3A_488 = arith.constant 0 : i32
        scf.yield %scan3A_488 : i32
      }
      %scan3A_454 = arith.constant 8 : i32
      %mul3A_455 = arith.constant 128 : i32
      %mul3A_456 = arith.muli %arg1, %mul3A_455 : i32
      %run_scoped3A_457 = arith.constant 14 : i32
      "tpu.region"() ({
        %run_scoped3A_477 = tpu.sem_alloc : memref<!tpu.dma_semaphore, #tpu.memory_space<semaphore_mem>>
        %dma_start3A_478 = tpu.memref_slice %arg15[%run_scoped3A_457, %mul3A_456] : memref<16x2048xf32, #tpu.memory_space<vmem_shared>> -> memref<1x128xf32, #tpu.memory_space<vmem_shared>>
        %dma_start3A_479 = tpu.memref_squeeze %dma_start3A_478 : memref<1x128xf32, #tpu.memory_space<vmem_shared>> -> memref<128xf32, #tpu.memory_space<vmem_shared>>
        %dma_start3A_480 = tpu.memref_slice %arg15[%run_scoped3A_457, %mul3A_456] : memref<16x2048xf32, #tpu.memory_space<vmem_shared>> -> memref<1x128xf32, #tpu.memory_space<vmem_shared>>
        %dma_start3A_481 = tpu.memref_squeeze %dma_start3A_480 : memref<1x128xf32, #tpu.memory_space<vmem_shared>> -> memref<128xf32, #tpu.memory_space<vmem_shared>>
        tpu.enqueue_dma source(%dma_start3A_481 : memref<128xf32, #tpu.memory_space<vmem_shared>>) target(%arg13 : memref<128xf32, #tpu.memory_space<vmem>>) target_semaphore(%run_scoped3A_477 : memref<!tpu.dma_semaphore, #tpu.memory_space<semaphore_mem>>)
        %dma_wait3A_482 = tpu.memref_slice %arg15[%run_scoped3A_457, %mul3A_456] : memref<16x2048xf32, #tpu.memory_space<vmem_shared>> -> memref<1x128xf32, #tpu.memory_space<vmem_shared>>
        %dma_wait3A_483 = tpu.memref_squeeze %dma_wait3A_482 : memref<1x128xf32, #tpu.memory_space<vmem_shared>> -> memref<128xf32, #tpu.memory_space<vmem_shared>>
        %dma_wait3A_484 = tpu.memref_slice %arg15[%run_scoped3A_457, %mul3A_456] : memref<16x2048xf32, #tpu.memory_space<vmem_shared>> -> memref<1x128xf32, #tpu.memory_space<vmem_shared>>
        %dma_wait3A_485 = tpu.memref_squeeze %dma_wait3A_484 : memref<1x128xf32, #tpu.memory_space<vmem_shared>> -> memref<128xf32, #tpu.memory_space<vmem_shared>>
        tpu.wait_dma2 semaphore(%run_scoped3A_477 : memref<!tpu.dma_semaphore, #tpu.memory_space<semaphore_mem>>) src(%dma_wait3A_485 : memref<128xf32, #tpu.memory_space<vmem_shared>>) dst(%arg13 : memref<128xf32, #tpu.memory_space<vmem>>)
        tpu.yield
      }) : () -> ()
      %scan3A_458 = arith.constant 0 : i32
      %scan3A_459 = arith.constant 0 : i32
      %scan3A_460 = arith.constant 8 : i32
      %scan3A_461 = arith.addi %scan3A_459, %scan3A_460 : i32
      %scan3A_462 = arith.constant 1 : i32
      %scan3A_463 = scf.for %scan3A_477 = %scan3A_459 to %scan3A_461 step %scan3A_462 iter_args(%scan3A_478 = %scan3A_458) -> (i32)  : i32 {
        %mul3A_479 = arith.constant 16 : i32
        %mul3A_480 = arith.muli %scan3A_477, %mul3A_479 : i32
        %get3A = arith.index_cast %mul3A_480 : i32 to index
        %get3A_481 = tpu.vector_load %arg14[%get3A] {strides = array<i32>} : memref<128xf32, #tpu.memory_space<vmem>>, vector<16xf32>,
        %mul3A_482 = arith.constant 16 : i32
        %mul3A_483 = arith.muli %scan3A_477, %mul3A_482 : i32
        %get3A_484 = arith.index_cast %mul3A_483 : i32 to index
        %get3A_485 = tpu.vector_load %arg13[%get3A_484] {strides = array<i32>} : memref<128xf32, #tpu.memory_space<vmem>>, vector<16xf32>,
        %add3A_486 = arith.addf %get3A_481, %get3A_485 : vector<16xf32>
        %swap3A = arith.index_cast %mul3A_480 : i32 to index
        %swap3A_487 = tpu.vector_load %arg14[%swap3A] {strides = array<i32>} : memref<128xf32, #tpu.memory_space<vmem>>, vector<16xf32>,
        tpu.vector_store %arg14[%swap3A], %add3A_486 {strides = array<i32>} : memref<128xf32, #tpu.memory_space<vmem>>, vector<16xf32>,
        %scan3A_488 = arith.constant 0 : i32
        scf.yield %scan3A_488 : i32
      }
      %scan3A_464 = arith.constant 8 : i32
      %mul3A_465 = arith.constant 128 : i32
      %mul3A_466 = arith.muli %arg1, %mul3A_465 : i32
      %run_scoped3A_467 = arith.constant 15 : i32
      "tpu.region"() ({
        %run_scoped3A_477 = tpu.sem_alloc : memref<!tpu.dma_semaphore, #tpu.memory_space<semaphore_mem>>
        %dma_start3A_478 = tpu.memref_slice %arg15[%run_scoped3A_467, %mul3A_466] : memref<16x2048xf32, #tpu.memory_space<vmem_shared>> -> memref<1x128xf32, #tpu.memory_space<vmem_shared>>
        %dma_start3A_479 = tpu.memref_squeeze %dma_start3A_478 : memref<1x128xf32, #tpu.memory_space<vmem_shared>> -> memref<128xf32, #tpu.memory_space<vmem_shared>>
        %dma_start3A_480 = tpu.memref_slice %arg15[%run_scoped3A_467, %mul3A_466] : memref<16x2048xf32, #tpu.memory_space<vmem_shared>> -> memref<1x128xf32, #tpu.memory_space<vmem_shared>>
        %dma_start3A_481 = tpu.memref_squeeze %dma_start3A_480 : memref<1x128xf32, #tpu.memory_space<vmem_shared>> -> memref<128xf32, #tpu.memory_space<vmem_shared>>
        tpu.enqueue_dma source(%dma_start3A_481 : memref<128xf32, #tpu.memory_space<vmem_shared>>) target(%arg13 : memref<128xf32, #tpu.memory_space<vmem>>) target_semaphore(%run_scoped3A_477 : memref<!tpu.dma_semaphore, #tpu.memory_space<semaphore_mem>>)
        %dma_wait3A_482 = tpu.memref_slice %arg15[%run_scoped3A_467, %mul3A_466] : memref<16x2048xf32, #tpu.memory_space<vmem_shared>> -> memref<1x128xf32, #tpu.memory_space<vmem_shared>>
        %dma_wait3A_483 = tpu.memref_squeeze %dma_wait3A_482 : memref<1x128xf32, #tpu.memory_space<vmem_shared>> -> memref<128xf32, #tpu.memory_space<vmem_shared>>
        %dma_wait3A_484 = tpu.memref_slice %arg15[%run_scoped3A_467, %mul3A_466] : memref<16x2048xf32, #tpu.memory_space<vmem_shared>> -> memref<1x128xf32, #tpu.memory_space<vmem_shared>>
        %dma_wait3A_485 = tpu.memref_squeeze %dma_wait3A_484 : memref<1x128xf32, #tpu.memory_space<vmem_shared>> -> memref<128xf32, #tpu.memory_space<vmem_shared>>
        tpu.wait_dma2 semaphore(%run_scoped3A_477 : memref<!tpu.dma_semaphore, #tpu.memory_space<semaphore_mem>>) src(%dma_wait3A_485 : memref<128xf32, #tpu.memory_space<vmem_shared>>) dst(%arg13 : memref<128xf32, #tpu.memory_space<vmem>>)
        tpu.yield
      }) : () -> ()
      %scan3A_468 = arith.constant 0 : i32
      %scan3A_469 = arith.constant 0 : i32
      %scan3A_470 = arith.constant 8 : i32
      %scan3A_471 = arith.addi %scan3A_469, %scan3A_470 : i32
      %scan3A_472 = arith.constant 1 : i32
      %scan3A_473 = scf.for %scan3A_477 = %scan3A_469 to %scan3A_471 step %scan3A_472 iter_args(%scan3A_478 = %scan3A_468) -> (i32)  : i32 {
        %mul3A_479 = arith.constant 16 : i32
        %mul3A_480 = arith.muli %scan3A_477, %mul3A_479 : i32
        %get3A = arith.index_cast %mul3A_480 : i32 to index
        %get3A_481 = tpu.vector_load %arg14[%get3A] {strides = array<i32>} : memref<128xf32, #tpu.memory_space<vmem>>, vector<16xf32>,
        %mul3A_482 = arith.constant 16 : i32
        %mul3A_483 = arith.muli %scan3A_477, %mul3A_482 : i32
        %get3A_484 = arith.index_cast %mul3A_483 : i32 to index
        %get3A_485 = tpu.vector_load %arg13[%get3A_484] {strides = array<i32>} : memref<128xf32, #tpu.memory_space<vmem>>, vector<16xf32>,
        %add3A_486 = arith.addf %get3A_481, %get3A_485 : vector<16xf32>
        %swap3A = arith.index_cast %mul3A_480 : i32 to index
        %swap3A_487 = tpu.vector_load %arg14[%swap3A] {strides = array<i32>} : memref<128xf32, #tpu.memory_space<vmem>>, vector<16xf32>,
        tpu.vector_store %arg14[%swap3A], %add3A_486 {strides = array<i32>} : memref<128xf32, #tpu.memory_space<vmem>>, vector<16xf32>,
        %scan3A_488 = arith.constant 0 : i32
        scf.yield %scan3A_488 : i32
      }
      %scan3A_474 = arith.constant 8 : i32
      %mul3A_475 = arith.constant 128 : i32
      %mul3A_476 = arith.muli %arg1, %mul3A_475 : i32
      "tpu.region"() ({
        %run_scoped3A_477 = tpu.sem_alloc : memref<!tpu.dma_semaphore, #tpu.memory_space<semaphore_mem>>
        %dma_start3A_478 = tpu.memref_slice %arg6[%mul3A_476] : memref<2048xf32, #tpu.memory_space<hbm>> -> memref<128xf32, #tpu.memory_space<hbm>>
        %dma_start3A_479 = tpu.memref_slice %arg6[%mul3A_476] : memref<2048xf32, #tpu.memory_space<hbm>> -> memref<128xf32, #tpu.memory_space<hbm>>
        tpu.enqueue_dma source(%arg14 : memref<128xf32, #tpu.memory_space<vmem>>) target(%dma_start3A_479 : memref<128xf32, #tpu.memory_space<hbm>>) target_semaphore(%run_scoped3A_477 : memref<!tpu.dma_semaphore, #tpu.memory_space<semaphore_mem>>)
        %dma_wait3A_480 = tpu.memref_slice %arg6[%mul3A_476] : memref<2048xf32, #tpu.memory_space<hbm>> -> memref<128xf32, #tpu.memory_space<hbm>>
        %dma_wait3A_481 = tpu.memref_slice %arg6[%mul3A_476] : memref<2048xf32, #tpu.memory_space<hbm>> -> memref<128xf32, #tpu.memory_space<hbm>>
        tpu.wait_dma2 semaphore(%run_scoped3A_477 : memref<!tpu.dma_semaphore, #tpu.memory_space<semaphore_mem>>) src(%arg14 : memref<128xf32, #tpu.memory_space<vmem>>) dst(%dma_wait3A_481 : memref<128xf32, #tpu.memory_space<hbm>>)
        tpu.yield
      }) : () -> ()
    } else {
    }
    return
  }
}

module attributes {stable_mosaic.version = 14 : i64} {
  func.func @_tc_body(%arg0: i32, %arg1: memref<4096x128xf32, #tpu.memory_space<vmem>>, %arg2: memref<4x512x32xf32, #tpu.memory_space<vmem>>, %arg3: memref<4096x4xi32, #tpu.memory_space<vmem>>) attributes {dimension_semantics = [#tpu.dimension_semantics<arbitrary>], iteration_bounds = array<i64: 4>, scalar_prefetch = 0 : i64, scratch_operands = 0 : i64, tpu.core_type = #tpu.core_type<tc>, window_params = [{transform_indices = @transform_0, window_bounds = array<i64: 4096, 128>}, {pipeline_mode = #tpu.pipeline_mode<synchronous>, transform_indices = @transform_1, window_bounds = array<i64: 4, 512, 32>}, {transform_indices = @transform_2, window_bounds = array<i64: 4096, 4>}]} {
    %get3A = arith.constant 0 : index
    %get3A_0 = arith.constant 0 : index
    %get3A_1 = vector.load %arg1[%get3A, %get3A_0] : memref<4096x128xf32, #tpu.memory_space<vmem>>, vector<4096x128xf32>
    %iota3A = tpu.iota {dimensions = array<i32: 1>} : vector<4096x128xi32>
    %slice3A = vector.extract_strided_slice %get3A_1 {offsets = [0, 0], sizes = [4096, 32], strides = [1, 1]} : vector<4096x128xf32> to vector<4096x32xf32>
    %mul3A = arith.mulf %slice3A, %slice3A : vector<4096x32xf32>
    %reduce_sum3A = arith.constant dense<0.000000e+00> : vector<4096xf32>
    %reduce_sum3A_2 = vector.multi_reduction <add>, %mul3A, %reduce_sum3A [1] : vector<4096x32xf32> to vector<4096xf32>
    %broadcast_in_dim3A = vector.shape_cast %reduce_sum3A_2 : vector<4096xf32> to vector<4096x1xf32>
    %get3A_3 = arith.constant 0 : index
    %get3A_4 = arith.constant 0 : index
    %get3A_5 = arith.constant 0 : index
    %get3A_6 = vector.load %arg2[%get3A_3, %get3A_4, %get3A_5] : memref<4x512x32xf32, #tpu.memory_space<vmem>>, vector<1x128x32xf32>
    %get3A_7 = vector.shape_cast %get3A_6 : vector<1x128x32xf32> to vector<128x32xf32>
    %dot_general3A = arith.constant dense<0.000000e+00> : vector<4096x128xf32>
    %dot_general3A_8 = tpu.matmul %slice3A, %get3A_7, %dot_general3A {dimension_numbers = #tpu.dot_dimension_numbers<[1], [1], [0], [0], [0, 0, 1, 0], [], []>, transpose_lhs_hint = false} : vector<4096x32xf32>, vector<128x32xf32>, vector<4096x128xf32> -> vector<4096x128xf32>
    %mul3A_9 = arith.mulf %get3A_7, %get3A_7 : vector<128x32xf32>
    %reduce_sum3A_10 = arith.constant dense<0.000000e+00> : vector<128xf32>
    %reduce_sum3A_11 = vector.multi_reduction <add>, %mul3A_9, %reduce_sum3A_10 [1] : vector<128x32xf32> to vector<128xf32>
    %mul3A_12 = arith.constant 2.000000e+00 : f32
    %mul3A_13 = vector.broadcast %mul3A_12 : f32 to vector<4096x128xf32>
    %mul3A_14 = arith.mulf %mul3A_13, %dot_general3A_8 : vector<4096x128xf32>
    %sub3A = vector.broadcast %broadcast_in_dim3A : vector<4096x1xf32> to vector<4096x128xf32>
    %sub3A_15 = arith.subf %sub3A, %mul3A_14 : vector<4096x128xf32>
    %broadcast_in_dim3A_16 = vector.shape_cast %reduce_sum3A_11 : vector<128xf32> to vector<1x128xf32>
    %add3A = vector.broadcast %broadcast_in_dim3A_16 : vector<1x128xf32> to vector<4096x128xf32>
    %add3A_17 = arith.addf %sub3A_15, %add3A : vector<4096x128xf32>
    %max3A = arith.constant 0.000000e+00 : f32
    %max3A_18 = vector.broadcast %max3A : f32 to vector<4096x128xf32>
    %max3A_19 = arith.maximumf %add3A_17, %max3A_18 : vector<4096x128xf32>
    %get3A_20 = arith.constant 0 : index
    %get3A_21 = arith.constant 128 : index
    %get3A_22 = arith.constant 0 : index
    %get3A_23 = vector.load %arg2[%get3A_20, %get3A_21, %get3A_22] : memref<4x512x32xf32, #tpu.memory_space<vmem>>, vector<1x128x32xf32>
    %get3A_24 = vector.shape_cast %get3A_23 : vector<1x128x32xf32> to vector<128x32xf32>
    %dot_general3A_25 = arith.constant dense<0.000000e+00> : vector<4096x128xf32>
    %dot_general3A_26 = tpu.matmul %slice3A, %get3A_24, %dot_general3A_25 {dimension_numbers = #tpu.dot_dimension_numbers<[1], [1], [0], [0], [0, 0, 1, 0], [], []>, transpose_lhs_hint = false} : vector<4096x32xf32>, vector<128x32xf32>, vector<4096x128xf32> -> vector<4096x128xf32>
    %mul3A_27 = arith.mulf %get3A_24, %get3A_24 : vector<128x32xf32>
    %reduce_sum3A_28 = arith.constant dense<0.000000e+00> : vector<128xf32>
    %reduce_sum3A_29 = vector.multi_reduction <add>, %mul3A_27, %reduce_sum3A_28 [1] : vector<128x32xf32> to vector<128xf32>
    %mul3A_30 = arith.constant 2.000000e+00 : f32
    %mul3A_31 = vector.broadcast %mul3A_30 : f32 to vector<4096x128xf32>
    %mul3A_32 = arith.mulf %mul3A_31, %dot_general3A_26 : vector<4096x128xf32>
    %sub3A_33 = vector.broadcast %broadcast_in_dim3A : vector<4096x1xf32> to vector<4096x128xf32>
    %sub3A_34 = arith.subf %sub3A_33, %mul3A_32 : vector<4096x128xf32>
    %broadcast_in_dim3A_35 = vector.shape_cast %reduce_sum3A_29 : vector<128xf32> to vector<1x128xf32>
    %add3A_36 = vector.broadcast %broadcast_in_dim3A_35 : vector<1x128xf32> to vector<4096x128xf32>
    %add3A_37 = arith.addf %sub3A_34, %add3A_36 : vector<4096x128xf32>
    %max3A_38 = arith.constant 0.000000e+00 : f32
    %max3A_39 = vector.broadcast %max3A_38 : f32 to vector<4096x128xf32>
    %max3A_40 = arith.maximumf %add3A_37, %max3A_39 : vector<4096x128xf32>
    %lt3A = arith.cmpf olt, %max3A_40, %max3A_19 : vector<4096x128xf32>
    %select_n3A = arith.select %lt3A, %max3A_40, %max3A_19 : vector<4096x128xi1>, vector<4096x128xf32>
    %add3A_41 = arith.constant 128 : i32
    %add3A_42 = vector.broadcast %add3A_41 : i32 to vector<4096x128xi32>
    %add3A_43 = arith.addi %iota3A, %add3A_42 : vector<4096x128xi32>
    %select_n3A_44 = arith.select %lt3A, %add3A_43, %iota3A : vector<4096x128xi1>, vector<4096x128xi32>
    %get3A_45 = arith.constant 0 : index
    %get3A_46 = arith.constant 256 : index
    %get3A_47 = arith.constant 0 : index
    %get3A_48 = vector.load %arg2[%get3A_45, %get3A_46, %get3A_47] : memref<4x512x32xf32, #tpu.memory_space<vmem>>, vector<1x128x32xf32>
    %get3A_49 = vector.shape_cast %get3A_48 : vector<1x128x32xf32> to vector<128x32xf32>
    %dot_general3A_50 = arith.constant dense<0.000000e+00> : vector<4096x128xf32>
    %dot_general3A_51 = tpu.matmul %slice3A, %get3A_49, %dot_general3A_50 {dimension_numbers = #tpu.dot_dimension_numbers<[1], [1], [0], [0], [0, 0, 1, 0], [], []>, transpose_lhs_hint = false} : vector<4096x32xf32>, vector<128x32xf32>, vector<4096x128xf32> -> vector<4096x128xf32>
    %mul3A_52 = arith.mulf %get3A_49, %get3A_49 : vector<128x32xf32>
    %reduce_sum3A_53 = arith.constant dense<0.000000e+00> : vector<128xf32>
    %reduce_sum3A_54 = vector.multi_reduction <add>, %mul3A_52, %reduce_sum3A_53 [1] : vector<128x32xf32> to vector<128xf32>
    %mul3A_55 = arith.constant 2.000000e+00 : f32
    %mul3A_56 = vector.broadcast %mul3A_55 : f32 to vector<4096x128xf32>
    %mul3A_57 = arith.mulf %mul3A_56, %dot_general3A_51 : vector<4096x128xf32>
    %sub3A_58 = vector.broadcast %broadcast_in_dim3A : vector<4096x1xf32> to vector<4096x128xf32>
    %sub3A_59 = arith.subf %sub3A_58, %mul3A_57 : vector<4096x128xf32>
    %broadcast_in_dim3A_60 = vector.shape_cast %reduce_sum3A_54 : vector<128xf32> to vector<1x128xf32>
    %add3A_61 = vector.broadcast %broadcast_in_dim3A_60 : vector<1x128xf32> to vector<4096x128xf32>
    %add3A_62 = arith.addf %sub3A_59, %add3A_61 : vector<4096x128xf32>
    %max3A_63 = arith.constant 0.000000e+00 : f32
    %max3A_64 = vector.broadcast %max3A_63 : f32 to vector<4096x128xf32>
    %max3A_65 = arith.maximumf %add3A_62, %max3A_64 : vector<4096x128xf32>
    %lt3A_66 = arith.cmpf olt, %max3A_65, %select_n3A : vector<4096x128xf32>
    %select_n3A_67 = arith.select %lt3A_66, %max3A_65, %select_n3A : vector<4096x128xi1>, vector<4096x128xf32>
    %add3A_68 = arith.constant 256 : i32
    %add3A_69 = vector.broadcast %add3A_68 : i32 to vector<4096x128xi32>
    %add3A_70 = arith.addi %iota3A, %add3A_69 : vector<4096x128xi32>
    %select_n3A_71 = arith.select %lt3A_66, %add3A_70, %select_n3A_44 : vector<4096x128xi1>, vector<4096x128xi32>
    %get3A_72 = arith.constant 0 : index
    %get3A_73 = arith.constant 384 : index
    %get3A_74 = arith.constant 0 : index
    %get3A_75 = vector.load %arg2[%get3A_72, %get3A_73, %get3A_74] : memref<4x512x32xf32, #tpu.memory_space<vmem>>, vector<1x128x32xf32>
    %get3A_76 = vector.shape_cast %get3A_75 : vector<1x128x32xf32> to vector<128x32xf32>
    %dot_general3A_77 = arith.constant dense<0.000000e+00> : vector<4096x128xf32>
    %dot_general3A_78 = tpu.matmul %slice3A, %get3A_76, %dot_general3A_77 {dimension_numbers = #tpu.dot_dimension_numbers<[1], [1], [0], [0], [0, 0, 1, 0], [], []>, transpose_lhs_hint = false} : vector<4096x32xf32>, vector<128x32xf32>, vector<4096x128xf32> -> vector<4096x128xf32>
    %mul3A_79 = arith.mulf %get3A_76, %get3A_76 : vector<128x32xf32>
    %reduce_sum3A_80 = arith.constant dense<0.000000e+00> : vector<128xf32>
    %reduce_sum3A_81 = vector.multi_reduction <add>, %mul3A_79, %reduce_sum3A_80 [1] : vector<128x32xf32> to vector<128xf32>
    %mul3A_82 = arith.constant 2.000000e+00 : f32
    %mul3A_83 = vector.broadcast %mul3A_82 : f32 to vector<4096x128xf32>
    %mul3A_84 = arith.mulf %mul3A_83, %dot_general3A_78 : vector<4096x128xf32>
    %sub3A_85 = vector.broadcast %broadcast_in_dim3A : vector<4096x1xf32> to vector<4096x128xf32>
    %sub3A_86 = arith.subf %sub3A_85, %mul3A_84 : vector<4096x128xf32>
    %broadcast_in_dim3A_87 = vector.shape_cast %reduce_sum3A_81 : vector<128xf32> to vector<1x128xf32>
    %add3A_88 = vector.broadcast %broadcast_in_dim3A_87 : vector<1x128xf32> to vector<4096x128xf32>
    %add3A_89 = arith.addf %sub3A_86, %add3A_88 : vector<4096x128xf32>
    %max3A_90 = arith.constant 0.000000e+00 : f32
    %max3A_91 = vector.broadcast %max3A_90 : f32 to vector<4096x128xf32>
    %max3A_92 = arith.maximumf %add3A_89, %max3A_91 : vector<4096x128xf32>
    %lt3A_93 = arith.cmpf olt, %max3A_92, %select_n3A_67 : vector<4096x128xf32>
    %select_n3A_94 = arith.select %lt3A_93, %max3A_92, %select_n3A_67 : vector<4096x128xi1>, vector<4096x128xf32>
    %add3A_95 = arith.constant 384 : i32
    %add3A_96 = vector.broadcast %add3A_95 : i32 to vector<4096x128xi32>
    %add3A_97 = arith.addi %iota3A, %add3A_96 : vector<4096x128xi32>
    %select_n3A_98 = arith.select %lt3A_93, %add3A_97, %select_n3A_71 : vector<4096x128xi1>, vector<4096x128xi32>
    %reduce_min3A = arith.constant dense<0x7F800000> : vector<4096xf32>
    %reduce_min3A_99 = vector.multi_reduction <minimumf>, %select_n3A_94, %reduce_min3A [1] : vector<4096x128xf32> to vector<4096xf32>
    %broadcast_in_dim3A_100 = vector.shape_cast %reduce_min3A_99 : vector<4096xf32> to vector<4096x1xf32>
    %eq3A = vector.broadcast %broadcast_in_dim3A_100 : vector<4096x1xf32> to vector<4096x128xf32>
    %eq3A_101 = arith.cmpf oeq, %select_n3A_94, %eq3A : vector<4096x128xf32>
    %jit3A = arith.constant 2048 : i32
    %broadcast_in_dim3A_102 = vector.broadcast %jit3A : i32 to vector<4096x128xi32>
    %select_n3A_103 = arith.select %eq3A_101, %select_n3A_98, %broadcast_in_dim3A_102 : vector<4096x128xi1>, vector<4096x128xi32>
    %reduce_min3A_104 = arith.constant dense<2147483647> : vector<4096xi32>
    %reduce_min3A_105 = vector.multi_reduction <minsi>, %select_n3A_103, %reduce_min3A_104 [1] : vector<4096x128xi32> to vector<4096xi32>
    %reshape3A = vector.shape_cast %reduce_min3A_105 : vector<4096xi32> to vector<4096x1xi32>
    %slice3A_106 = vector.extract_strided_slice %get3A_1 {offsets = [0, 32], sizes = [4096, 32], strides = [1, 1]} : vector<4096x128xf32> to vector<4096x32xf32>
    %mul3A_107 = arith.mulf %slice3A_106, %slice3A_106 : vector<4096x32xf32>
    %reduce_sum3A_108 = arith.constant dense<0.000000e+00> : vector<4096xf32>
    %reduce_sum3A_109 = vector.multi_reduction <add>, %mul3A_107, %reduce_sum3A_108 [1] : vector<4096x32xf32> to vector<4096xf32>
    %broadcast_in_dim3A_110 = vector.shape_cast %reduce_sum3A_109 : vector<4096xf32> to vector<4096x1xf32>
    %get3A_111 = arith.constant 1 : index
    %get3A_112 = arith.constant 0 : index
    %get3A_113 = arith.constant 0 : index
    %get3A_114 = vector.load %arg2[%get3A_111, %get3A_112, %get3A_113] : memref<4x512x32xf32, #tpu.memory_space<vmem>>, vector<1x128x32xf32>
    %get3A_115 = vector.shape_cast %get3A_114 : vector<1x128x32xf32> to vector<128x32xf32>
    %dot_general3A_116 = arith.constant dense<0.000000e+00> : vector<4096x128xf32>
    %dot_general3A_117 = tpu.matmul %slice3A_106, %get3A_115, %dot_general3A_116 {dimension_numbers = #tpu.dot_dimension_numbers<[1], [1], [0], [0], [0, 0, 1, 0], [], []>, transpose_lhs_hint = false} : vector<4096x32xf32>, vector<128x32xf32>, vector<4096x128xf32> -> vector<4096x128xf32>
    %mul3A_118 = arith.mulf %get3A_115, %get3A_115 : vector<128x32xf32>
    %reduce_sum3A_119 = arith.constant dense<0.000000e+00> : vector<128xf32>
    %reduce_sum3A_120 = vector.multi_reduction <add>, %mul3A_118, %reduce_sum3A_119 [1] : vector<128x32xf32> to vector<128xf32>
    %mul3A_121 = arith.constant 2.000000e+00 : f32
    %mul3A_122 = vector.broadcast %mul3A_121 : f32 to vector<4096x128xf32>
    %mul3A_123 = arith.mulf %mul3A_122, %dot_general3A_117 : vector<4096x128xf32>
    %sub3A_124 = vector.broadcast %broadcast_in_dim3A_110 : vector<4096x1xf32> to vector<4096x128xf32>
    %sub3A_125 = arith.subf %sub3A_124, %mul3A_123 : vector<4096x128xf32>
    %broadcast_in_dim3A_126 = vector.shape_cast %reduce_sum3A_120 : vector<128xf32> to vector<1x128xf32>
    %add3A_127 = vector.broadcast %broadcast_in_dim3A_126 : vector<1x128xf32> to vector<4096x128xf32>
    %add3A_128 = arith.addf %sub3A_125, %add3A_127 : vector<4096x128xf32>
    %max3A_129 = arith.constant 0.000000e+00 : f32
    %max3A_130 = vector.broadcast %max3A_129 : f32 to vector<4096x128xf32>
    %max3A_131 = arith.maximumf %add3A_128, %max3A_130 : vector<4096x128xf32>
    %get3A_132 = arith.constant 1 : index
    %get3A_133 = arith.constant 128 : index
    %get3A_134 = arith.constant 0 : index
    %get3A_135 = vector.load %arg2[%get3A_132, %get3A_133, %get3A_134] : memref<4x512x32xf32, #tpu.memory_space<vmem>>, vector<1x128x32xf32>
    %get3A_136 = vector.shape_cast %get3A_135 : vector<1x128x32xf32> to vector<128x32xf32>
    %dot_general3A_137 = arith.constant dense<0.000000e+00> : vector<4096x128xf32>
    %dot_general3A_138 = tpu.matmul %slice3A_106, %get3A_136, %dot_general3A_137 {dimension_numbers = #tpu.dot_dimension_numbers<[1], [1], [0], [0], [0, 0, 1, 0], [], []>, transpose_lhs_hint = false} : vector<4096x32xf32>, vector<128x32xf32>, vector<4096x128xf32> -> vector<4096x128xf32>
    %mul3A_139 = arith.mulf %get3A_136, %get3A_136 : vector<128x32xf32>
    %reduce_sum3A_140 = arith.constant dense<0.000000e+00> : vector<128xf32>
    %reduce_sum3A_141 = vector.multi_reduction <add>, %mul3A_139, %reduce_sum3A_140 [1] : vector<128x32xf32> to vector<128xf32>
    %mul3A_142 = arith.constant 2.000000e+00 : f32
    %mul3A_143 = vector.broadcast %mul3A_142 : f32 to vector<4096x128xf32>
    %mul3A_144 = arith.mulf %mul3A_143, %dot_general3A_138 : vector<4096x128xf32>
    %sub3A_145 = vector.broadcast %broadcast_in_dim3A_110 : vector<4096x1xf32> to vector<4096x128xf32>
    %sub3A_146 = arith.subf %sub3A_145, %mul3A_144 : vector<4096x128xf32>
    %broadcast_in_dim3A_147 = vector.shape_cast %reduce_sum3A_141 : vector<128xf32> to vector<1x128xf32>
    %add3A_148 = vector.broadcast %broadcast_in_dim3A_147 : vector<1x128xf32> to vector<4096x128xf32>
    %add3A_149 = arith.addf %sub3A_146, %add3A_148 : vector<4096x128xf32>
    %max3A_150 = arith.constant 0.000000e+00 : f32
    %max3A_151 = vector.broadcast %max3A_150 : f32 to vector<4096x128xf32>
    %max3A_152 = arith.maximumf %add3A_149, %max3A_151 : vector<4096x128xf32>
    %lt3A_153 = arith.cmpf olt, %max3A_152, %max3A_131 : vector<4096x128xf32>
    %select_n3A_154 = arith.select %lt3A_153, %max3A_152, %max3A_131 : vector<4096x128xi1>, vector<4096x128xf32>
    %add3A_155 = arith.constant 128 : i32
    %add3A_156 = vector.broadcast %add3A_155 : i32 to vector<4096x128xi32>
    %add3A_157 = arith.addi %iota3A, %add3A_156 : vector<4096x128xi32>
    %select_n3A_158 = arith.select %lt3A_153, %add3A_157, %iota3A : vector<4096x128xi1>, vector<4096x128xi32>
    %get3A_159 = arith.constant 1 : index
    %get3A_160 = arith.constant 256 : index
    %get3A_161 = arith.constant 0 : index
    %get3A_162 = vector.load %arg2[%get3A_159, %get3A_160, %get3A_161] : memref<4x512x32xf32, #tpu.memory_space<vmem>>, vector<1x128x32xf32>
    %get3A_163 = vector.shape_cast %get3A_162 : vector<1x128x32xf32> to vector<128x32xf32>
    %dot_general3A_164 = arith.constant dense<0.000000e+00> : vector<4096x128xf32>
    %dot_general3A_165 = tpu.matmul %slice3A_106, %get3A_163, %dot_general3A_164 {dimension_numbers = #tpu.dot_dimension_numbers<[1], [1], [0], [0], [0, 0, 1, 0], [], []>, transpose_lhs_hint = false} : vector<4096x32xf32>, vector<128x32xf32>, vector<4096x128xf32> -> vector<4096x128xf32>
    %mul3A_166 = arith.mulf %get3A_163, %get3A_163 : vector<128x32xf32>
    %reduce_sum3A_167 = arith.constant dense<0.000000e+00> : vector<128xf32>
    %reduce_sum3A_168 = vector.multi_reduction <add>, %mul3A_166, %reduce_sum3A_167 [1] : vector<128x32xf32> to vector<128xf32>
    %mul3A_169 = arith.constant 2.000000e+00 : f32
    %mul3A_170 = vector.broadcast %mul3A_169 : f32 to vector<4096x128xf32>
    %mul3A_171 = arith.mulf %mul3A_170, %dot_general3A_165 : vector<4096x128xf32>
    %sub3A_172 = vector.broadcast %broadcast_in_dim3A_110 : vector<4096x1xf32> to vector<4096x128xf32>
    %sub3A_173 = arith.subf %sub3A_172, %mul3A_171 : vector<4096x128xf32>
    %broadcast_in_dim3A_174 = vector.shape_cast %reduce_sum3A_168 : vector<128xf32> to vector<1x128xf32>
    %add3A_175 = vector.broadcast %broadcast_in_dim3A_174 : vector<1x128xf32> to vector<4096x128xf32>
    %add3A_176 = arith.addf %sub3A_173, %add3A_175 : vector<4096x128xf32>
    %max3A_177 = arith.constant 0.000000e+00 : f32
    %max3A_178 = vector.broadcast %max3A_177 : f32 to vector<4096x128xf32>
    %max3A_179 = arith.maximumf %add3A_176, %max3A_178 : vector<4096x128xf32>
    %lt3A_180 = arith.cmpf olt, %max3A_179, %select_n3A_154 : vector<4096x128xf32>
    %select_n3A_181 = arith.select %lt3A_180, %max3A_179, %select_n3A_154 : vector<4096x128xi1>, vector<4096x128xf32>
    %add3A_182 = arith.constant 256 : i32
    %add3A_183 = vector.broadcast %add3A_182 : i32 to vector<4096x128xi32>
    %add3A_184 = arith.addi %iota3A, %add3A_183 : vector<4096x128xi32>
    %select_n3A_185 = arith.select %lt3A_180, %add3A_184, %select_n3A_158 : vector<4096x128xi1>, vector<4096x128xi32>
    %get3A_186 = arith.constant 1 : index
    %get3A_187 = arith.constant 384 : index
    %get3A_188 = arith.constant 0 : index
    %get3A_189 = vector.load %arg2[%get3A_186, %get3A_187, %get3A_188] : memref<4x512x32xf32, #tpu.memory_space<vmem>>, vector<1x128x32xf32>
    %get3A_190 = vector.shape_cast %get3A_189 : vector<1x128x32xf32> to vector<128x32xf32>
    %dot_general3A_191 = arith.constant dense<0.000000e+00> : vector<4096x128xf32>
    %dot_general3A_192 = tpu.matmul %slice3A_106, %get3A_190, %dot_general3A_191 {dimension_numbers = #tpu.dot_dimension_numbers<[1], [1], [0], [0], [0, 0, 1, 0], [], []>, transpose_lhs_hint = false} : vector<4096x32xf32>, vector<128x32xf32>, vector<4096x128xf32> -> vector<4096x128xf32>
    %mul3A_193 = arith.mulf %get3A_190, %get3A_190 : vector<128x32xf32>
    %reduce_sum3A_194 = arith.constant dense<0.000000e+00> : vector<128xf32>
    %reduce_sum3A_195 = vector.multi_reduction <add>, %mul3A_193, %reduce_sum3A_194 [1] : vector<128x32xf32> to vector<128xf32>
    %mul3A_196 = arith.constant 2.000000e+00 : f32
    %mul3A_197 = vector.broadcast %mul3A_196 : f32 to vector<4096x128xf32>
    %mul3A_198 = arith.mulf %mul3A_197, %dot_general3A_192 : vector<4096x128xf32>
    %sub3A_199 = vector.broadcast %broadcast_in_dim3A_110 : vector<4096x1xf32> to vector<4096x128xf32>
    %sub3A_200 = arith.subf %sub3A_199, %mul3A_198 : vector<4096x128xf32>
    %broadcast_in_dim3A_201 = vector.shape_cast %reduce_sum3A_195 : vector<128xf32> to vector<1x128xf32>
    %add3A_202 = vector.broadcast %broadcast_in_dim3A_201 : vector<1x128xf32> to vector<4096x128xf32>
    %add3A_203 = arith.addf %sub3A_200, %add3A_202 : vector<4096x128xf32>
    %max3A_204 = arith.constant 0.000000e+00 : f32
    %max3A_205 = vector.broadcast %max3A_204 : f32 to vector<4096x128xf32>
    %max3A_206 = arith.maximumf %add3A_203, %max3A_205 : vector<4096x128xf32>
    %lt3A_207 = arith.cmpf olt, %max3A_206, %select_n3A_181 : vector<4096x128xf32>
    %select_n3A_208 = arith.select %lt3A_207, %max3A_206, %select_n3A_181 : vector<4096x128xi1>, vector<4096x128xf32>
    %add3A_209 = arith.constant 384 : i32
    %add3A_210 = vector.broadcast %add3A_209 : i32 to vector<4096x128xi32>
    %add3A_211 = arith.addi %iota3A, %add3A_210 : vector<4096x128xi32>
    %select_n3A_212 = arith.select %lt3A_207, %add3A_211, %select_n3A_185 : vector<4096x128xi1>, vector<4096x128xi32>
    %reduce_min3A_213 = arith.constant dense<0x7F800000> : vector<4096xf32>
    %reduce_min3A_214 = vector.multi_reduction <minimumf>, %select_n3A_208, %reduce_min3A_213 [1] : vector<4096x128xf32> to vector<4096xf32>
    %broadcast_in_dim3A_215 = vector.shape_cast %reduce_min3A_214 : vector<4096xf32> to vector<4096x1xf32>
    %eq3A_216 = vector.broadcast %broadcast_in_dim3A_215 : vector<4096x1xf32> to vector<4096x128xf32>
    %eq3A_217 = arith.cmpf oeq, %select_n3A_208, %eq3A_216 : vector<4096x128xf32>
    %jit3A_218 = arith.constant 2048 : i32
    %broadcast_in_dim3A_219 = vector.broadcast %jit3A_218 : i32 to vector<4096x128xi32>
    %select_n3A_220 = arith.select %eq3A_217, %select_n3A_212, %broadcast_in_dim3A_219 : vector<4096x128xi1>, vector<4096x128xi32>
    %reduce_min3A_221 = arith.constant dense<2147483647> : vector<4096xi32>
    %reduce_min3A_222 = vector.multi_reduction <minsi>, %select_n3A_220, %reduce_min3A_221 [1] : vector<4096x128xi32> to vector<4096xi32>
    %reshape3A_223 = vector.shape_cast %reduce_min3A_222 : vector<4096xi32> to vector<4096x1xi32>
    %slice3A_224 = vector.extract_strided_slice %get3A_1 {offsets = [0, 64], sizes = [4096, 32], strides = [1, 1]} : vector<4096x128xf32> to vector<4096x32xf32>
    %mul3A_225 = arith.mulf %slice3A_224, %slice3A_224 : vector<4096x32xf32>
    %reduce_sum3A_226 = arith.constant dense<0.000000e+00> : vector<4096xf32>
    %reduce_sum3A_227 = vector.multi_reduction <add>, %mul3A_225, %reduce_sum3A_226 [1] : vector<4096x32xf32> to vector<4096xf32>
    %broadcast_in_dim3A_228 = vector.shape_cast %reduce_sum3A_227 : vector<4096xf32> to vector<4096x1xf32>
    %get3A_229 = arith.constant 2 : index
    %get3A_230 = arith.constant 0 : index
    %get3A_231 = arith.constant 0 : index
    %get3A_232 = vector.load %arg2[%get3A_229, %get3A_230, %get3A_231] : memref<4x512x32xf32, #tpu.memory_space<vmem>>, vector<1x128x32xf32>
    %get3A_233 = vector.shape_cast %get3A_232 : vector<1x128x32xf32> to vector<128x32xf32>
    %dot_general3A_234 = arith.constant dense<0.000000e+00> : vector<4096x128xf32>
    %dot_general3A_235 = tpu.matmul %slice3A_224, %get3A_233, %dot_general3A_234 {dimension_numbers = #tpu.dot_dimension_numbers<[1], [1], [0], [0], [0, 0, 1, 0], [], []>, transpose_lhs_hint = false} : vector<4096x32xf32>, vector<128x32xf32>, vector<4096x128xf32> -> vector<4096x128xf32>
    %mul3A_236 = arith.mulf %get3A_233, %get3A_233 : vector<128x32xf32>
    %reduce_sum3A_237 = arith.constant dense<0.000000e+00> : vector<128xf32>
    %reduce_sum3A_238 = vector.multi_reduction <add>, %mul3A_236, %reduce_sum3A_237 [1] : vector<128x32xf32> to vector<128xf32>
    %mul3A_239 = arith.constant 2.000000e+00 : f32
    %mul3A_240 = vector.broadcast %mul3A_239 : f32 to vector<4096x128xf32>
    %mul3A_241 = arith.mulf %mul3A_240, %dot_general3A_235 : vector<4096x128xf32>
    %sub3A_242 = vector.broadcast %broadcast_in_dim3A_228 : vector<4096x1xf32> to vector<4096x128xf32>
    %sub3A_243 = arith.subf %sub3A_242, %mul3A_241 : vector<4096x128xf32>
    %broadcast_in_dim3A_244 = vector.shape_cast %reduce_sum3A_238 : vector<128xf32> to vector<1x128xf32>
    %add3A_245 = vector.broadcast %broadcast_in_dim3A_244 : vector<1x128xf32> to vector<4096x128xf32>
    %add3A_246 = arith.addf %sub3A_243, %add3A_245 : vector<4096x128xf32>
    %max3A_247 = arith.constant 0.000000e+00 : f32
    %max3A_248 = vector.broadcast %max3A_247 : f32 to vector<4096x128xf32>
    %max3A_249 = arith.maximumf %add3A_246, %max3A_248 : vector<4096x128xf32>
    %get3A_250 = arith.constant 2 : index
    %get3A_251 = arith.constant 128 : index
    %get3A_252 = arith.constant 0 : index
    %get3A_253 = vector.load %arg2[%get3A_250, %get3A_251, %get3A_252] : memref<4x512x32xf32, #tpu.memory_space<vmem>>, vector<1x128x32xf32>
    %get3A_254 = vector.shape_cast %get3A_253 : vector<1x128x32xf32> to vector<128x32xf32>
    %dot_general3A_255 = arith.constant dense<0.000000e+00> : vector<4096x128xf32>
    %dot_general3A_256 = tpu.matmul %slice3A_224, %get3A_254, %dot_general3A_255 {dimension_numbers = #tpu.dot_dimension_numbers<[1], [1], [0], [0], [0, 0, 1, 0], [], []>, transpose_lhs_hint = false} : vector<4096x32xf32>, vector<128x32xf32>, vector<4096x128xf32> -> vector<4096x128xf32>
    %mul3A_257 = arith.mulf %get3A_254, %get3A_254 : vector<128x32xf32>
    %reduce_sum3A_258 = arith.constant dense<0.000000e+00> : vector<128xf32>
    %reduce_sum3A_259 = vector.multi_reduction <add>, %mul3A_257, %reduce_sum3A_258 [1] : vector<128x32xf32> to vector<128xf32>
    %mul3A_260 = arith.constant 2.000000e+00 : f32
    %mul3A_261 = vector.broadcast %mul3A_260 : f32 to vector<4096x128xf32>
    %mul3A_262 = arith.mulf %mul3A_261, %dot_general3A_256 : vector<4096x128xf32>
    %sub3A_263 = vector.broadcast %broadcast_in_dim3A_228 : vector<4096x1xf32> to vector<4096x128xf32>
    %sub3A_264 = arith.subf %sub3A_263, %mul3A_262 : vector<4096x128xf32>
    %broadcast_in_dim3A_265 = vector.shape_cast %reduce_sum3A_259 : vector<128xf32> to vector<1x128xf32>
    %add3A_266 = vector.broadcast %broadcast_in_dim3A_265 : vector<1x128xf32> to vector<4096x128xf32>
    %add3A_267 = arith.addf %sub3A_264, %add3A_266 : vector<4096x128xf32>
    %max3A_268 = arith.constant 0.000000e+00 : f32
    %max3A_269 = vector.broadcast %max3A_268 : f32 to vector<4096x128xf32>
    %max3A_270 = arith.maximumf %add3A_267, %max3A_269 : vector<4096x128xf32>
    %lt3A_271 = arith.cmpf olt, %max3A_270, %max3A_249 : vector<4096x128xf32>
    %select_n3A_272 = arith.select %lt3A_271, %max3A_270, %max3A_249 : vector<4096x128xi1>, vector<4096x128xf32>
    %add3A_273 = arith.constant 128 : i32
    %add3A_274 = vector.broadcast %add3A_273 : i32 to vector<4096x128xi32>
    %add3A_275 = arith.addi %iota3A, %add3A_274 : vector<4096x128xi32>
    %select_n3A_276 = arith.select %lt3A_271, %add3A_275, %iota3A : vector<4096x128xi1>, vector<4096x128xi32>
    %get3A_277 = arith.constant 2 : index
    %get3A_278 = arith.constant 256 : index
    %get3A_279 = arith.constant 0 : index
    %get3A_280 = vector.load %arg2[%get3A_277, %get3A_278, %get3A_279] : memref<4x512x32xf32, #tpu.memory_space<vmem>>, vector<1x128x32xf32>
    %get3A_281 = vector.shape_cast %get3A_280 : vector<1x128x32xf32> to vector<128x32xf32>
    %dot_general3A_282 = arith.constant dense<0.000000e+00> : vector<4096x128xf32>
    %dot_general3A_283 = tpu.matmul %slice3A_224, %get3A_281, %dot_general3A_282 {dimension_numbers = #tpu.dot_dimension_numbers<[1], [1], [0], [0], [0, 0, 1, 0], [], []>, transpose_lhs_hint = false} : vector<4096x32xf32>, vector<128x32xf32>, vector<4096x128xf32> -> vector<4096x128xf32>
    %mul3A_284 = arith.mulf %get3A_281, %get3A_281 : vector<128x32xf32>
    %reduce_sum3A_285 = arith.constant dense<0.000000e+00> : vector<128xf32>
    %reduce_sum3A_286 = vector.multi_reduction <add>, %mul3A_284, %reduce_sum3A_285 [1] : vector<128x32xf32> to vector<128xf32>
    %mul3A_287 = arith.constant 2.000000e+00 : f32
    %mul3A_288 = vector.broadcast %mul3A_287 : f32 to vector<4096x128xf32>
    %mul3A_289 = arith.mulf %mul3A_288, %dot_general3A_283 : vector<4096x128xf32>
    %sub3A_290 = vector.broadcast %broadcast_in_dim3A_228 : vector<4096x1xf32> to vector<4096x128xf32>
    %sub3A_291 = arith.subf %sub3A_290, %mul3A_289 : vector<4096x128xf32>
    %broadcast_in_dim3A_292 = vector.shape_cast %reduce_sum3A_286 : vector<128xf32> to vector<1x128xf32>
    %add3A_293 = vector.broadcast %broadcast_in_dim3A_292 : vector<1x128xf32> to vector<4096x128xf32>
    %add3A_294 = arith.addf %sub3A_291, %add3A_293 : vector<4096x128xf32>
    %max3A_295 = arith.constant 0.000000e+00 : f32
    %max3A_296 = vector.broadcast %max3A_295 : f32 to vector<4096x128xf32>
    %max3A_297 = arith.maximumf %add3A_294, %max3A_296 : vector<4096x128xf32>
    %lt3A_298 = arith.cmpf olt, %max3A_297, %select_n3A_272 : vector<4096x128xf32>
    %select_n3A_299 = arith.select %lt3A_298, %max3A_297, %select_n3A_272 : vector<4096x128xi1>, vector<4096x128xf32>
    %add3A_300 = arith.constant 256 : i32
    %add3A_301 = vector.broadcast %add3A_300 : i32 to vector<4096x128xi32>
    %add3A_302 = arith.addi %iota3A, %add3A_301 : vector<4096x128xi32>
    %select_n3A_303 = arith.select %lt3A_298, %add3A_302, %select_n3A_276 : vector<4096x128xi1>, vector<4096x128xi32>
    %get3A_304 = arith.constant 2 : index
    %get3A_305 = arith.constant 384 : index
    %get3A_306 = arith.constant 0 : index
    %get3A_307 = vector.load %arg2[%get3A_304, %get3A_305, %get3A_306] : memref<4x512x32xf32, #tpu.memory_space<vmem>>, vector<1x128x32xf32>
    %get3A_308 = vector.shape_cast %get3A_307 : vector<1x128x32xf32> to vector<128x32xf32>
    %dot_general3A_309 = arith.constant dense<0.000000e+00> : vector<4096x128xf32>
    %dot_general3A_310 = tpu.matmul %slice3A_224, %get3A_308, %dot_general3A_309 {dimension_numbers = #tpu.dot_dimension_numbers<[1], [1], [0], [0], [0, 0, 1, 0], [], []>, transpose_lhs_hint = false} : vector<4096x32xf32>, vector<128x32xf32>, vector<4096x128xf32> -> vector<4096x128xf32>
    %mul3A_311 = arith.mulf %get3A_308, %get3A_308 : vector<128x32xf32>
    %reduce_sum3A_312 = arith.constant dense<0.000000e+00> : vector<128xf32>
    %reduce_sum3A_313 = vector.multi_reduction <add>, %mul3A_311, %reduce_sum3A_312 [1] : vector<128x32xf32> to vector<128xf32>
    %mul3A_314 = arith.constant 2.000000e+00 : f32
    %mul3A_315 = vector.broadcast %mul3A_314 : f32 to vector<4096x128xf32>
    %mul3A_316 = arith.mulf %mul3A_315, %dot_general3A_310 : vector<4096x128xf32>
    %sub3A_317 = vector.broadcast %broadcast_in_dim3A_228 : vector<4096x1xf32> to vector<4096x128xf32>
    %sub3A_318 = arith.subf %sub3A_317, %mul3A_316 : vector<4096x128xf32>
    %broadcast_in_dim3A_319 = vector.shape_cast %reduce_sum3A_313 : vector<128xf32> to vector<1x128xf32>
    %add3A_320 = vector.broadcast %broadcast_in_dim3A_319 : vector<1x128xf32> to vector<4096x128xf32>
    %add3A_321 = arith.addf %sub3A_318, %add3A_320 : vector<4096x128xf32>
    %max3A_322 = arith.constant 0.000000e+00 : f32
    %max3A_323 = vector.broadcast %max3A_322 : f32 to vector<4096x128xf32>
    %max3A_324 = arith.maximumf %add3A_321, %max3A_323 : vector<4096x128xf32>
    %lt3A_325 = arith.cmpf olt, %max3A_324, %select_n3A_299 : vector<4096x128xf32>
    %select_n3A_326 = arith.select %lt3A_325, %max3A_324, %select_n3A_299 : vector<4096x128xi1>, vector<4096x128xf32>
    %add3A_327 = arith.constant 384 : i32
    %add3A_328 = vector.broadcast %add3A_327 : i32 to vector<4096x128xi32>
    %add3A_329 = arith.addi %iota3A, %add3A_328 : vector<4096x128xi32>
    %select_n3A_330 = arith.select %lt3A_325, %add3A_329, %select_n3A_303 : vector<4096x128xi1>, vector<4096x128xi32>
    %reduce_min3A_331 = arith.constant dense<0x7F800000> : vector<4096xf32>
    %reduce_min3A_332 = vector.multi_reduction <minimumf>, %select_n3A_326, %reduce_min3A_331 [1] : vector<4096x128xf32> to vector<4096xf32>
    %broadcast_in_dim3A_333 = vector.shape_cast %reduce_min3A_332 : vector<4096xf32> to vector<4096x1xf32>
    %eq3A_334 = vector.broadcast %broadcast_in_dim3A_333 : vector<4096x1xf32> to vector<4096x128xf32>
    %eq3A_335 = arith.cmpf oeq, %select_n3A_326, %eq3A_334 : vector<4096x128xf32>
    %jit3A_336 = arith.constant 2048 : i32
    %broadcast_in_dim3A_337 = vector.broadcast %jit3A_336 : i32 to vector<4096x128xi32>
    %select_n3A_338 = arith.select %eq3A_335, %select_n3A_330, %broadcast_in_dim3A_337 : vector<4096x128xi1>, vector<4096x128xi32>
    %reduce_min3A_339 = arith.constant dense<2147483647> : vector<4096xi32>
    %reduce_min3A_340 = vector.multi_reduction <minsi>, %select_n3A_338, %reduce_min3A_339 [1] : vector<4096x128xi32> to vector<4096xi32>
    %reshape3A_341 = vector.shape_cast %reduce_min3A_340 : vector<4096xi32> to vector<4096x1xi32>
    %slice3A_342 = vector.extract_strided_slice %get3A_1 {offsets = [0, 96], sizes = [4096, 32], strides = [1, 1]} : vector<4096x128xf32> to vector<4096x32xf32>
    %mul3A_343 = arith.mulf %slice3A_342, %slice3A_342 : vector<4096x32xf32>
    %reduce_sum3A_344 = arith.constant dense<0.000000e+00> : vector<4096xf32>
    %reduce_sum3A_345 = vector.multi_reduction <add>, %mul3A_343, %reduce_sum3A_344 [1] : vector<4096x32xf32> to vector<4096xf32>
    %broadcast_in_dim3A_346 = vector.shape_cast %reduce_sum3A_345 : vector<4096xf32> to vector<4096x1xf32>
    %get3A_347 = arith.constant 3 : index
    %get3A_348 = arith.constant 0 : index
    %get3A_349 = arith.constant 0 : index
    %get3A_350 = vector.load %arg2[%get3A_347, %get3A_348, %get3A_349] : memref<4x512x32xf32, #tpu.memory_space<vmem>>, vector<1x128x32xf32>
    %get3A_351 = vector.shape_cast %get3A_350 : vector<1x128x32xf32> to vector<128x32xf32>
    %dot_general3A_352 = arith.constant dense<0.000000e+00> : vector<4096x128xf32>
    %dot_general3A_353 = tpu.matmul %slice3A_342, %get3A_351, %dot_general3A_352 {dimension_numbers = #tpu.dot_dimension_numbers<[1], [1], [0], [0], [0, 0, 1, 0], [], []>, transpose_lhs_hint = false} : vector<4096x32xf32>, vector<128x32xf32>, vector<4096x128xf32> -> vector<4096x128xf32>
    %mul3A_354 = arith.mulf %get3A_351, %get3A_351 : vector<128x32xf32>
    %reduce_sum3A_355 = arith.constant dense<0.000000e+00> : vector<128xf32>
    %reduce_sum3A_356 = vector.multi_reduction <add>, %mul3A_354, %reduce_sum3A_355 [1] : vector<128x32xf32> to vector<128xf32>
    %mul3A_357 = arith.constant 2.000000e+00 : f32
    %mul3A_358 = vector.broadcast %mul3A_357 : f32 to vector<4096x128xf32>
    %mul3A_359 = arith.mulf %mul3A_358, %dot_general3A_353 : vector<4096x128xf32>
    %sub3A_360 = vector.broadcast %broadcast_in_dim3A_346 : vector<4096x1xf32> to vector<4096x128xf32>
    %sub3A_361 = arith.subf %sub3A_360, %mul3A_359 : vector<4096x128xf32>
    %broadcast_in_dim3A_362 = vector.shape_cast %reduce_sum3A_356 : vector<128xf32> to vector<1x128xf32>
    %add3A_363 = vector.broadcast %broadcast_in_dim3A_362 : vector<1x128xf32> to vector<4096x128xf32>
    %add3A_364 = arith.addf %sub3A_361, %add3A_363 : vector<4096x128xf32>
    %max3A_365 = arith.constant 0.000000e+00 : f32
    %max3A_366 = vector.broadcast %max3A_365 : f32 to vector<4096x128xf32>
    %max3A_367 = arith.maximumf %add3A_364, %max3A_366 : vector<4096x128xf32>
    %get3A_368 = arith.constant 3 : index
    %get3A_369 = arith.constant 128 : index
    %get3A_370 = arith.constant 0 : index
    %get3A_371 = vector.load %arg2[%get3A_368, %get3A_369, %get3A_370] : memref<4x512x32xf32, #tpu.memory_space<vmem>>, vector<1x128x32xf32>
    %get3A_372 = vector.shape_cast %get3A_371 : vector<1x128x32xf32> to vector<128x32xf32>
    %dot_general3A_373 = arith.constant dense<0.000000e+00> : vector<4096x128xf32>
    %dot_general3A_374 = tpu.matmul %slice3A_342, %get3A_372, %dot_general3A_373 {dimension_numbers = #tpu.dot_dimension_numbers<[1], [1], [0], [0], [0, 0, 1, 0], [], []>, transpose_lhs_hint = false} : vector<4096x32xf32>, vector<128x32xf32>, vector<4096x128xf32> -> vector<4096x128xf32>
    %mul3A_375 = arith.mulf %get3A_372, %get3A_372 : vector<128x32xf32>
    %reduce_sum3A_376 = arith.constant dense<0.000000e+00> : vector<128xf32>
    %reduce_sum3A_377 = vector.multi_reduction <add>, %mul3A_375, %reduce_sum3A_376 [1] : vector<128x32xf32> to vector<128xf32>
    %mul3A_378 = arith.constant 2.000000e+00 : f32
    %mul3A_379 = vector.broadcast %mul3A_378 : f32 to vector<4096x128xf32>
    %mul3A_380 = arith.mulf %mul3A_379, %dot_general3A_374 : vector<4096x128xf32>
    %sub3A_381 = vector.broadcast %broadcast_in_dim3A_346 : vector<4096x1xf32> to vector<4096x128xf32>
    %sub3A_382 = arith.subf %sub3A_381, %mul3A_380 : vector<4096x128xf32>
    %broadcast_in_dim3A_383 = vector.shape_cast %reduce_sum3A_377 : vector<128xf32> to vector<1x128xf32>
    %add3A_384 = vector.broadcast %broadcast_in_dim3A_383 : vector<1x128xf32> to vector<4096x128xf32>
    %add3A_385 = arith.addf %sub3A_382, %add3A_384 : vector<4096x128xf32>
    %max3A_386 = arith.constant 0.000000e+00 : f32
    %max3A_387 = vector.broadcast %max3A_386 : f32 to vector<4096x128xf32>
    %max3A_388 = arith.maximumf %add3A_385, %max3A_387 : vector<4096x128xf32>
    %lt3A_389 = arith.cmpf olt, %max3A_388, %max3A_367 : vector<4096x128xf32>
    %select_n3A_390 = arith.select %lt3A_389, %max3A_388, %max3A_367 : vector<4096x128xi1>, vector<4096x128xf32>
    %add3A_391 = arith.constant 128 : i32
    %add3A_392 = vector.broadcast %add3A_391 : i32 to vector<4096x128xi32>
    %add3A_393 = arith.addi %iota3A, %add3A_392 : vector<4096x128xi32>
    %select_n3A_394 = arith.select %lt3A_389, %add3A_393, %iota3A : vector<4096x128xi1>, vector<4096x128xi32>
    %get3A_395 = arith.constant 3 : index
    %get3A_396 = arith.constant 256 : index
    %get3A_397 = arith.constant 0 : index
    %get3A_398 = vector.load %arg2[%get3A_395, %get3A_396, %get3A_397] : memref<4x512x32xf32, #tpu.memory_space<vmem>>, vector<1x128x32xf32>
    %get3A_399 = vector.shape_cast %get3A_398 : vector<1x128x32xf32> to vector<128x32xf32>
    %dot_general3A_400 = arith.constant dense<0.000000e+00> : vector<4096x128xf32>
    %dot_general3A_401 = tpu.matmul %slice3A_342, %get3A_399, %dot_general3A_400 {dimension_numbers = #tpu.dot_dimension_numbers<[1], [1], [0], [0], [0, 0, 1, 0], [], []>, transpose_lhs_hint = false} : vector<4096x32xf32>, vector<128x32xf32>, vector<4096x128xf32> -> vector<4096x128xf32>
    %mul3A_402 = arith.mulf %get3A_399, %get3A_399 : vector<128x32xf32>
    %reduce_sum3A_403 = arith.constant dense<0.000000e+00> : vector<128xf32>
    %reduce_sum3A_404 = vector.multi_reduction <add>, %mul3A_402, %reduce_sum3A_403 [1] : vector<128x32xf32> to vector<128xf32>
    %mul3A_405 = arith.constant 2.000000e+00 : f32
    %mul3A_406 = vector.broadcast %mul3A_405 : f32 to vector<4096x128xf32>
    %mul3A_407 = arith.mulf %mul3A_406, %dot_general3A_401 : vector<4096x128xf32>
    %sub3A_408 = vector.broadcast %broadcast_in_dim3A_346 : vector<4096x1xf32> to vector<4096x128xf32>
    %sub3A_409 = arith.subf %sub3A_408, %mul3A_407 : vector<4096x128xf32>
    %broadcast_in_dim3A_410 = vector.shape_cast %reduce_sum3A_404 : vector<128xf32> to vector<1x128xf32>
    %add3A_411 = vector.broadcast %broadcast_in_dim3A_410 : vector<1x128xf32> to vector<4096x128xf32>
    %add3A_412 = arith.addf %sub3A_409, %add3A_411 : vector<4096x128xf32>
    %max3A_413 = arith.constant 0.000000e+00 : f32
    %max3A_414 = vector.broadcast %max3A_413 : f32 to vector<4096x128xf32>
    %max3A_415 = arith.maximumf %add3A_412, %max3A_414 : vector<4096x128xf32>
    %lt3A_416 = arith.cmpf olt, %max3A_415, %select_n3A_390 : vector<4096x128xf32>
    %select_n3A_417 = arith.select %lt3A_416, %max3A_415, %select_n3A_390 : vector<4096x128xi1>, vector<4096x128xf32>
    %add3A_418 = arith.constant 256 : i32
    %add3A_419 = vector.broadcast %add3A_418 : i32 to vector<4096x128xi32>
    %add3A_420 = arith.addi %iota3A, %add3A_419 : vector<4096x128xi32>
    %select_n3A_421 = arith.select %lt3A_416, %add3A_420, %select_n3A_394 : vector<4096x128xi1>, vector<4096x128xi32>
    %get3A_422 = arith.constant 3 : index
    %get3A_423 = arith.constant 384 : index
    %get3A_424 = arith.constant 0 : index
    %get3A_425 = vector.load %arg2[%get3A_422, %get3A_423, %get3A_424] : memref<4x512x32xf32, #tpu.memory_space<vmem>>, vector<1x128x32xf32>
    %get3A_426 = vector.shape_cast %get3A_425 : vector<1x128x32xf32> to vector<128x32xf32>
    %dot_general3A_427 = arith.constant dense<0.000000e+00> : vector<4096x128xf32>
    %dot_general3A_428 = tpu.matmul %slice3A_342, %get3A_426, %dot_general3A_427 {dimension_numbers = #tpu.dot_dimension_numbers<[1], [1], [0], [0], [0, 0, 1, 0], [], []>, transpose_lhs_hint = false} : vector<4096x32xf32>, vector<128x32xf32>, vector<4096x128xf32> -> vector<4096x128xf32>
    %mul3A_429 = arith.mulf %get3A_426, %get3A_426 : vector<128x32xf32>
    %reduce_sum3A_430 = arith.constant dense<0.000000e+00> : vector<128xf32>
    %reduce_sum3A_431 = vector.multi_reduction <add>, %mul3A_429, %reduce_sum3A_430 [1] : vector<128x32xf32> to vector<128xf32>
    %mul3A_432 = arith.constant 2.000000e+00 : f32
    %mul3A_433 = vector.broadcast %mul3A_432 : f32 to vector<4096x128xf32>
    %mul3A_434 = arith.mulf %mul3A_433, %dot_general3A_428 : vector<4096x128xf32>
    %sub3A_435 = vector.broadcast %broadcast_in_dim3A_346 : vector<4096x1xf32> to vector<4096x128xf32>
    %sub3A_436 = arith.subf %sub3A_435, %mul3A_434 : vector<4096x128xf32>
    %broadcast_in_dim3A_437 = vector.shape_cast %reduce_sum3A_431 : vector<128xf32> to vector<1x128xf32>
    %add3A_438 = vector.broadcast %broadcast_in_dim3A_437 : vector<1x128xf32> to vector<4096x128xf32>
    %add3A_439 = arith.addf %sub3A_436, %add3A_438 : vector<4096x128xf32>
    %max3A_440 = arith.constant 0.000000e+00 : f32
    %max3A_441 = vector.broadcast %max3A_440 : f32 to vector<4096x128xf32>
    %max3A_442 = arith.maximumf %add3A_439, %max3A_441 : vector<4096x128xf32>
    %lt3A_443 = arith.cmpf olt, %max3A_442, %select_n3A_417 : vector<4096x128xf32>
    %select_n3A_444 = arith.select %lt3A_443, %max3A_442, %select_n3A_417 : vector<4096x128xi1>, vector<4096x128xf32>
    %add3A_445 = arith.constant 384 : i32
    %add3A_446 = vector.broadcast %add3A_445 : i32 to vector<4096x128xi32>
    %add3A_447 = arith.addi %iota3A, %add3A_446 : vector<4096x128xi32>
    %select_n3A_448 = arith.select %lt3A_443, %add3A_447, %select_n3A_421 : vector<4096x128xi1>, vector<4096x128xi32>
    %reduce_min3A_449 = arith.constant dense<0x7F800000> : vector<4096xf32>
    %reduce_min3A_450 = vector.multi_reduction <minimumf>, %select_n3A_444, %reduce_min3A_449 [1] : vector<4096x128xf32> to vector<4096xf32>
    %broadcast_in_dim3A_451 = vector.shape_cast %reduce_min3A_450 : vector<4096xf32> to vector<4096x1xf32>
    %eq3A_452 = vector.broadcast %broadcast_in_dim3A_451 : vector<4096x1xf32> to vector<4096x128xf32>
    %eq3A_453 = arith.cmpf oeq, %select_n3A_444, %eq3A_452 : vector<4096x128xf32>
    %jit3A_454 = arith.constant 2048 : i32
    %broadcast_in_dim3A_455 = vector.broadcast %jit3A_454 : i32 to vector<4096x128xi32>
    %select_n3A_456 = arith.select %eq3A_453, %select_n3A_448, %broadcast_in_dim3A_455 : vector<4096x128xi1>, vector<4096x128xi32>
    %reduce_min3A_457 = arith.constant dense<2147483647> : vector<4096xi32>
    %reduce_min3A_458 = vector.multi_reduction <minsi>, %select_n3A_456, %reduce_min3A_457 [1] : vector<4096x128xi32> to vector<4096xi32>
    %reshape3A_459 = vector.shape_cast %reduce_min3A_458 : vector<4096xi32> to vector<4096x1xi32>
    %concatenate3A = tpu.concatenate %reshape3A, %reshape3A_223, %reshape3A_341, %reshape3A_459 in 1 : vector<4096x1xi32>, vector<4096x1xi32>, vector<4096x1xi32>, vector<4096x1xi32> -> vector<4096x4xi32>
    %swap3A = arith.constant 0 : index
    %swap3A_460 = arith.constant 0 : index
    %swap3A_461 = vector.load %arg3[%swap3A, %swap3A_460] : memref<4096x4xi32, #tpu.memory_space<vmem>>, vector<4096x4xi32>
    tpu.vector_store %arg3[%swap3A, %swap3A_460], %concatenate3A {strides = array<i32>} : memref<4096x4xi32, #tpu.memory_space<vmem>>, vector<4096x4xi32>,
    return
  }
  func.func @transform_0(%arg0: i32) -> (i32, i32) {
    %c0_i32 = arith.constant 0 : i32
    %c0_i32_0 = arith.constant 0 : i32
    return %arg0, %c0_i32 : i32, i32
  }
  func.func @transform_1(%arg0: i32) -> (i32, i32, i32) {
    %c0_i32 = arith.constant 0 : i32
    %c0_i32_0 = arith.constant 0 : i32
    %c0_i32_1 = arith.constant 0 : i32
    %c0_i32_2 = arith.constant 0 : i32
    return %c0_i32, %c0_i32_0, %c0_i32_1 : i32, i32, i32
  }
  func.func @transform_2(%arg0: i32) -> (i32, i32) {
    %c0_i32 = arith.constant 0 : i32
    %c0_i32_0 = arith.constant 0 : i32
    return %arg0, %c0_i32 : i32, i32
  }
}

</mosaic_0001>

<sc_bundles>
// kernel: kernel.4.cloned.1.call-start
scs
__scs_entry_jumppad:
0x0: {  	(pc) =	sbr.rel $0x88, $3  }
0x1: {  	(tag) =	ssettag $0x0;
	lr =	simm.s32 $0x1  }
0x2: {  	[smem:$0x3F9E] =	sst lr;
	_ =	strace $0xD0000000  }
0x3: {  	_ = 	snop  }
0x4: {  	_ = 	snop  }
0x5: {  	_ = 	snop  }
0x6: {  	_ = 	snop  }
0x7: {  	_ = 	snop  }
__scs_overlays_trampoline_lowered:
0x8: {  	[smem:$0x3FAD] =	sst s0  }
0x9: {  	[smem:$0x3FAE] =	sst s1  }
0xa: {  	[smem:$0x3FAF] =	sst s2  }
0xb: {  	[smem:$0x3FB0] =	sst s3  }
0xc: {  	[smem:$0x3FB1] =	sst s4  }
0xd: {  	[smem:$0x3FB2] =	sst s5  }
0xe: {  	[smem:$0x3FB3] =	sst s6  }
0xf: {  	[smem:$0x3FB4] =	sst s7  }
0x10: {  	[smem:$0x3FB5] =	sst s8  }
0x11: {  	[smem:$0x3FB6] =	sst s9;
	s0 =	simm.s32 @!p0 $0x0  }
0x12: {  	s1 =	sld [smem:$0x3F9C];
	s0 =	simm.s32 @p0 $0x1  }
0x13: {  	[smem:$0x3FB7] =	sst s0;
	s0 =	simm.s32 @!p1 $0x0  }
0x14: {  	s2 =	sld [smem:$0x3F9B];
	s0 =	simm.s32 @p1 $0x1  }
0x15: {  	[smem:$0x3FB8] =	sst s0;
	s0 =	simm.s32 @!p2 $0x0  }
0x16: {  	s3 =	sld [smem:$0x3FDB];
	s0 =	simm.s32 @p2 $0x1  }
0x17: {  	s4 =	simm.s32 $0x1BF5;
	[smem:$0x3FBA] =	sst s0  }
0x18: {  	s0 =	sld [smem:$0x3F9D];
	_ =	swait.ge [sflag:s4], $0x0  }
0x19: {  	s7 =	sld [smem:$0x3F9E]  }
0x1a: {  	s8 =	sadd.s32 $0xFFFFE003, lr  }
0x1b: {  	s9 =	sadd.s32 $0xFFFFFEF7, lr;
	s5 =	simm.s32 $0xFFFFFFFF;
	p2 =	slt.u32 s8, $0xFFFFF086  }
0x1c: {  	p1 =	slt.u32 s9, $0xF7A;
	s5 =	simm.s32 @!p2 $0x0  }
0x1d: {  	s5 =	simm.s32 @p1 $0x1;
	p0 =	seq.s32 s7, s2  }
0x1e: {  	s7 =	smul.u32 @!p0 $0xF7A, s2;
	p2 =	seq.s32 @!p0 s5, $0x0  }
0x1f: {  	s9 =	smul.u32 $0xF7A, s1;
	s8 =	simm.s32 @!p0 $0x1BF5;
	p2 =	por !p2, p0  }
0x20: {  	[sflag:s8] =	ssyncset.s32 @!p0 $0xFFFFF086;
	s6 =	sadd.s32 @!p0 s3, s7;
	s7 =	simm.s32 @!p0 $0x108  }
0x21: {  	s3 =	sadd.s32 s3, s9;
	s6 =	sadd.s32 @!p0 $0x88, s6;
	s7 =	simm.s32 @p2 $0x1082  }
0x22: {  	[simem:s7], [sflag:s8] =	dma.local @!p0 [hbm:s6], $0xF7A  }
0x23: {  	s9 =	sor.u32 $0xD0000000, s2;
	s6 =	simm.s32 $0x108;
	_ =	swait.ge @!p0 [sflag:s8], $0x0  }
0x24: {  	s3 =	sadd.s32 $0x88, s3;
	s6 =	simm.s32 @!p1 $0x1082;
	[sflag:s4] =	ssyncset.s32 $0xFFFFF086  }
0x25: {  	[simem:s6], [sflag:s4] =	dma.local [hbm:s3], $0xF7A  }
0x26: {  	[smem:$0x3F9E] =	sst s1;
	(tag) =	ssettag s2;
	_ =	strace s9  }
0x27: {  	s1 =	sld [smem:$0x3FAE]  }
0x28: {  	s2 =	sld [smem:$0x3FAF]  }
0x29: {  	s4 =	sld [smem:$0x3FB1]  }
0x2a: {  	p0 =	seq.s32 s5, $0x0;
	s5 =	sld [smem:$0x3FB2]  }
0x2b: {  	s6 =	sld [smem:$0x3FB3]  }
0x2c: {  	s7 =	sld [smem:$0x3FB4]  }
0x2d: {  	s3 =	simm.s32 $0x108;
	s8 =	sld [smem:$0x3FB5]  }
0x2e: {  	s3 =	simm.s32 @!p0 $0x1082;
	s9 =	sld [smem:$0x3FB6]  }
0x2f: {  	lr =	sadd.s32 s0, s3;
	s0 =	sld [smem:$0x3FAD]  }
0x30: {  	s3 =	sld [smem:$0x3FB0]  }
0x31: {  	[smem:$0x3FB9] =	sst s10  }
0x32: {  	s10 =	sld [smem:$0x3FB7];
	_ =	sdelay $0x3  }
0x33: {  	p0 =	seq.s32 s10, $0x1;
	s10 =	sld [smem:$0x3FB9];
	_ =	sdelay $0x3  }
0x34: {  	[smem:$0x3FB9] =	sst s10  }
0x35: {  	s10 =	sld [smem:$0x3FB8];
	_ =	sdelay $0x3  }
0x36: {  	p1 =	seq.s32 s10, $0x1;
	s10 =	sld [smem:$0x3FB9];
	_ =	sdelay $0x3  }
0x37: {  	[smem:$0x3FB9] =	sst s10  }
0x38: {  	s10 =	sld [smem:$0x3FBA]  }
0x39: {  	_ = 	snop;
	(pc) =	sbr.ind lr, $3  }
0x3a: {  	_ = 	snop  }
0x3b: {  	_ = 	snop  }
0x3c: {  	p2 =	seq.s32 s10, $0x1;
	s10 =	sld [smem:$0x3FB9]  }
0x3d: {  	_ =	shalt  }
0x3e: {  	_ =	shalt  }
0x3f: {  	_ =	shalt  }
0x40: {  	_ =	shalt  }
0x41: {  	_ =	shalt  }
0x42: {  	_ =	shalt  }
0x43: {  	_ =	shalt  }
0x44: {  	_ =	shalt  }
0x45: {  	_ =	shalt  }
0x46: {  	_ =	shalt  }
0x47: {  	_ =	shalt  }
0x48: {  	_ =	shalt  }
0x49: {  	_ =	shalt  }
0x4a: {  	_ =	shalt  }
0x4b: {  	_ =	shalt  }
0x4c: {  	_ =	shalt  }
0x4d: {  	_ =	shalt  }
0x4e: {  	_ =	shalt  }
0x4f: {  	_ =	shalt  }
0x50: {  	_ =	shalt  }
0x51: {  	_ =	shalt  }
0x52: {  	_ =	shalt  }
0x53: {  	_ =	shalt  }
0x54: {  	_ =	shalt  }
0x55: {  	_ =	shalt  }
0x56: {  	_ =	shalt  }
0x57: {  	_ =	shalt  }
0x58: {  	_ =	shalt  }
0x59: {  	_ =	shalt  }
0x5a: {  	_ =	shalt  }
0x5b: {  	_ =	shalt  }
0x5c: {  	_ =	shalt  }
0x5d: {  	_ =	shalt  }
0x5e: {  	_ =	shalt  }
0x5f: {  	_ =	shalt  }
0x60: {  	_ =	shalt  }
0x61: {  	_ =	shalt  }
0x62: {  	_ =	shalt  }
0x63: {  	_ =	shalt  }
0x64: {  	_ =	shalt  }
0x65: {  	_ =	shalt  }
0x66: {  	_ =	shalt  }
0x67: {  	_ =	shalt  }
0x68: {  	_ =	shalt  }
0x69: {  	_ =	shalt  }
0x6a: {  	_ =	shalt  }
0x6b: {  	_ =	shalt  }
0x6c: {  	_ =	shalt  }
0x6d: {  	_ =	shalt  }
0x6e: {  	_ =	shalt  }
0x6f: {  	_ =	shalt  }
0x70: {  	_ =	shalt  }
0x71: {  	_ =	shalt  }
0x72: {  	_ =	shalt  }
0x73: {  	_ =	shalt  }
0x74: {  	_ =	shalt  }
0x75: {  	_ =	shalt  }
0x76: {  	_ =	shalt  }
0x77: {  	_ =	shalt  }
0x78: {  	_ =	shalt  }
0x79: {  	_ =	shalt  }
0x7a: {  	_ =	shalt  }
0x7b: {  	_ =	shalt  }
0x7c: {  	_ =	shalt  }
0x7d: {  	_ =	shalt  }
0x7e: {  	_ =	shalt  }
0x7f: {  	_ =	shalt  }
0x80: {  	_ =	shalt  }
0x81: {  	_ =	shalt  }
0x82: {  	_ =	shalt  }
0x83: {  	_ =	shalt  }
0x84: {  	_ =	shalt  }
0x85: {  	_ =	shalt  }
0x86: {  	_ =	shalt  }
0x87: {  	_ =	shalt  }
.Lfunc_end0:
.L_simem_size_0:
called_computation_lowered:
.L_overlay_start_0:
0x88: {  	s2 =	sld [smem:$0x3FD9]  }
0x89: {  	s3 =	sld [smem:$0x3FFE];
	_ =	sdelay $0x1  }
0x8a: {  	s1 =	srdreg.scid  }
0x8b: {  	s0 =	sand.u32 $0x1, s1  }
0x8c: {  	s14 =	sshll.u32 s0, $0xA;
	s2 =	sadd.s32 s3, s2  }
0x8d: {  	s2 =	sadd.s32 s2, s14  }
0x8e: {  	[smem:$0x3FC5] =	sst s2  }
0x8f: {  	_ = 	snop  }
0x90: {  	s2 =	sld [smem:$0x3FD0];
	_ =	sdelay $0x2  }
0x91: {  	s15 =	simm.s32 $0xA;
	s4 =	simm.s32 $0x10  }
0x92: {  	[smem:s4], [sflag:s15] =	dma.local [hbm:s2], $0x1  }
0x93: {  	_ =	swait.eq [sflag:s15], $0x1  }
0x94: {  	[sflag:s15] =	ssyncset.done $0x0  }
0x95: {  	s16 =	sld [smem:$0x10];
	[sflag:s15] =	ssyncadd.s32 $0xFFFFFFFF  }
0x96: {  	s17 =	sld [smem:$0x12];
	(tm) =	ssettm $0x1  }
0x97: {  	s18 =	sld [smem:$0x3FFB];
	_ =	sdelay $0x3  }
0x98: {  	_ =	strace s18  }
0x99: {  	s4 =	sld [smem:$0x3FFC];
	_ =	sdelay $0x3  }
0x9a: {  	_ =	strace s4  }
0x9b: {  	s4 =	sld [smem:$0x3FFD];
	_ =	sdelay $0x3  }
0x9c: {  	_ =	strace s4  }
0x9d: {  	_ =	strace $0x8FFFFFFF  }
0x9e: {  	s19 =	sld [smem:$0x3FDB];
	_ =	sdelay $0x1  }
0x9f: {  	s5 =	simm.s32 $_scs_section_size  }
0xa0: {  	s6 =	simm.s32 $_size__tile_overlayer_lowered;
	s7 =	simm.s32 $_tile_overlayer_lowered  }
0xa1: {  	s22 =	simm.s32 $0x1BFF;
	s21 =	sshll.u32 s7, $0x1;
	s4 =	sadd.s32 s5, s19  }
0xa2: {  	s8 =	simm.s32 $0x0;
	s20 =	sshll.u32 s6, $0x1;
	s6 =	sadd.s32 s21, s4  }
0xa3: {  	[timem:s8], [sflag:s22] =	dma.local [hbm:s6], s20  }
0xa4: {  	_ =	swait.ge [sflag:s22], s20  }
0xa5: {  	s5 =	ssub.s32 $0x0, s20;
	[sflag:s22] =	ssyncset.done $0x0  }
0xa6: {  	[sflag:s22] =	ssyncadd.s32 s5;
	_ =	sdelay $0x1  }
0xa7: {  	s23 =	simm.s32 $0x1B8B  }
0xa8: {  	_ =	swait.ge [sflag:s23], $0x1  }
0xa9: {  	[sflag:s23] =	ssyncset.done $0x0  }
0xaa: {  	s25 =	simm.s32 $0x1B8E;
	s24 =	sld [smem:$0x3FFE];
	[sflag:s23] =	ssyncadd.s32 $0xFFFFFFFF  }
0xab: {  	s26 =	simm.s32 $execute0_lowered;
	[smem:$0x3FD2] =	sst s25  }
0xac: {  	s6 =	sshll.u32 s26, $0x1;
	_ =	strace $0x80000046;
	[dreg:$0x1] =	wrdreg $0xFFFFFFFF  }
0xad: {  	s28 =	simm.s32 $_size_execute0_lowered;
	s4 =	sadd.s32 s4, s6;
	[dreg:$0x0] =	wrdreg $0x0  }
0xae: {  	s6 =	sshll.u32 s28, $0x1;
	[dreg:$0x2] =	wrdreg s4  }
0xaf: {  	[dreg:$0x3] =	wrdreg s6  }
0xb0: {  	[dreg:$0x4] =	wrdreg $0xC0  }
0xb1: {  	_ =	task [dreg:s8], $0x5FFFF  }
0xb2: {  	[dreg:$0x1] =	wrdreg $0xFFFFFFFF  }
0xb3: {  	[dreg:$0x0] =	wrdreg $0x60  }
0xb4: {  	[dreg:$0x2] =	wrdreg s16  }
0xb5: {  	[dreg:$0x3] =	wrdreg s24  }
0xb6: {  	[dreg:$0x4] =	wrdreg s17  }
0xb7: {  	[dreg:$0x5] =	wrdreg $0x1A1000  }
0xb8: {  	[dreg:$0x6] =	wrdreg $0x9  }
0xb9: {  	_ =	task.clear_ibuf [dreg:s8], $0x7FFFF;
	_ =	strace $0x90000046  }
0xba: {  	s29 =	simm.s32 $0x9;
	_ =	strace $0x80000048  }
0xbb: {  	_ =	swait.ge [sflag:s29], $0x1  }
0xbc: {  	[sflag:s29] =	ssyncadd.s32 $0xFFFFFFFF  }
0xbd: {  	_ =	strace $0x90000048  }
0xbe: {  	_ =	sfence  }
0xbf: {  	s30 =	sld [smem:$0x0];
	_ =	sdelay $0x2  }
0xc0: {  	s31 =	sshll.u32 s1, $0xD;
	s1 =	sshrl.u32 s1, $0x2  }
0xc1: {  	s3 =	sand.u32 $0x4000, s31;
	s1 =	sadd.s32 s1, s30  }
0xc2: {  	s0 =	sor.u32 s3, s0;
	s1 =	sshll.u32 s1, $0x11  }
0xc3: {  	s0 =	sor.u32 s1, s0  }
0xc4: {  	s0 =	sadd.s32 $0x8F2B, s0  }
0xc5: {  	[sflag:s0] =	ssyncadd.remote.s32 $0x1  }
0xc6: {  	_ =	sfence.sel $0xFFFF  }
0xc7: {  	[dreg:$0x0] =	wrdreg $0xFFFFFFFF;
	(pc) =	sbr.abs _section_cstart, $3  }
0xc8: {  	[dreg:$0x1] =	wrdreg $0xFFFFFFFF  }
0xc9: {  	_ =	task.clear_ibuf [dreg:s8], $0x2FFFF;
	_ =	strace $0x9FFFFFFF  }
0xca: {  	(tm) =	ssettm $0x7FFFFFFF  }
0xcb: {  	_ =	shalt  }
tec
execute0_lowered:
.L_overlay_start_1:
0x0: {  	(tag) =	ssettag $0x1  }
0x1: {  	s0 =	rddreg [dreg:$0x0]  }
0x2: {  	s1 =	rddreg [dreg:$0x1]  }
0x3: {  	s5 =	rddreg [dreg:$0x2]  }
0x4: {  	s6 =	rddreg [dreg:$0x3];
	s3 =	srdreg.scid  }
0x5: {  	s2 =	simm.s32 $0x0;
	s13 =	stileid.u32;
	s10 =	sand.u32 $0x1, s3  }
0x6: {  	[smem:$0x7FF] =	sst s2;
	s11 =	sshll.u32 s13, $0x4;
	s22 =	sshll.u32 s13, $0x9  }
0x7: {  	s23 =	sshll.u32 s13, $0xB;
	s3 =	sshll.u32 s10, $0x4;
	_ =	strace $0x80000047  }
0x8: {  	s8 =	ssub.s32 $0x2, s10;
	s24 =	sadd.s32 s23, s6;
	s25 =	sshrl.u32 s22, $0x2  }
0x9: {  	s26 =	sadd.s32 s5, s11;
	s4 =	sor.u32 s13, s3;
	[dreg:$0x6] =	wrdreg s24  }
0xa: {  	s3 =	sadd.s32 $0xA00, s1;
	s21 =	sshrl.u32 s8, $0x1;
	[dreg:$0x7] =	wrdreg s26  }
0xb: {  	s7 =	sshll.u32 s4, $0xD;
	s12 =	ssub.s32 s8, s21;
	s4 =	sshll.u32 s4, $0x8  }
0xc: {  	s9 =	sadd.s32 s7, s1;
	s4 =	sadd.s32 s0, s4;
	s0 =	sadd.s32 s0, s22  }
0xd: {  	s1 =	sadd.s32 s11, s1;
	[dreg:$0x5] =	wrdreg s0;
	s7 =	sadd.s32 $0x2A00, s9  }
0xe: {  	s8 =	sadd.s32 $0x3A00, s9;
	s9 =	sadd.s32 s25, s6;
	s23 =	sadd.s32 $0x42A00, s1  }
0xf: {  	s5 =	sadd.s32 $0x800, s9;
	[dreg:$0x15] =	wrdreg s23  }
0x10: {  	s6 =	sadd.s32 $0x1000, s9;
	[dreg:$0x8] =	wrdreg s5  }
0x11: {  	s11 =	sadd.s32 $0x1800, s9;
	[dreg:$0x9] =	wrdreg s6  }
0x12: {  	s13 =	sadd.s32 $0x2000, s9;
	[dreg:$0xa] =	wrdreg s11  }
0x13: {  	v0 =	vimm.s32 $0x7E00;
	vm0 =	vcmask $0x300;
	s14 =	sadd.s32 $0x2800, s9;
	[dreg:$0xb] =	wrdreg s13  }
0x14: {  	vm14 =	vcmask $0x704;
	s29 =	simm.s32 $0x2;
	v0 =	vsel vm0, $0x0, v0;
	s15 =	sadd.s32 $0x3000, s9;
	[dreg:$0xc] =	wrdreg s14  }
0x15: {  	vm15 =	vcmask $0xB08;
	s30 =	simm.s32 $0x80;
	v0 =	vsel vm14, $0xA00, v0;
	s16 =	sadd.s32 $0x3800, s9;
	[dreg:$0xd] =	wrdreg s15  }
0x16: {  	vm4 =	vcmask $0xF0C;
	s31 =	simm.s32 $0x800;
	v0 =	vsel vm15, $0x1400, v0;
	s17 =	sadd.s32 $0x4000, s9;
	[dreg:$0xe] =	wrdreg s16  }
0x17: {  	vm5 =	vcmask $0x1310;
	s28 =	simm.s32 $0x0;
	v0 =	vsel vm4, $0x1E00, v0;
	s18 =	sadd.s32 $0x4800, s9;
	[dreg:$0xf] =	wrdreg s17  }
0x18: {  	vm6 =	vcmask $0x1714;
	p0 =	sne.s32 s10, $0x0;
	v0 =	vsel vm5, $0x2000, v0;
	s19 =	sadd.s32 $0x5000, s9;
	[dreg:$0x10] =	wrdreg s18  }
0x19: {  	vm7 =	vcmask $0x1B18;
	s10 =	simm.s32 $0x3800;
	v0 =	vsel vm6, $0x2A00, v0;
	s20 =	sadd.s32 $0x5800, s9;
	[dreg:$0x11] =	wrdreg s19  }
0x1a: {  	vm8 =	vcmask $0x1F1C;
	s25 =	smax.u32 s12, $0x1;
	s21 =	sadd.s32 $0x6000, s9;
	v0 =	vsel vm7, $0x3400, v0;
	[dreg:$0x12] =	wrdreg s20  }
0x1b: {  	vm9 =	vcmask $0x2320;
	s0 =	simm.s32 $0x1800;
	s22 =	sadd.s32 $0x6800, s9;
	[dreg:$0x13] =	wrdreg s21;
	v0 =	vsel vm8, $0x3E00, v0  }
0x1c: {  	vm10 =	vcmask $0x2724;
	s12 =	simm.s32 $0x4800;
	s24 =	sadd.s32 $0x7000, s9;
	[dreg:$0x14] =	wrdreg s22;
	v0 =	vsel vm9, $0x4000, v0  }
0x1d: {  	vm11 =	vcmask $0x2B28;
	s1 =	simm.s32 $0x5800;
	s26 =	sadd.s32 $0x7800, s9;
	[dreg:$0x16] =	wrdreg s24;
	v0 =	vsel vm10, $0x4A00, v0  }
.Ltmp0:
0x1e: {  	vm12 =	vcmask $0x2F2C;
	s23 =	simm.s32 $0x700;
	[dreg:$0x17] =	wrdreg s26;
	v0 =	vsel vm11, $0x5400, v0;
	(pc) =	sbr.rel .LBB2_1-.Ltmp0, $4  }
0x1f: {  	v1 =	vlaneseq.u32;
	vm13 =	vcmask $0x3330;
	s21 =	simm.s32 $0x100;
	s5 =	simm.s32 $0x2800;
	s15 =	simm.s32 $0x6800;
	v0 =	vsel vm12, $0x5E00, v0  }
0x20: {  	v3 =	vimm.f32 $1.000000000e+00;
	vm14 =	vcmask $0x3734;
	s16 =	simm.s32 $0x7800;
	s17 =	simm.s32 $0x11800;
	s18 =	simm.s32 $0x1;
	v2 =	vsel vm13, $0x6000, v0  }
0x21: {  	v1 =	vand.u32 $0x3, v1;
	vm15 =	vcmask $0x3B38;
	s11 =	simm.s32 $0x8800;
	s14 =	simm.s32 $0x600;
	s22 =	simm.s32 $0x680;
	v2 =	vsel vm14, $0x6A00, v2  }
0x22: {  	s6 =	simm.s32 $0x780;
	s24 =	simm.s32 $0x1A080;
	s26 =	simm.s32 $0x1A000;
	v0 =	vmul.u32 $0x200, v1;
	v1 =	vimm.f32 $0.0e+00;
	v2 =	vsel vm15, $0x7400, v2  }
.LBB2_17:
0x23: {  	s28 =	sadd.s32 $0x1, s28  }
0x24: {  	p1 =	sne.s32 s28, s25  }
.Ltmp1:
0x25: {  	_ = 	snop;
	(pc) =	sbr.rel @!p1 .LBB2_18-.Ltmp1, $1  }
0x26: {  	_ =	sdelay $0x3  }
.LBB2_1:
0x27: {  	[tilespmem:s2], [sflag:$0x2] =	stream.linear.gather [hbm4b:s4+s2], $0x800, $0x38;
	[tilespmem:$0x1A900] =	vst v63  }
0x28: {  	_ =	swait.ge [sflag:s29], $0x800  }
0x29: {  	[sflag:s29] =	ssyncset.done $0x0  }
0x2a: {  	s13 =	simm.s32 $0x0;
	s19 =	simm.s32 $0x40;
	[sflag:s29] =	ssyncadd.s32 $0xFFFFF800  }
.LBB2_2:
0x2b: {  	p1 =	sne.s32 s19, $0x1FC0;
	v4 =	vld [tilespmem:s13+$0x0];
	_ =	sdelay $0x1  }
.Ltmp2:
0x2c: {  	(pc) =	sbr.rel @p1 .LBB2_2-.Ltmp2, $3  }
0x2d: {  	_ =	sdelay $0x1  }
0x2e: {  	v4 =	vadd.s32 v0, v4  }
0x2f: {  	[tilespmem:s13+$0x0] =	vst v4;
	s13 =	sshra.s32 s19, $0x2;
	s19 =	sadd.s32 $0x40, s19  }
0x30: {  	v4 =	vld [tilespmem:s13+$0x0];
	_ =	sdelay $0x4  }
0x31: {  	v4 =	vadd.s32 v0, v4  }
0x32: {  	s19 =	simm.s32 $0x0;
	[tilespmem:s13+$0x0] =	vst v4  }
0x33: {  	[tilespmem:s31], [sflag:$0x1] =	stream.indirect.gather [hbm4b:s3+s30], $0x20, s19, s30, $0xb8;
	[tilespmem:$0x1A900] =	vst v63  }
0x34: {  	_ = 	snop  }
0x35: {  	[tilespmem:s0], [sflag:$0x1] =	stream.indirect.gather [hbm4b:s3+s30], $0x20, s30, s30, $0xb8;
	[tilespmem:$0x1A900] =	vst v63  }
0x36: {  	_ = 	snop  }
0x37: {  	[tilespmem:s5], [sflag:$0x1] =	stream.indirect.gather [hbm4b:s3+s30], $0x20, s21, s30, $0xb8;
	[tilespmem:$0x1A900] =	vst v63  }
0x38: {  	s20 =	simm.s32 $0x180  }
0x39: {  	[tilespmem:s10], [sflag:$0x1] =	stream.indirect.gather [hbm4b:s3+s30], $0x20, s20, s30, $0xb8;
	[tilespmem:$0x1A900] =	vst v63  }
0x3a: {  	s19 =	simm.s32 $0x200  }
0x3b: {  	[tilespmem:s12], [sflag:$0x1] =	stream.indirect.gather [hbm4b:s3+s30], $0x20, s19, s30, $0xb8;
	[tilespmem:$0x1A900] =	vst v63  }
0x3c: {  	s20 =	simm.s32 $0x280  }
0x3d: {  	[tilespmem:s1], [sflag:$0x1] =	stream.indirect.gather [hbm4b:s3+s30], $0x20, s20, s30, $0xb8;
	[tilespmem:$0x1A900] =	vst v63  }
.Ltmp3:
0x3e: {  	_ = 	snop;
	(pc) =	sbr.rel @p0 .LBB2_11-.Ltmp3, $4  }
0x3f: {  	s19 =	simm.s32 $0x300  }
0x40: {  	[tilespmem:s15], [sflag:$0x1] =	stream.indirect.gather [hbm4b:s3+s30], $0x20, s19, s30, $0xb8;
	[tilespmem:$0x1A900] =	vst v63  }
0x41: {  	s20 =	simm.s32 $0x380  }
0x42: {  	[tilespmem:s16], [sflag:$0x1] =	stream.indirect.gather [hbm4b:s3+s30], $0x20, s20, s30, $0xb8;
	[tilespmem:$0x1A900] =	vst v63  }
0x43: {  	s13 =	simm.s32 $0x40;
	s19 =	simm.s32 $0x0  }
.LBB2_5:
0x44: {  	p1 =	sne.s32 s13, $0x1FFC0;
	[tilespmem:s19+$0x11800] =	vst v1;
	s19 =	smov.u32 s13;
	s13 =	sadd.s32 $0x40, s13  }
.Ltmp4:
0x45: {  	(pc) =	sbr.rel @p1 .LBB2_5-.Ltmp4, $2  }
0x46: {  	_ =	sdelay $0x2  }
0x47: {  	s19 =	sshra.s32 s19, $0x2  }
0x48: {  	[tilespmem:s19+$0x11800] =	vst v1;
	s13 =	simm.s32 $0x0;
	s21 =	rddreg [dreg:$0x5];
	s20 =	simm.s32 $0x10800  }
0x49: {  	[tilespmem:s20], [sflag:$0x2] =	stream.linear.gather [hbm4b:s21+s13], $0x1000, $0x38;
	[tilespmem:$0x1A900] =	vst v63  }
0x4a: {  	_ =	swait.ge [sflag:s29], $0x1000  }
0x4b: {  	[sflag:s29] =	ssyncset.done $0x0  }
0x4c: {  	s19 =	simm.s32 $0x0;
	s13 =	simm.s32 $0x40;
	[sflag:s29] =	ssyncadd.s32 $0xFFFFF000  }
.LBB2_7:
0x4d: {  	p1 =	sne.s32 s13, $0x3FC0;
	v4 =	vld [tilespmem:s19+$0x10800];
	_ =	sdelay $0x4  }
0x4e: {  	v4 =	vadd.s32 v2, v4  }
.Ltmp5:
0x4f: {  	(pc) =	sbr.rel @p1 .LBB2_7-.Ltmp5, $2  }
0x50: {  	_ =	sdelay $0x2  }
0x51: {  	s19 =	sshra.s32 s13, $0x2;
	s13 =	sadd.s32 $0x40, s13;
	[tilespmem:v4+s17+$0x0] =	vst.idx.add.f32.msk $0xffff, v3  }
0x52: {  	v4 =	vld [tilespmem:s19+$0x10800];
	_ =	sdelay $0x4  }
0x53: {  	v4 =	vadd.s32 v2, v4;
	_ =	sdelay $0x4  }
0x54: {  	s13 =	simm.s32 $0x0;
	[tilespmem:v4+s17+$0x0] =	vst.idx.add.f32.msk $0xffff, v3  }
0x55: {  	v4 =	vld [tilespmem:s13+$0x11800];
	_ =	sdelay $0x1  }
0x56: {  	v5 =	vld [tilespmem:s13+$0x12000];
	_ =	sdelay $0x1  }
0x57: {  	v6 =	vld [tilespmem:s13+$0x12800]  }
0x58: {  	v4 =	vadd.f32 $0.0e+00, v4  }
0x59: {  	v7 =	vld [tilespmem:s13+$0x13000]  }
0x5a: {  	v4 =	vadd.f32 v5, v4  }
0x5b: {  	v5 =	vld [tilespmem:s13+$0x13800]  }
0x5c: {  	v4 =	vadd.f32 v6, v4  }
0x5d: {  	v6 =	vld [tilespmem:s13+$0x14000]  }
0x5e: {  	v4 =	vadd.f32 v7, v4  }
0x5f: {  	v7 =	vld [tilespmem:s13+$0x14800]  }
0x60: {  	v4 =	vadd.f32 v5, v4  }
0x61: {  	s19 =	simm.s32 $0x10;
	v5 =	vld [tilespmem:s13+$0x15000]  }
0x62: {  	v8 =	vld [tilespmem:s19+$0x11800];
	v4 =	vadd.f32 v6, v4  }
0x63: {  	v6 =	vld [tilespmem:s13+$0x15800]  }
0x64: {  	v9 =	vld [tilespmem:s19+$0x12000];
	v4 =	vadd.f32 v7, v4  }
0x65: {  	v7 =	vld [tilespmem:s13+$0x16000]  }
0x66: {  	v10 =	vld [tilespmem:s19+$0x12800];
	v4 =	vadd.f32 v5, v4  }
0x67: {  	v5 =	vld [tilespmem:s13+$0x16800]  }
0x68: {  	v11 =	vld [tilespmem:s19+$0x13000];
	v8 =	vadd.f32 $0.0e+00, v8;
	v4 =	vadd.f32 v6, v4  }
0x69: {  	v6 =	vld [tilespmem:s13+$0x17000]  }
0x6a: {  	v12 =	vld [tilespmem:s19+$0x13800];
	v8 =	vadd.f32 v9, v8;
	v4 =	vadd.f32 v7, v4  }
0x6b: {  	v9 =	vld [tilespmem:s13+$0x17800]  }
0x6c: {  	v13 =	vld [tilespmem:s19+$0x14000];
	v7 =	vadd.f32 v10, v8;
	v4 =	vadd.f32 v5, v4  }
0x6d: {  	v10 =	vld [tilespmem:s13+$0x18000]  }
0x6e: {  	v5 =	vadd.f32 v11, v7;
	v7 =	vld [tilespmem:s19+$0x14800];
	v6 =	vadd.f32 v6, v4  }
0x6f: {  	v4 =	vld [tilespmem:s13+$0x18800]  }
0x70: {  	v8 =	vld [tilespmem:s19+$0x15000];
	v11 =	vadd.f32 v12, v5;
	v63 =	vadd.f32 v9, v6  }
0x71: {  	v5 =	vld [tilespmem:s13+$0x19000]  }
0x72: {  	s20 =	simm.s32 $0x20;
	s21 =	simm.s32 $0xC0;
	v9 =	vadd.f32 v13, v11;
	v6 =	vld [tilespmem:s19+$0x15800];
	v10 =	vadd.f32 v10, v63  }
.LBB2_9:
0x73: {  	p1 =	sne.s32 s21, $0x1FC0;
	v11 =	vld [tilespmem:s20+$0x11800]  }
0x74: {  	v7 =	vadd.f32 v7, v9;
	v9 =	vld [tilespmem:s19+$0x16000];
	v4 =	vadd.f32 v4, v10  }
0x75: {  	v10 =	vld [tilespmem:s20+$0x12000]  }
0x76: {  	v7 =	vadd.f32 v8, v7;
	v8 =	vld [tilespmem:s19+$0x16800];
	v4 =	vadd.f32 v5, v4  }
0x77: {  	v5 =	vld [tilespmem:s20+$0x12800]  }
0x78: {  	v11 =	vadd.f32 $0.0e+00, v11;
	v6 =	vadd.f32 v6, v7;
	v7 =	vld [tilespmem:s19+$0x17000];
	[tilespmem:s13+$0x19800] =	vst v4;
	s13 =	smov.u32 s19;
	s19 =	smov.u32 s20  }
0x79: {  	v4 =	vld [tilespmem:s19+$0x13000]  }
0x7a: {  	v10 =	vadd.f32 v10, v11;
	v6 =	vadd.f32 v9, v6;
	v9 =	vld [tilespmem:s13+$0x17800]  }
0x7b: {  	v11 =	vld [tilespmem:s19+$0x13800]  }
0x7c: {  	v5 =	vadd.f32 v5, v10;
	v6 =	vadd.f32 v8, v6;
	v10 =	vld [tilespmem:s13+$0x18000]  }
0x7d: {  	v12 =	vld [tilespmem:s19+$0x14000]  }
.Ltmp6:
0x7e: {  	v5 =	vadd.f32 v4, v5;
	v6 =	vadd.f32 v7, v6;
	v4 =	vld [tilespmem:s13+$0x18800];
	(pc) =	sbr.rel @p1 .LBB2_9-.Ltmp6, $4  }
0x7f: {  	v7 =	vld [tilespmem:s19+$0x14800]  }
0x80: {  	v11 =	vadd.f32 v11, v5;
	v13 =	vadd.f32 v9, v6;
	v5 =	vld [tilespmem:s13+$0x19000]  }
0x81: {  	v8 =	vld [tilespmem:s19+$0x15000]  }
0x82: {  	s20 =	sshra.s32 s21, $0x2;
	s21 =	sadd.s32 $0x40, s21;
	v9 =	vadd.f32 v12, v11;
	v6 =	vld [tilespmem:s19+$0x15800];
	v10 =	vadd.f32 v10, v13  }
0x83: {  	v11 =	vld [tilespmem:s20+$0x11800]  }
0x84: {  	v12 =	vld [tilespmem:s19+$0x16000];
	v4 =	vadd.f32 v4, v10  }
0x85: {  	v49 =	vld [tilespmem:s20+$0x12000]  }
0x86: {  	v13 =	vld [tilespmem:s19+$0x16800];
	v7 =	vadd.f32 v7, v9;
	v4 =	vadd.f32 v5, v4  }
0x87: {  	v5 =	vld [tilespmem:s20+$0x12800]  }
0x88: {  	v50 =	vld [tilespmem:s19+$0x17000];
	v7 =	vadd.f32 v8, v7;
	v51 =	vadd.f32 $0.0e+00, v11;
	[tilespmem:s13+$0x19800] =	vst v4  }
0x89: {  	v4 =	vld [tilespmem:s20+$0x13000]  }
0x8a: {  	v6 =	vadd.f32 v6, v7;
	v52 =	vadd.f32 v49, v51  }
0x8b: {  	v53 =	vld [tilespmem:s20+$0x13800]  }
0x8c: {  	v54 =	vld [tilespmem:s19+$0x17800];
	v6 =	vadd.f32 v12, v6;
	v5 =	vadd.f32 v5, v52  }
0x8d: {  	v55 =	vld [tilespmem:s20+$0x14000]  }
0x8e: {  	v56 =	vld [tilespmem:s19+$0x18000];
	v6 =	vadd.f32 v13, v6;
	v4 =	vadd.f32 v4, v5  }
0x8f: {  	v5 =	vld [tilespmem:s20+$0x14800]  }
0x90: {  	v57 =	vld [tilespmem:s19+$0x18800];
	v6 =	vadd.f32 v50, v6;
	v4 =	vadd.f32 v53, v4  }
0x91: {  	v58 =	vld [tilespmem:s20+$0x15000]  }
0x92: {  	v59 =	vld [tilespmem:s19+$0x19000];
	v6 =	vadd.f32 v54, v6;
	v4 =	vadd.f32 v55, v4  }
0x93: {  	v60 =	vld [tilespmem:s20+$0x15800]  }
0x94: {  	v6 =	vadd.f32 v56, v6;
	v4 =	vadd.f32 v5, v4  }
0x95: {  	v5 =	vld [tilespmem:s20+$0x16000]  }
0x96: {  	v6 =	vadd.f32 v57, v6;
	v4 =	vadd.f32 v58, v4  }
0x97: {  	v61 =	vld [tilespmem:s20+$0x16800]  }
0x98: {  	v6 =	vadd.f32 v59, v6;
	v4 =	vadd.f32 v60, v4  }
0x99: {  	v62 =	vld [tilespmem:s20+$0x17000]  }
0x9a: {  	[tilespmem:s19+$0x19800] =	vst v6;
	v4 =	vadd.f32 v5, v4  }
0x9b: {  	v5 =	vld [tilespmem:s20+$0x17800]  }
0x9c: {  	v4 =	vadd.f32 v61, v4  }
0x9d: {  	v6 =	vld [tilespmem:s20+$0x18000]  }
0x9e: {  	v4 =	vadd.f32 v62, v4  }
0x9f: {  	v63 =	vld [tilespmem:s20+$0x18800]  }
0xa0: {  	v4 =	vadd.f32 v5, v4  }
0xa1: {  	v5 =	vld [tilespmem:s20+$0x19000]  }
0xa2: {  	v4 =	vadd.f32 v6, v4;
	_ =	sdelay $0x1  }
0xa3: {  	v4 =	vadd.f32 v63, v4;
	_ =	sdelay $0x1  }
0xa4: {  	v4 =	vadd.f32 v5, v4;
	_ =	sdelay $0x1  }
0xa5: {  	s21 =	simm.s32 $0x19800;
	[tilespmem:s20+$0x19800] =	vst v4;
	s20 =	rddreg [dreg:$0x6]  }
0xa6: {  	[spmem:s20] =	stream.linear.scatter [tilespmem:s21], [sflag:$0x2], $0x800, $0x38;
	[tilespmem:$0x1A900] =	vst v63  }
0xa7: {  	_ =	swait.ge [sflag:s29], $0x800  }
0xa8: {  	[sflag:s29] =	ssyncset.done $0x0  }
0xa9: {  	s21 =	simm.s32 $0x100;
	[sflag:s29] =	ssyncadd.s32 $0xFFFFF800  }
.LBB2_11:
0xaa: {  	_ =	swait.ge [sflag:s18], $0x1000  }
0xab: {  	[sflag:s18] =	ssyncset.done $0x0  }
0xac: {  	[sflag:s18] =	ssyncadd.s32 $0xFFFFF000  }
0xad: {  	_ =	swait.ge [sflag:s18], $0x1000  }
0xae: {  	[sflag:s18] =	ssyncset.done $0x0  }
0xaf: {  	[sflag:s18] =	ssyncadd.s32 $0xFFFFF000  }
0xb0: {  	_ =	swait.ge [sflag:s18], $0x1000  }
0xb1: {  	[sflag:s18] =	ssyncset.done $0x0  }
0xb2: {  	[sflag:s18] =	ssyncadd.s32 $0xFFFFF000  }
0xb3: {  	_ =	swait.ge [sflag:s18], $0x1000  }
0xb4: {  	[sflag:s18] =	ssyncset.done $0x0  }
0xb5: {  	[sflag:s18] =	ssyncadd.s32 $0xFFFFF000  }
0xb6: {  	_ =	swait.ge [sflag:s18], $0x1000  }
0xb7: {  	[sflag:s18] =	ssyncset.done $0x0  }
0xb8: {  	[sflag:s18] =	ssyncadd.s32 $0xFFFFF000  }
0xb9: {  	_ =	swait.ge [sflag:s18], $0x1000  }
0xba: {  	[sflag:s18] =	ssyncset.done $0x0  }
0xbb: {  	[sflag:s18] =	ssyncadd.s32 $0xFFFFF000  }
0xbc: {  	_ =	swait.ge [sflag:s18], $0x1000  }
0xbd: {  	[sflag:s18] =	ssyncset.done $0x0  }
0xbe: {  	[sflag:s18] =	ssyncadd.s32 $0xFFFFF000  }
0xbf: {  	_ =	swait.ge [sflag:s18], $0x1000  }
0xc0: {  	[sflag:s18] =	ssyncset.done $0x0  }
0xc1: {  	s13 =	simm.s32 $0x0;
	[sflag:s18] =	ssyncadd.s32 $0xFFFFF000  }
0xc2: {  	v7 =	vld [tilespmem:s13+$0x870]  }
0xc3: {  	v8 =	vld [tilespmem:s13+$0x800]  }
0xc4: {  	v9 =	vld [tilespmem:s13+$0x810]  }
0xc5: {  	v6 =	vld [tilespmem:s13+$0x820]  }
0xc6: {  	v4 =	vld [tilespmem:s13+$0x830]  }
0xc7: {  	v5 =	vld [tilespmem:s13+$0x840];
	[tilespmem:s13+$0x8870] =	vst v7  }
0xc8: {  	[tilespmem:s13+$0x8800] =	vst v8;
	v7 =	vld [tilespmem:s13+$0x850]  }
0xc9: {  	s19 =	simm.s32 $0x80;
	s20 =	simm.s32 $0x400;
	[tilespmem:s13+$0x8810] =	vst v9;
	v8 =	vld [tilespmem:s13+$0x860]  }
.LBB2_12:
0xca: {  	p1 =	sne.s32 s20, $0x1FE00;
	v9 =	vld [tilespmem:s19+$0x870];
	[tilespmem:s13+$0x8820] =	vst v6  }
0xcb: {  	v10 =	vld [tilespmem:s19+$0x800];
	[tilespmem:s13+$0x8830] =	vst v4  }
0xcc: {  	v11 =	vld [tilespmem:s19+$0x810];
	[tilespmem:s13+$0x8840] =	vst v5  }
.Ltmp7:
0xcd: {  	v6 =	vld [tilespmem:s19+$0x820];
	[tilespmem:s13+$0x8850] =	vst v7;
	(pc) =	sbr.rel @p1 .LBB2_12-.Ltmp7, $4  }
0xce: {  	v4 =	vld [tilespmem:s19+$0x830];
	[tilespmem:s13+$0x8860] =	vst v8;
	s13 =	smov.u32 s19  }
0xcf: {  	v5 =	vld [tilespmem:s13+$0x840];
	[tilespmem:s13+$0x8870] =	vst v9  }
0xd0: {  	[tilespmem:s13+$0x8800] =	vst v10;
	v7 =	vld [tilespmem:s13+$0x850]  }
0xd1: {  	s19 =	sshra.s32 s20, $0x2;
	s20 =	sadd.s32 $0x200, s20;
	[tilespmem:s13+$0x8810] =	vst v11;
	v8 =	vld [tilespmem:s13+$0x860]  }
0xd2: {  	v9 =	vld [tilespmem:s19+$0x870];
	[tilespmem:s13+$0x8820] =	vst v6  }
0xd3: {  	v6 =	vld [tilespmem:s19+$0x800];
	[tilespmem:s13+$0x8830] =	vst v4  }
0xd4: {  	v4 =	vld [tilespmem:s19+$0x810];
	[tilespmem:s13+$0x8840] =	vst v5  }
0xd5: {  	v5 =	vld [tilespmem:s19+$0x820];
	[tilespmem:s13+$0x8850] =	vst v7  }
0xd6: {  	v7 =	vld [tilespmem:s19+$0x830];
	[tilespmem:s13+$0x8860] =	vst v8  }
0xd7: {  	v8 =	vld [tilespmem:s19+$0x840];
	[tilespmem:s19+$0x8870] =	vst v9  }
0xd8: {  	[tilespmem:s19+$0x8800] =	vst v6;
	v6 =	vld [tilespmem:s19+$0x850]  }
0xd9: {  	[tilespmem:s19+$0x8810] =	vst v4;
	v4 =	vld [tilespmem:s19+$0x860]  }
0xda: {  	[tilespmem:s19+$0x8820] =	vst v5  }
0xdb: {  	[tilespmem:s19+$0x8830] =	vst v7  }
0xdc: {  	[tilespmem:s19+$0x8840] =	vst v8  }
0xdd: {  	[tilespmem:s19+$0x8850] =	vst v6  }
0xde: {  	s20 =	simm.s32 $0x0;
	[tilespmem:s19+$0x8860] =	vst v4  }
0xdf: {  	[hbm4b:s7+s20] =	stream.linear.scatter [tilespmem:s11], [sflag:$0x2], $0x8000, $0x38;
	[tilespmem:$0x1A900] =	vst v63  }
0xe0: {  	_ =	swait.ge [sflag:s29], $0x8000  }
0xe1: {  	[sflag:s29] =	ssyncset.done $0x0  }
0xe2: {  	s19 =	simm.s32 $0x400;
	[sflag:s29] =	ssyncadd.s32 $0xFFFF8000  }
0xe3: {  	[tilespmem:s31], [sflag:$0x1] =	stream.indirect.gather [hbm4b:s3+s30], $0x20, s19, s30, $0xb8;
	[tilespmem:$0x1A900] =	vst v63  }
0xe4: {  	s20 =	simm.s32 $0x480  }
0xe5: {  	[tilespmem:s0], [sflag:$0x1] =	stream.indirect.gather [hbm4b:s3+s30], $0x20, s20, s30, $0xb8;
	[tilespmem:$0x1A900] =	vst v63  }
0xe6: {  	s19 =	simm.s32 $0x500  }
0xe7: {  	[tilespmem:s5], [sflag:$0x1] =	stream.indirect.gather [hbm4b:s3+s30], $0x20, s19, s30, $0xb8;
	[tilespmem:$0x1A900] =	vst v63  }
0xe8: {  	s20 =	simm.s32 $0x580  }
0xe9: {  	[tilespmem:s10], [sflag:$0x1] =	stream.indirect.gather [hbm4b:s3+s30], $0x20, s20, s30, $0xb8;
	[tilespmem:$0x1A900] =	vst v63  }
0xea: {  	_ = 	snop  }
0xeb: {  	[tilespmem:s12], [sflag:$0x1] =	stream.indirect.gather [hbm4b:s3+s30], $0x20, s14, s30, $0xb8;
	[tilespmem:$0x1A900] =	vst v63  }
0xec: {  	_ = 	snop  }
0xed: {  	[tilespmem:s1], [sflag:$0x1] =	stream.indirect.gather [hbm4b:s3+s30], $0x20, s22, s30, $0xb8;
	[tilespmem:$0x1A900] =	vst v63  }
0xee: {  	_ = 	snop  }
0xef: {  	[tilespmem:s15], [sflag:$0x1] =	stream.indirect.gather [hbm4b:s3+s30], $0x20, s23, s30, $0xb8;
	[tilespmem:$0x1A900] =	vst v63  }
0xf0: {  	_ = 	snop  }
0xf1: {  	[tilespmem:s16], [sflag:$0x1] =	stream.indirect.gather [hbm4b:s3+s30], $0x20, s6, s30, $0xb8;
	[tilespmem:$0x1A900] =	vst v63  }
0xf2: {  	_ =	swait.ge [sflag:s18], $0x1000  }
0xf3: {  	[sflag:s18] =	ssyncset.done $0x0  }
0xf4: {  	[sflag:s18] =	ssyncadd.s32 $0xFFFFF000  }
0xf5: {  	_ =	swait.ge [sflag:s18], $0x1000  }
0xf6: {  	[sflag:s18] =	ssyncset.done $0x0  }
0xf7: {  	[sflag:s18] =	ssyncadd.s32 $0xFFFFF000  }
0xf8: {  	_ =	swait.ge [sflag:s18], $0x1000  }
0xf9: {  	[sflag:s18] =	ssyncset.done $0x0  }
0xfa: {  	[sflag:s18] =	ssyncadd.s32 $0xFFFFF000  }
0xfb: {  	_ =	swait.ge [sflag:s18], $0x1000  }
0xfc: {  	[sflag:s18] =	ssyncset.done $0x0  }
0xfd: {  	[sflag:s18] =	ssyncadd.s32 $0xFFFFF000  }
0xfe: {  	_ =	swait.ge [sflag:s18], $0x1000  }
0xff: {  	[sflag:s18] =	ssyncset.done $0x0  }
0x100: {  	[sflag:s18] =	ssyncadd.s32 $0xFFFFF000  }
0x101: {  	_ =	swait.ge [sflag:s18], $0x1000  }
0x102: {  	[sflag:s18] =	ssyncset.done $0x0  }
0x103: {  	[sflag:s18] =	ssyncadd.s32 $0xFFFFF000  }
0x104: {  	_ =	swait.ge [sflag:s18], $0x1000  }
0x105: {  	[sflag:s18] =	ssyncset.done $0x0  }
0x106: {  	[sflag:s18] =	ssyncadd.s32 $0xFFFFF000  }
0x107: {  	_ =	swait.ge [sflag:s18], $0x1000  }
0x108: {  	[sflag:s18] =	ssyncset.done $0x0  }
0x109: {  	s13 =	simm.s32 $0x0;
	[sflag:s18] =	ssyncadd.s32 $0xFFFFF000  }
0x10a: {  	v7 =	vld [tilespmem:s13+$0x870]  }
0x10b: {  	v8 =	vld [tilespmem:s13+$0x800]  }
0x10c: {  	v9 =	vld [tilespmem:s13+$0x810]  }
0x10d: {  	v6 =	vld [tilespmem:s13+$0x820]  }
0x10e: {  	v4 =	vld [tilespmem:s13+$0x830]  }
0x10f: {  	v5 =	vld [tilespmem:s13+$0x840];
	[tilespmem:s13+$0x8870] =	vst v7  }
0x110: {  	[tilespmem:s13+$0x8800] =	vst v8;
	v7 =	vld [tilespmem:s13+$0x850]  }
0x111: {  	s19 =	simm.s32 $0x80;
	s20 =	simm.s32 $0x400;
	[tilespmem:s13+$0x8810] =	vst v9;
	v8 =	vld [tilespmem:s13+$0x860]  }
.LBB2_14:
0x112: {  	p1 =	sne.s32 s20, $0x1FE00;
	v9 =	vld [tilespmem:s19+$0x870];
	[tilespmem:s13+$0x8820] =	vst v6  }
0x113: {  	v10 =	vld [tilespmem:s19+$0x800];
	[tilespmem:s13+$0x8830] =	vst v4  }
0x114: {  	v11 =	vld [tilespmem:s19+$0x810];
	[tilespmem:s13+$0x8840] =	vst v5  }
.Ltmp8:
0x115: {  	v6 =	vld [tilespmem:s19+$0x820];
	[tilespmem:s13+$0x8850] =	vst v7;
	(pc) =	sbr.rel @p1 .LBB2_14-.Ltmp8, $4  }
0x116: {  	v4 =	vld [tilespmem:s19+$0x830];
	[tilespmem:s13+$0x8860] =	vst v8;
	s13 =	smov.u32 s19  }
0x117: {  	v5 =	vld [tilespmem:s13+$0x840];
	[tilespmem:s13+$0x8870] =	vst v9  }
0x118: {  	[tilespmem:s13+$0x8800] =	vst v10;
	v7 =	vld [tilespmem:s13+$0x850]  }
0x119: {  	s19 =	sshra.s32 s20, $0x2;
	s20 =	sadd.s32 $0x200, s20;
	[tilespmem:s13+$0x8810] =	vst v11;
	v8 =	vld [tilespmem:s13+$0x860]  }
0x11a: {  	v9 =	vld [tilespmem:s19+$0x870];
	[tilespmem:s13+$0x8820] =	vst v6  }
0x11b: {  	v6 =	vld [tilespmem:s19+$0x800];
	[tilespmem:s13+$0x8830] =	vst v4  }
0x11c: {  	v4 =	vld [tilespmem:s19+$0x810];
	[tilespmem:s13+$0x8840] =	vst v5  }
0x11d: {  	v5 =	vld [tilespmem:s19+$0x820];
	[tilespmem:s13+$0x8850] =	vst v7  }
0x11e: {  	v7 =	vld [tilespmem:s19+$0x830];
	[tilespmem:s13+$0x8860] =	vst v8  }
0x11f: {  	v8 =	vld [tilespmem:s19+$0x840];
	[tilespmem:s19+$0x8870] =	vst v9  }
0x120: {  	v63 =	vld [tilespmem:s19+$0x850];
	[tilespmem:s19+$0x8800] =	vst v6  }
0x121: {  	[tilespmem:s19+$0x8810] =	vst v4;
	v4 =	vld [tilespmem:s19+$0x860]  }
0x122: {  	[tilespmem:s19+$0x8820] =	vst v5  }
0x123: {  	[tilespmem:s19+$0x8830] =	vst v7  }
0x124: {  	[tilespmem:s19+$0x8840] =	vst v8  }
0x125: {  	[tilespmem:s19+$0x8850] =	vst v63  }
.Ltmp9:
0x126: {  	[tilespmem:s19+$0x8860] =	vst v4;
	(pc) =	sbr.rel @p0 .LBB2_17-.Ltmp9, $4  }
0x127: {  	[hbm4b:s8+s2] =	stream.linear.scatter [tilespmem:s11], [sflag:$0x2], $0x8000, $0x38;
	[tilespmem:$0x1A900] =	vst v63  }
0x128: {  	_ =	swait.ge [sflag:s29], $0x8000  }
0x129: {  	[sflag:s29] =	ssyncset.done $0x0  }
0x12a: {  	[sflag:s29] =	ssyncadd.s32 $0xFFFF8000  }
0x12b: {  	[bflag:$0x0] =	sbarrier.arrive $0xFFFF  }
0x12c: {  	s13 =	rddreg [dreg:$0x7]  }
0x12d: {  	[tilespmem:s24], [sflag:$0x2] =	stream.linear.gather [hbm4b:s13+s2], $0x80, $0x38;
	[tilespmem:$0x1A900] =	vst v63  }
0x12e: {  	_ =	swait.ge [sflag:s29], $0x80  }
0x12f: {  	[sflag:s29] =	ssyncset.done $0x0  }
0x130: {  	[sflag:s29] =	ssyncadd.s32 $0xFFFFFF80  }
0x131: {  	[tilespmem:s26], [sflag:$0x2] =	stream.linear.gather [spmem:s9], $0x80, $0x38;
	[tilespmem:$0x1A900] =	vst v63  }
0x132: {  	_ =	swait.ge [sflag:s29], $0x80  }
0x133: {  	[sflag:s29] =	ssyncset.done $0x0  }
0x134: {  	[sflag:s29] =	ssyncadd.s32 $0xFFFFFF80  }
0x135: {  	v4 =	vld [tilespmem:$0x1A080]  }
0x136: {  	v5 =	vld [tilespmem:$0x1A000]  }
0x137: {  	v6 =	vld [tilespmem:$0x1A090]  }
0x138: {  	v7 =	vld [tilespmem:$0x1A010]  }
0x139: {  	v8 =	vld [tilespmem:$0x1A0A0]  }
0x13a: {  	v9 =	vld [tilespmem:$0x1A020]  }
0x13b: {  	v10 =	vld [tilespmem:$0x1A0B0]  }
0x13c: {  	v11 =	vld [tilespmem:$0x1A030]  }
0x13d: {  	v12 =	vld [tilespmem:$0x1A0C0]  }
0x13e: {  	v13 =	vld [tilespmem:$0x1A040]  }
0x13f: {  	v14 =	vld [tilespmem:$0x1A0D0]  }
0x140: {  	v15 =	vld [tilespmem:$0x1A050]  }
0x141: {  	v16 =	vld [tilespmem:$0x1A0E0]  }
0x142: {  	v55 =	vld [tilespmem:$0x1A0F0];
	v4 =	vadd.f32 v5, v4  }
0x143: {  	v5 =	vld [tilespmem:$0x1A060];
	v6 =	vadd.f32 v7, v6  }
0x144: {  	v56 =	vld [tilespmem:$0x1A070];
	[tilespmem:$0x1A080] =	vst v4;
	v4 =	vadd.f32 v9, v8  }
0x145: {  	v57 =	vadd.f32 v11, v10;
	[tilespmem:$0x1A090] =	vst v6  }
0x146: {  	[tilespmem:$0x1A0A0] =	vst v4;
	v4 =	vadd.f32 v13, v12  }
0x147: {  	v58 =	vadd.f32 v15, v14;
	[tilespmem:$0x1A0B0] =	vst v57  }
0x148: {  	[tilespmem:$0x1A0C0] =	vst v4;
	v4 =	vadd.f32 v5, v16  }
0x149: {  	[tilespmem:$0x1A0D0] =	vst v58;
	v5 =	vadd.f32 v56, v55  }
0x14a: {  	[tilespmem:$0x1A0E0] =	vst v4  }
0x14b: {  	s19 =	rddreg [dreg:$0x8];
	[tilespmem:$0x1A0F0] =	vst v5  }
0x14c: {  	[tilespmem:s26], [sflag:$0x2] =	stream.linear.gather [spmem:s19], $0x80, $0x38;
	[tilespmem:$0x1A900] =	vst v63  }
0x14d: {  	_ =	swait.ge [sflag:s29], $0x80  }
0x14e: {  	[sflag:s29] =	ssyncset.done $0x0  }
0x14f: {  	[sflag:s29] =	ssyncadd.s32 $0xFFFFFF80  }
0x150: {  	v4 =	vld [tilespmem:$0x1A080]  }
0x151: {  	v5 =	vld [tilespmem:$0x1A000]  }
0x152: {  	v59 =	vld [tilespmem:$0x1A090]  }
0x153: {  	v60 =	vld [tilespmem:$0x1A010]  }
0x154: {  	v61 =	vld [tilespmem:$0x1A0A0]  }
0x155: {  	v62 =	vld [tilespmem:$0x1A020]  }
0x156: {  	v63 =	vld [tilespmem:$0x1A0B0]  }
0x157: {  	v20 =	vld [tilespmem:$0x1A030]  }
0x158: {  	v21 =	vld [tilespmem:$0x1A0C0]  }
0x159: {  	v22 =	vld [tilespmem:$0x1A040]  }
0x15a: {  	v23 =	vld [tilespmem:$0x1A0D0]  }
0x15b: {  	v24 =	vld [tilespmem:$0x1A050]  }
0x15c: {  	v25 =	vld [tilespmem:$0x1A0E0]  }
0x15d: {  	v26 =	vld [tilespmem:$0x1A0F0];
	v4 =	vadd.f32 v5, v4  }
0x15e: {  	v5 =	vld [tilespmem:$0x1A060];
	v6 =	vadd.f32 v60, v59  }
0x15f: {  	v27 =	vld [tilespmem:$0x1A070];
	[tilespmem:$0x1A080] =	vst v4;
	v4 =	vadd.f32 v62, v61  }
0x160: {  	v28 =	vadd.f32 v20, v63;
	[tilespmem:$0x1A090] =	vst v6  }
0x161: {  	[tilespmem:$0x1A0A0] =	vst v4;
	v4 =	vadd.f32 v22, v21  }
0x162: {  	v29 =	vadd.f32 v24, v23;
	[tilespmem:$0x1A0B0] =	vst v28  }
0x163: {  	[tilespmem:$0x1A0C0] =	vst v4;
	v4 =	vadd.f32 v5, v25  }
0x164: {  	[tilespmem:$0x1A0D0] =	vst v29;
	v5 =	vadd.f32 v27, v26  }
0x165: {  	[tilespmem:$0x1A0E0] =	vst v4  }
0x166: {  	s20 =	rddreg [dreg:$0x9];
	[tilespmem:$0x1A0F0] =	vst v5  }
0x167: {  	[tilespmem:s26], [sflag:$0x2] =	stream.linear.gather [spmem:s20], $0x80, $0x38;
	[tilespmem:$0x1A900] =	vst v63  }
0x168: {  	_ =	swait.ge [sflag:s29], $0x80  }
0x169: {  	[sflag:s29] =	ssyncset.done $0x0  }
0x16a: {  	[sflag:s29] =	ssyncadd.s32 $0xFFFFFF80  }
0x16b: {  	v4 =	vld [tilespmem:$0x1A080]  }
0x16c: {  	v5 =	vld [tilespmem:$0x1A000]  }
0x16d: {  	v30 =	vld [tilespmem:$0x1A090]  }
0x16e: {  	v31 =	vld [tilespmem:$0x1A010]  }
0x16f: {  	v32 =	vld [tilespmem:$0x1A0A0]  }
0x170: {  	v33 =	vld [tilespmem:$0x1A020]  }
0x171: {  	v34 =	vld [tilespmem:$0x1A0B0]  }
0x172: {  	v35 =	vld [tilespmem:$0x1A030]  }
0x173: {  	v36 =	vld [tilespmem:$0x1A0C0]  }
0x174: {  	v37 =	vld [tilespmem:$0x1A040]  }
0x175: {  	v38 =	vld [tilespmem:$0x1A0D0]  }
0x176: {  	v39 =	vld [tilespmem:$0x1A050]  }
0x177: {  	v40 =	vld [tilespmem:$0x1A0E0]  }
0x178: {  	v41 =	vld [tilespmem:$0x1A0F0];
	v4 =	vadd.f32 v5, v4  }
0x179: {  	v5 =	vld [tilespmem:$0x1A060];
	v6 =	vadd.f32 v31, v30  }
0x17a: {  	v42 =	vld [tilespmem:$0x1A070];
	[tilespmem:$0x1A080] =	vst v4;
	v4 =	vadd.f32 v33, v32  }
0x17b: {  	v43 =	vadd.f32 v35, v34;
	[tilespmem:$0x1A090] =	vst v6  }
0x17c: {  	[tilespmem:$0x1A0A0] =	vst v4;
	v4 =	vadd.f32 v37, v36  }
0x17d: {  	v44 =	vadd.f32 v39, v38;
	[tilespmem:$0x1A0B0] =	vst v43  }
0x17e: {  	[tilespmem:$0x1A0C0] =	vst v4;
	v4 =	vadd.f32 v5, v40  }
0x17f: {  	[tilespmem:$0x1A0D0] =	vst v44;
	v5 =	vadd.f32 v42, v41  }
0x180: {  	[tilespmem:$0x1A0E0] =	vst v4  }
0x181: {  	s19 =	rddreg [dreg:$0xa];
	[tilespmem:$0x1A0F0] =	vst v5  }
0x182: {  	[tilespmem:s26], [sflag:$0x2] =	stream.linear.gather [spmem:s19], $0x80, $0x38;
	[tilespmem:$0x1A900] =	vst v63  }
0x183: {  	_ =	swait.ge [sflag:s29], $0x80  }
0x184: {  	[sflag:s29] =	ssyncset.done $0x0  }
0x185: {  	[sflag:s29] =	ssyncadd.s32 $0xFFFFFF80  }
0x186: {  	v4 =	vld [tilespmem:$0x1A080]  }
0x187: {  	v5 =	vld [tilespmem:$0x1A000]  }
0x188: {  	v45 =	vld [tilespmem:$0x1A090]  }
0x189: {  	v46 =	vld [tilespmem:$0x1A010]  }
0x18a: {  	v47 =	vld [tilespmem:$0x1A0A0]  }
0x18b: {  	v48 =	vld [tilespmem:$0x1A020]  }
0x18c: {  	v49 =	vld [tilespmem:$0x1A0B0]  }
0x18d: {  	v50 =	vld [tilespmem:$0x1A030]  }
0x18e: {  	v51 =	vld [tilespmem:$0x1A0C0]  }
0x18f: {  	v52 =	vld [tilespmem:$0x1A040]  }
0x190: {  	v53 =	vld [tilespmem:$0x1A0D0]  }
0x191: {  	v54 =	vld [tilespmem:$0x1A050]  }
0x192: {  	v55 =	vld [tilespmem:$0x1A0E0]  }
0x193: {  	v56 =	vld [tilespmem:$0x1A0F0];
	v4 =	vadd.f32 v5, v4  }
0x194: {  	v5 =	vld [tilespmem:$0x1A060];
	v6 =	vadd.f32 v46, v45  }
0x195: {  	v57 =	vld [tilespmem:$0x1A070];
	[tilespmem:$0x1A080] =	vst v4;
	v4 =	vadd.f32 v48, v47  }
0x196: {  	v58 =	vadd.f32 v50, v49;
	[tilespmem:$0x1A090] =	vst v6  }
0x197: {  	[tilespmem:$0x1A0A0] =	vst v4;
	v4 =	vadd.f32 v52, v51  }
0x198: {  	v59 =	vadd.f32 v54, v53;
	[tilespmem:$0x1A0B0] =	vst v58  }
0x199: {  	[tilespmem:$0x1A0C0] =	vst v4;
	v4 =	vadd.f32 v5, v55  }
0x19a: {  	[tilespmem:$0x1A0D0] =	vst v59;
	v5 =	vadd.f32 v57, v56  }
0x19b: {  	[tilespmem:$0x1A0E0] =	vst v4  }
0x19c: {  	s20 =	rddreg [dreg:$0xb];
	[tilespmem:$0x1A0F0] =	vst v5  }
0x19d: {  	[tilespmem:s26], [sflag:$0x2] =	stream.linear.gather [spmem:s20], $0x80, $0x38;
	[tilespmem:$0x1A900] =	vst v63  }
0x19e: {  	_ =	swait.ge [sflag:s29], $0x80  }
0x19f: {  	[sflag:s29] =	ssyncset.done $0x0  }
0x1a0: {  	[sflag:s29] =	ssyncadd.s32 $0xFFFFFF80  }
0x1a1: {  	v4 =	vld [tilespmem:$0x1A080]  }
0x1a2: {  	v5 =	vld [tilespmem:$0x1A000]  }
0x1a3: {  	v60 =	vld [tilespmem:$0x1A090]  }
0x1a4: {  	v61 =	vld [tilespmem:$0x1A010]  }
0x1a5: {  	v62 =	vld [tilespmem:$0x1A0A0]  }
0x1a6: {  	v63 =	vld [tilespmem:$0x1A020]  }
0x1a7: {  	v20 =	vld [tilespmem:$0x1A0B0]  }
0x1a8: {  	v21 =	vld [tilespmem:$0x1A030]  }
0x1a9: {  	v22 =	vld [tilespmem:$0x1A0C0]  }
0x1aa: {  	v23 =	vld [tilespmem:$0x1A040]  }
0x1ab: {  	v24 =	vld [tilespmem:$0x1A0D0]  }
0x1ac: {  	v25 =	vld [tilespmem:$0x1A050]  }
0x1ad: {  	v26 =	vld [tilespmem:$0x1A0E0]  }
0x1ae: {  	v27 =	vld [tilespmem:$0x1A0F0];
	v4 =	vadd.f32 v5, v4  }
0x1af: {  	v5 =	vld [tilespmem:$0x1A060];
	v6 =	vadd.f32 v61, v60  }
0x1b0: {  	v28 =	vld [tilespmem:$0x1A070];
	[tilespmem:$0x1A080] =	vst v4;
	v4 =	vadd.f32 v63, v62  }
0x1b1: {  	v29 =	vadd.f32 v21, v20;
	[tilespmem:$0x1A090] =	vst v6  }
0x1b2: {  	[tilespmem:$0x1A0A0] =	vst v4;
	v4 =	vadd.f32 v23, v22  }
0x1b3: {  	v30 =	vadd.f32 v25, v24;
	[tilespmem:$0x1A0B0] =	vst v29  }
0x1b4: {  	[tilespmem:$0x1A0C0] =	vst v4;
	v4 =	vadd.f32 v5, v26  }
0x1b5: {  	[tilespmem:$0x1A0D0] =	vst v30;
	v5 =	vadd.f32 v28, v27  }
0x1b6: {  	[tilespmem:$0x1A0E0] =	vst v4  }
0x1b7: {  	s19 =	rddreg [dreg:$0xc];
	[tilespmem:$0x1A0F0] =	vst v5  }
0x1b8: {  	[tilespmem:s26], [sflag:$0x2] =	stream.linear.gather [spmem:s19], $0x80, $0x38;
	[tilespmem:$0x1A900] =	vst v63  }
0x1b9: {  	_ =	swait.ge [sflag:s29], $0x80  }
0x1ba: {  	[sflag:s29] =	ssyncset.done $0x0  }
0x1bb: {  	[sflag:s29] =	ssyncadd.s32 $0xFFFFFF80  }
0x1bc: {  	v4 =	vld [tilespmem:$0x1A080]  }
0x1bd: {  	v5 =	vld [tilespmem:$0x1A000]  }
0x1be: {  	v31 =	vld [tilespmem:$0x1A090]  }
0x1bf: {  	v32 =	vld [tilespmem:$0x1A010]  }
0x1c0: {  	v33 =	vld [tilespmem:$0x1A0A0]  }
0x1c1: {  	v34 =	vld [tilespmem:$0x1A020]  }
0x1c2: {  	v35 =	vld [tilespmem:$0x1A0B0]  }
0x1c3: {  	v36 =	vld [tilespmem:$0x1A030]  }
0x1c4: {  	v37 =	vld [tilespmem:$0x1A0C0]  }
0x1c5: {  	v38 =	vld [tilespmem:$0x1A040]  }
0x1c6: {  	v39 =	vld [tilespmem:$0x1A0D0]  }
0x1c7: {  	v40 =	vld [tilespmem:$0x1A050]  }
0x1c8: {  	v41 =	vld [tilespmem:$0x1A0E0]  }
0x1c9: {  	v42 =	vld [tilespmem:$0x1A0F0];
	v4 =	vadd.f32 v5, v4  }
0x1ca: {  	v5 =	vld [tilespmem:$0x1A060];
	v6 =	vadd.f32 v32, v31  }
0x1cb: {  	v43 =	vld [tilespmem:$0x1A070];
	[tilespmem:$0x1A080] =	vst v4;
	v4 =	vadd.f32 v34, v33  }
0x1cc: {  	v44 =	vadd.f32 v36, v35;
	[tilespmem:$0x1A090] =	vst v6  }
0x1cd: {  	[tilespmem:$0x1A0A0] =	vst v4;
	v4 =	vadd.f32 v38, v37  }
0x1ce: {  	v45 =	vadd.f32 v40, v39;
	[tilespmem:$0x1A0B0] =	vst v44  }
0x1cf: {  	[tilespmem:$0x1A0C0] =	vst v4;
	v4 =	vadd.f32 v5, v41  }
0x1d0: {  	[tilespmem:$0x1A0D0] =	vst v45;
	v5 =	vadd.f32 v43, v42  }
0x1d1: {  	[tilespmem:$0x1A0E0] =	vst v4  }
0x1d2: {  	s20 =	rddreg [dreg:$0xd];
	[tilespmem:$0x1A0F0] =	vst v5  }
0x1d3: {  	[tilespmem:s26], [sflag:$0x2] =	stream.linear.gather [spmem:s20], $0x80, $0x38;
	[tilespmem:$0x1A900] =	vst v63  }
0x1d4: {  	_ =	swait.ge [sflag:s29], $0x80  }
0x1d5: {  	[sflag:s29] =	ssyncset.done $0x0  }
0x1d6: {  	[sflag:s29] =	ssyncadd.s32 $0xFFFFFF80  }
0x1d7: {  	v4 =	vld [tilespmem:$0x1A080]  }
0x1d8: {  	v5 =	vld [tilespmem:$0x1A000]  }
0x1d9: {  	v46 =	vld [tilespmem:$0x1A090]  }
0x1da: {  	v47 =	vld [tilespmem:$0x1A010]  }
0x1db: {  	v48 =	vld [tilespmem:$0x1A0A0]  }
0x1dc: {  	v49 =	vld [tilespmem:$0x1A020]  }
0x1dd: {  	v50 =	vld [tilespmem:$0x1A0B0]  }
0x1de: {  	v51 =	vld [tilespmem:$0x1A030]  }
0x1df: {  	v52 =	vld [tilespmem:$0x1A0C0]  }
0x1e0: {  	v53 =	vld [tilespmem:$0x1A040]  }
0x1e1: {  	v54 =	vld [tilespmem:$0x1A0D0]  }
0x1e2: {  	v55 =	vld [tilespmem:$0x1A050]  }
0x1e3: {  	v56 =	vld [tilespmem:$0x1A0E0]  }
0x1e4: {  	v57 =	vld [tilespmem:$0x1A0F0];
	v4 =	vadd.f32 v5, v4  }
0x1e5: {  	v5 =	vld [tilespmem:$0x1A060];
	v6 =	vadd.f32 v47, v46  }
0x1e6: {  	v58 =	vld [tilespmem:$0x1A070];
	[tilespmem:$0x1A080] =	vst v4;
	v4 =	vadd.f32 v49, v48  }
0x1e7: {  	v59 =	vadd.f32 v51, v50;
	[tilespmem:$0x1A090] =	vst v6  }
0x1e8: {  	[tilespmem:$0x1A0A0] =	vst v4;
	v4 =	vadd.f32 v53, v52  }
0x1e9: {  	v60 =	vadd.f32 v55, v54;
	[tilespmem:$0x1A0B0] =	vst v59  }
0x1ea: {  	[tilespmem:$0x1A0C0] =	vst v4;
	v4 =	vadd.f32 v5, v56  }
0x1eb: {  	[tilespmem:$0x1A0D0] =	vst v60;
	v5 =	vadd.f32 v58, v57  }
0x1ec: {  	[tilespmem:$0x1A0E0] =	vst v4  }
0x1ed: {  	s19 =	rddreg [dreg:$0xe];
	[tilespmem:$0x1A0F0] =	vst v5  }
0x1ee: {  	[tilespmem:s26], [sflag:$0x2] =	stream.linear.gather [spmem:s19], $0x80, $0x38;
	[tilespmem:$0x1A900] =	vst v63  }
0x1ef: {  	_ =	swait.ge [sflag:s29], $0x80  }
0x1f0: {  	[sflag:s29] =	ssyncset.done $0x0  }
0x1f1: {  	[sflag:s29] =	ssyncadd.s32 $0xFFFFFF80  }
0x1f2: {  	v4 =	vld [tilespmem:$0x1A080]  }
0x1f3: {  	v5 =	vld [tilespmem:$0x1A000]  }
0x1f4: {  	v61 =	vld [tilespmem:$0x1A090]  }
0x1f5: {  	v62 =	vld [tilespmem:$0x1A010]  }
0x1f6: {  	v63 =	vld [tilespmem:$0x1A0A0]  }
0x1f7: {  	v20 =	vld [tilespmem:$0x1A020]  }
0x1f8: {  	v21 =	vld [tilespmem:$0x1A0B0]  }
0x1f9: {  	v22 =	vld [tilespmem:$0x1A030]  }
0x1fa: {  	v23 =	vld [tilespmem:$0x1A0C0]  }
0x1fb: {  	v24 =	vld [tilespmem:$0x1A040]  }
0x1fc: {  	v25 =	vld [tilespmem:$0x1A0D0]  }
0x1fd: {  	v26 =	vld [tilespmem:$0x1A050]  }
0x1fe: {  	v27 =	vld [tilespmem:$0x1A0E0]  }
0x1ff: {  	v28 =	vld [tilespmem:$0x1A0F0];
	v4 =	vadd.f32 v5, v4  }
0x200: {  	v5 =	vld [tilespmem:$0x1A060];
	v6 =	vadd.f32 v62, v61  }
0x201: {  	v29 =	vld [tilespmem:$0x1A070];
	[tilespmem:$0x1A080] =	vst v4;
	v4 =	vadd.f32 v20, v63  }
0x202: {  	v30 =	vadd.f32 v22, v21;
	[tilespmem:$0x1A090] =	vst v6  }
0x203: {  	[tilespmem:$0x1A0A0] =	vst v4;
	v4 =	vadd.f32 v24, v23  }
0x204: {  	v31 =	vadd.f32 v26, v25;
	[tilespmem:$0x1A0B0] =	vst v30  }
0x205: {  	[tilespmem:$0x1A0C0] =	vst v4;
	v4 =	vadd.f32 v5, v27  }
0x206: {  	[tilespmem:$0x1A0D0] =	vst v31;
	v5 =	vadd.f32 v29, v28  }
0x207: {  	[tilespmem:$0x1A0E0] =	vst v4  }
0x208: {  	s20 =	rddreg [dreg:$0xf];
	[tilespmem:$0x1A0F0] =	vst v5  }
0x209: {  	[tilespmem:s26], [sflag:$0x2] =	stream.linear.gather [spmem:s20], $0x80, $0x38;
	[tilespmem:$0x1A900] =	vst v63  }
0x20a: {  	_ =	swait.ge [sflag:s29], $0x80  }
0x20b: {  	[sflag:s29] =	ssyncset.done $0x0  }
0x20c: {  	[sflag:s29] =	ssyncadd.s32 $0xFFFFFF80  }
0x20d: {  	v4 =	vld [tilespmem:$0x1A080]  }
0x20e: {  	v5 =	vld [tilespmem:$0x1A000]  }
0x20f: {  	v32 =	vld [tilespmem:$0x1A090]  }
0x210: {  	v33 =	vld [tilespmem:$0x1A010]  }
0x211: {  	v34 =	vld [tilespmem:$0x1A0A0]  }
0x212: {  	v35 =	vld [tilespmem:$0x1A020]  }
0x213: {  	v36 =	vld [tilespmem:$0x1A0B0]  }
0x214: {  	v37 =	vld [tilespmem:$0x1A030]  }
0x215: {  	v38 =	vld [tilespmem:$0x1A0C0]  }
0x216: {  	v39 =	vld [tilespmem:$0x1A040]  }
0x217: {  	v40 =	vld [tilespmem:$0x1A0D0]  }
0x218: {  	v41 =	vld [tilespmem:$0x1A050]  }
0x219: {  	v42 =	vld [tilespmem:$0x1A0E0]  }
0x21a: {  	v43 =	vld [tilespmem:$0x1A0F0];
	v4 =	vadd.f32 v5, v4  }
0x21b: {  	v5 =	vld [tilespmem:$0x1A060];
	v6 =	vadd.f32 v33, v32  }
0x21c: {  	v44 =	vld [tilespmem:$0x1A070];
	[tilespmem:$0x1A080] =	vst v4;
	v4 =	vadd.f32 v35, v34  }
0x21d: {  	v45 =	vadd.f32 v37, v36;
	[tilespmem:$0x1A090] =	vst v6  }
0x21e: {  	[tilespmem:$0x1A0A0] =	vst v4;
	v4 =	vadd.f32 v39, v38  }
0x21f: {  	v46 =	vadd.f32 v41, v40;
	[tilespmem:$0x1A0B0] =	vst v45  }
0x220: {  	[tilespmem:$0x1A0C0] =	vst v4;
	v4 =	vadd.f32 v5, v42  }
0x221: {  	[tilespmem:$0x1A0D0] =	vst v46;
	v5 =	vadd.f32 v44, v43  }
0x222: {  	[tilespmem:$0x1A0E0] =	vst v4  }
0x223: {  	s19 =	rddreg [dreg:$0x10];
	[tilespmem:$0x1A0F0] =	vst v5  }
0x224: {  	[tilespmem:s26], [sflag:$0x2] =	stream.linear.gather [spmem:s19], $0x80, $0x38;
	[tilespmem:$0x1A900] =	vst v63  }
0x225: {  	_ =	swait.ge [sflag:s29], $0x80  }
0x226: {  	[sflag:s29] =	ssyncset.done $0x0  }
0x227: {  	[sflag:s29] =	ssyncadd.s32 $0xFFFFFF80  }
0x228: {  	v4 =	vld [tilespmem:$0x1A080]  }
0x229: {  	v5 =	vld [tilespmem:$0x1A000]  }
0x22a: {  	v47 =	vld [tilespmem:$0x1A090]  }
0x22b: {  	v48 =	vld [tilespmem:$0x1A010]  }
0x22c: {  	v49 =	vld [tilespmem:$0x1A0A0]  }
0x22d: {  	v50 =	vld [tilespmem:$0x1A020]  }
0x22e: {  	v51 =	vld [tilespmem:$0x1A0B0]  }
0x22f: {  	v52 =	vld [tilespmem:$0x1A030]  }
0x230: {  	v53 =	vld [tilespmem:$0x1A0C0]  }
0x231: {  	v54 =	vld [tilespmem:$0x1A040]  }
0x232: {  	v55 =	vld [tilespmem:$0x1A0D0]  }
0x233: {  	v56 =	vld [tilespmem:$0x1A050]  }
0x234: {  	v57 =	vld [tilespmem:$0x1A0E0]  }
0x235: {  	v58 =	vld [tilespmem:$0x1A0F0];
	v4 =	vadd.f32 v5, v4  }
0x236: {  	v5 =	vld [tilespmem:$0x1A060];
	v6 =	vadd.f32 v48, v47  }
0x237: {  	v59 =	vld [tilespmem:$0x1A070];
	[tilespmem:$0x1A080] =	vst v4;
	v4 =	vadd.f32 v50, v49  }
0x238: {  	v60 =	vadd.f32 v52, v51;
	[tilespmem:$0x1A090] =	vst v6  }
0x239: {  	[tilespmem:$0x1A0A0] =	vst v4;
	v4 =	vadd.f32 v54, v53  }
0x23a: {  	v61 =	vadd.f32 v56, v55;
	[tilespmem:$0x1A0B0] =	vst v60  }
0x23b: {  	[tilespmem:$0x1A0C0] =	vst v4;
	v4 =	vadd.f32 v5, v57  }
0x23c: {  	[tilespmem:$0x1A0D0] =	vst v61;
	v5 =	vadd.f32 v59, v58  }
0x23d: {  	[tilespmem:$0x1A0E0] =	vst v4  }
0x23e: {  	s20 =	rddreg [dreg:$0x11];
	[tilespmem:$0x1A0F0] =	vst v5  }
0x23f: {  	[tilespmem:s26], [sflag:$0x2] =	stream.linear.gather [spmem:s20], $0x80, $0x38;
	[tilespmem:$0x1A900] =	vst v63  }
0x240: {  	_ =	swait.ge [sflag:s29], $0x80  }
0x241: {  	[sflag:s29] =	ssyncset.done $0x0  }
0x242: {  	[sflag:s29] =	ssyncadd.s32 $0xFFFFFF80  }
0x243: {  	v4 =	vld [tilespmem:$0x1A080]  }
0x244: {  	v5 =	vld [tilespmem:$0x1A000]  }
0x245: {  	v62 =	vld [tilespmem:$0x1A090]  }
0x246: {  	v63 =	vld [tilespmem:$0x1A010]  }
0x247: {  	v20 =	vld [tilespmem:$0x1A0A0]  }
0x248: {  	v21 =	vld [tilespmem:$0x1A020]  }
0x249: {  	v22 =	vld [tilespmem:$0x1A0B0]  }
0x24a: {  	v23 =	vld [tilespmem:$0x1A030]  }
0x24b: {  	v24 =	vld [tilespmem:$0x1A0C0]  }
0x24c: {  	v25 =	vld [tilespmem:$0x1A040]  }
0x24d: {  	v26 =	vld [tilespmem:$0x1A0D0]  }
0x24e: {  	v27 =	vld [tilespmem:$0x1A050]  }
0x24f: {  	v28 =	vld [tilespmem:$0x1A0E0]  }
0x250: {  	v29 =	vld [tilespmem:$0x1A0F0];
	v4 =	vadd.f32 v5, v4  }
0x251: {  	v5 =	vld [tilespmem:$0x1A060];
	v6 =	vadd.f32 v63, v62  }
0x252: {  	v30 =	vld [tilespmem:$0x1A070];
	[tilespmem:$0x1A080] =	vst v4;
	v4 =	vadd.f32 v21, v20  }
0x253: {  	v31 =	vadd.f32 v23, v22;
	[tilespmem:$0x1A090] =	vst v6  }
0x254: {  	[tilespmem:$0x1A0A0] =	vst v4;
	v4 =	vadd.f32 v25, v24  }
0x255: {  	v32 =	vadd.f32 v27, v26;
	[tilespmem:$0x1A0B0] =	vst v31  }
0x256: {  	[tilespmem:$0x1A0C0] =	vst v4;
	v4 =	vadd.f32 v5, v28  }
0x257: {  	[tilespmem:$0x1A0D0] =	vst v32;
	v5 =	vadd.f32 v30, v29  }
0x258: {  	[tilespmem:$0x1A0E0] =	vst v4  }
0x259: {  	s19 =	rddreg [dreg:$0x12];
	[tilespmem:$0x1A0F0] =	vst v5  }
0x25a: {  	[tilespmem:s26], [sflag:$0x2] =	stream.linear.gather [spmem:s19], $0x80, $0x38;
	[tilespmem:$0x1A900] =	vst v63  }
0x25b: {  	_ =	swait.ge [sflag:s29], $0x80  }
0x25c: {  	[sflag:s29] =	ssyncset.done $0x0  }
0x25d: {  	[sflag:s29] =	ssyncadd.s32 $0xFFFFFF80  }
0x25e: {  	v4 =	vld [tilespmem:$0x1A080]  }
0x25f: {  	v5 =	vld [tilespmem:$0x1A000]  }
0x260: {  	v33 =	vld [tilespmem:$0x1A090]  }
0x261: {  	v34 =	vld [tilespmem:$0x1A010]  }
0x262: {  	v35 =	vld [tilespmem:$0x1A0A0]  }
0x263: {  	v36 =	vld [tilespmem:$0x1A020]  }
0x264: {  	v37 =	vld [tilespmem:$0x1A0B0]  }
0x265: {  	v38 =	vld [tilespmem:$0x1A030]  }
0x266: {  	v39 =	vld [tilespmem:$0x1A0C0]  }
0x267: {  	v40 =	vld [tilespmem:$0x1A040]  }
0x268: {  	v41 =	vld [tilespmem:$0x1A0D0]  }
0x269: {  	v42 =	vld [tilespmem:$0x1A050]  }
0x26a: {  	v43 =	vld [tilespmem:$0x1A0E0]  }
0x26b: {  	v44 =	vld [tilespmem:$0x1A0F0];
	v4 =	vadd.f32 v5, v4  }
0x26c: {  	v5 =	vld [tilespmem:$0x1A060];
	v6 =	vadd.f32 v34, v33  }
0x26d: {  	v45 =	vld [tilespmem:$0x1A070];
	[tilespmem:$0x1A080] =	vst v4;
	v4 =	vadd.f32 v36, v35  }
0x26e: {  	v46 =	vadd.f32 v38, v37;
	[tilespmem:$0x1A090] =	vst v6  }
0x26f: {  	[tilespmem:$0x1A0A0] =	vst v4;
	v4 =	vadd.f32 v40, v39  }
0x270: {  	v47 =	vadd.f32 v42, v41;
	[tilespmem:$0x1A0B0] =	vst v46  }
0x271: {  	[tilespmem:$0x1A0C0] =	vst v4;
	v4 =	vadd.f32 v5, v43  }
0x272: {  	[tilespmem:$0x1A0D0] =	vst v47;
	v5 =	vadd.f32 v45, v44  }
0x273: {  	[tilespmem:$0x1A0E0] =	vst v4  }
0x274: {  	s20 =	rddreg [dreg:$0x13];
	[tilespmem:$0x1A0F0] =	vst v5  }
0x275: {  	[tilespmem:s26], [sflag:$0x2] =	stream.linear.gather [spmem:s20], $0x80, $0x38;
	[tilespmem:$0x1A900] =	vst v63  }
0x276: {  	_ =	swait.ge [sflag:s29], $0x80  }
0x277: {  	[sflag:s29] =	ssyncset.done $0x0  }
0x278: {  	[sflag:s29] =	ssyncadd.s32 $0xFFFFFF80  }
0x279: {  	v4 =	vld [tilespmem:$0x1A080]  }
0x27a: {  	v5 =	vld [tilespmem:$0x1A000]  }
0x27b: {  	v48 =	vld [tilespmem:$0x1A090]  }
0x27c: {  	v49 =	vld [tilespmem:$0x1A010]  }
0x27d: {  	v50 =	vld [tilespmem:$0x1A0A0]  }
0x27e: {  	v51 =	vld [tilespmem:$0x1A020]  }
0x27f: {  	v52 =	vld [tilespmem:$0x1A0B0]  }
0x280: {  	v53 =	vld [tilespmem:$0x1A030]  }
0x281: {  	v54 =	vld [tilespmem:$0x1A0C0]  }
0x282: {  	v55 =	vld [tilespmem:$0x1A040]  }
0x283: {  	v56 =	vld [tilespmem:$0x1A0D0]  }
0x284: {  	v57 =	vld [tilespmem:$0x1A050]  }
0x285: {  	v58 =	vld [tilespmem:$0x1A0E0]  }
0x286: {  	v59 =	vld [tilespmem:$0x1A0F0];
	v4 =	vadd.f32 v5, v4  }
0x287: {  	v5 =	vld [tilespmem:$0x1A060];
	v6 =	vadd.f32 v49, v48  }
0x288: {  	v60 =	vld [tilespmem:$0x1A070];
	[tilespmem:$0x1A080] =	vst v4;
	v4 =	vadd.f32 v51, v50  }
0x289: {  	v61 =	vadd.f32 v53, v52;
	[tilespmem:$0x1A090] =	vst v6  }
0x28a: {  	[tilespmem:$0x1A0A0] =	vst v4;
	v4 =	vadd.f32 v55, v54  }
0x28b: {  	v62 =	vadd.f32 v57, v56;
	[tilespmem:$0x1A0B0] =	vst v61  }
0x28c: {  	[tilespmem:$0x1A0C0] =	vst v4;
	v4 =	vadd.f32 v5, v58  }
0x28d: {  	[tilespmem:$0x1A0D0] =	vst v62;
	v5 =	vadd.f32 v60, v59  }
0x28e: {  	[tilespmem:$0x1A0E0] =	vst v4  }
0x28f: {  	s19 =	rddreg [dreg:$0x14];
	[tilespmem:$0x1A0F0] =	vst v5  }
0x290: {  	[tilespmem:s26], [sflag:$0x2] =	stream.linear.gather [spmem:s19], $0x80, $0x38;
	[tilespmem:$0x1A900] =	vst v63  }
0x291: {  	_ =	swait.ge [sflag:s29], $0x80  }
0x292: {  	[sflag:s29] =	ssyncset.done $0x0  }
0x293: {  	[sflag:s29] =	ssyncadd.s32 $0xFFFFFF80  }
0x294: {  	v4 =	vld [tilespmem:$0x1A080]  }
0x295: {  	v5 =	vld [tilespmem:$0x1A000]  }
0x296: {  	v63 =	vld [tilespmem:$0x1A090]  }
0x297: {  	v20 =	vld [tilespmem:$0x1A010]  }
0x298: {  	v21 =	vld [tilespmem:$0x1A0A0]  }
0x299: {  	v22 =	vld [tilespmem:$0x1A020]  }
0x29a: {  	v23 =	vld [tilespmem:$0x1A0B0]  }
0x29b: {  	v24 =	vld [tilespmem:$0x1A030]  }
0x29c: {  	v25 =	vld [tilespmem:$0x1A0C0]  }
0x29d: {  	v26 =	vld [tilespmem:$0x1A040]  }
0x29e: {  	v27 =	vld [tilespmem:$0x1A0D0]  }
0x29f: {  	v28 =	vld [tilespmem:$0x1A050]  }
0x2a0: {  	v29 =	vld [tilespmem:$0x1A0E0]  }
0x2a1: {  	v30 =	vld [tilespmem:$0x1A0F0];
	v4 =	vadd.f32 v5, v4  }
0x2a2: {  	v5 =	vld [tilespmem:$0x1A060];
	v6 =	vadd.f32 v20, v63  }
0x2a3: {  	v31 =	vld [tilespmem:$0x1A070];
	[tilespmem:$0x1A080] =	vst v4;
	v4 =	vadd.f32 v22, v21  }
0x2a4: {  	v32 =	vadd.f32 v24, v23;
	[tilespmem:$0x1A090] =	vst v6  }
0x2a5: {  	[tilespmem:$0x1A0A0] =	vst v4;
	v4 =	vadd.f32 v26, v25  }
0x2a6: {  	v33 =	vadd.f32 v28, v27;
	[tilespmem:$0x1A0B0] =	vst v32  }
0x2a7: {  	[tilespmem:$0x1A0C0] =	vst v4;
	v4 =	vadd.f32 v5, v29  }
0x2a8: {  	[tilespmem:$0x1A0D0] =	vst v33;
	v5 =	vadd.f32 v31, v30  }
0x2a9: {  	[tilespmem:$0x1A0E0] =	vst v4  }
0x2aa: {  	s20 =	rddreg [dreg:$0x16];
	[tilespmem:$0x1A0F0] =	vst v5  }
0x2ab: {  	[tilespmem:s26], [sflag:$0x2] =	stream.linear.gather [spmem:s20], $0x80, $0x38;
	[tilespmem:$0x1A900] =	vst v63  }
0x2ac: {  	_ =	swait.ge [sflag:s29], $0x80  }
0x2ad: {  	[sflag:s29] =	ssyncset.done $0x0  }
0x2ae: {  	[sflag:s29] =	ssyncadd.s32 $0xFFFFFF80  }
0x2af: {  	v4 =	vld [tilespmem:$0x1A080]  }
0x2b0: {  	v5 =	vld [tilespmem:$0x1A000]  }
0x2b1: {  	v34 =	vld [tilespmem:$0x1A090]  }
0x2b2: {  	v35 =	vld [tilespmem:$0x1A010]  }
0x2b3: {  	v36 =	vld [tilespmem:$0x1A0A0]  }
0x2b4: {  	v37 =	vld [tilespmem:$0x1A020]  }
0x2b5: {  	v38 =	vld [tilespmem:$0x1A0B0]  }
0x2b6: {  	v39 =	vld [tilespmem:$0x1A030]  }
0x2b7: {  	v40 =	vld [tilespmem:$0x1A0C0]  }
0x2b8: {  	v41 =	vld [tilespmem:$0x1A040]  }
0x2b9: {  	v42 =	vld [tilespmem:$0x1A0D0]  }
0x2ba: {  	v43 =	vld [tilespmem:$0x1A050]  }
0x2bb: {  	v44 =	vld [tilespmem:$0x1A0E0]  }
0x2bc: {  	v45 =	vld [tilespmem:$0x1A0F0];
	v4 =	vadd.f32 v5, v4  }
0x2bd: {  	v5 =	vld [tilespmem:$0x1A060];
	v6 =	vadd.f32 v35, v34  }
0x2be: {  	v46 =	vld [tilespmem:$0x1A070];
	[tilespmem:$0x1A080] =	vst v4;
	v4 =	vadd.f32 v37, v36  }
0x2bf: {  	v47 =	vadd.f32 v39, v38;
	[tilespmem:$0x1A090] =	vst v6  }
0x2c0: {  	[tilespmem:$0x1A0A0] =	vst v4;
	v4 =	vadd.f32 v41, v40  }
0x2c1: {  	v48 =	vadd.f32 v43, v42;
	[tilespmem:$0x1A0B0] =	vst v47  }
0x2c2: {  	[tilespmem:$0x1A0C0] =	vst v4;
	v4 =	vadd.f32 v5, v44  }
0x2c3: {  	[tilespmem:$0x1A0D0] =	vst v48;
	v5 =	vadd.f32 v46, v45  }
0x2c4: {  	[tilespmem:$0x1A0E0] =	vst v4  }
0x2c5: {  	s19 =	rddreg [dreg:$0x17];
	[tilespmem:$0x1A0F0] =	vst v5  }
0x2c6: {  	[tilespmem:s26], [sflag:$0x2] =	stream.linear.gather [spmem:s19], $0x80, $0x38;
	[tilespmem:$0x1A900] =	vst v63  }
0x2c7: {  	_ =	swait.ge [sflag:s29], $0x80  }
0x2c8: {  	[sflag:s29] =	ssyncset.done $0x0  }
0x2c9: {  	[sflag:s29] =	ssyncadd.s32 $0xFFFFFF80  }
0x2ca: {  	v4 =	vld [tilespmem:$0x1A080]  }
0x2cb: {  	v5 =	vld [tilespmem:$0x1A000]  }
0x2cc: {  	v49 =	vld [tilespmem:$0x1A090]  }
0x2cd: {  	v50 =	vld [tilespmem:$0x1A010]  }
0x2ce: {  	v51 =	vld [tilespmem:$0x1A0A0]  }
0x2cf: {  	v52 =	vld [tilespmem:$0x1A020]  }
0x2d0: {  	v53 =	vld [tilespmem:$0x1A0B0]  }
0x2d1: {  	v54 =	vld [tilespmem:$0x1A030]  }
0x2d2: {  	v55 =	vld [tilespmem:$0x1A0C0]  }
0x2d3: {  	v56 =	vld [tilespmem:$0x1A040]  }
0x2d4: {  	v57 =	vld [tilespmem:$0x1A0D0]  }
0x2d5: {  	v58 =	vld [tilespmem:$0x1A050]  }
0x2d6: {  	v59 =	vld [tilespmem:$0x1A0E0]  }
0x2d7: {  	v60 =	vld [tilespmem:$0x1A0F0];
	v4 =	vadd.f32 v5, v4  }
0x2d8: {  	v5 =	vld [tilespmem:$0x1A060];
	v6 =	vadd.f32 v50, v49  }
0x2d9: {  	v61 =	vld [tilespmem:$0x1A070];
	[tilespmem:$0x1A080] =	vst v4;
	v4 =	vadd.f32 v52, v51  }
0x2da: {  	v62 =	vadd.f32 v54, v53;
	[tilespmem:$0x1A090] =	vst v6  }
0x2db: {  	[tilespmem:$0x1A0A0] =	vst v4;
	v4 =	vadd.f32 v56, v55  }
0x2dc: {  	v63 =	vadd.f32 v58, v57;
	[tilespmem:$0x1A0B0] =	vst v62  }
0x2dd: {  	[tilespmem:$0x1A0C0] =	vst v4;
	v4 =	vadd.f32 v5, v59  }
0x2de: {  	[tilespmem:$0x1A0D0] =	vst v63;
	v5 =	vadd.f32 v61, v60  }
0x2df: {  	[tilespmem:$0x1A0E0] =	vst v4  }
.Ltmp10:
0x2e0: {  	s20 =	rddreg [dreg:$0x15];
	[tilespmem:$0x1A0F0] =	vst v5;
	(pc) =	sbr.rel .LBB2_17-.Ltmp10, $4  }
0x2e1: {  	[hbm4b:s20+s2] =	stream.linear.scatter [tilespmem:s24], [sflag:$0x2], $0x80, $0x38;
	[tilespmem:$0x1A900] =	vst v63  }
0x2e2: {  	_ =	swait.ge [sflag:s29], $0x80  }
0x2e3: {  	[sflag:s29] =	ssyncset.done $0x0  }
0x2e4: {  	[sflag:s29] =	ssyncadd.s32 $0xFFFFFF80  }
.LBB2_18:
0x2e5: {  	_ =	sfence.sel $0x180000  }
0x2e6: {  	[bflag:$0x0] =	sbarrier.arrive $0xFFFF  }
0x2e7: {  	_ =	strace $0x90000047  }
0x2e8: {  	s0 =	stileid.u32;
	[bflag:$0x2] =	sbarrier.arrive $0xFFFF  }
0x2e9: {  	p0 =	sne.s32 s0, $0x0;
	s0 =	rddreg [dreg:$0x4]  }
0x2ea: {  	s0 =	sadd.s32 @!p0 $0x100000, s0  }
0x2eb: {  	[sflag:s0] =	ssyncadd.tile.s32 @!p0 $0x1;
	_ =	shalt  }
.Lfunc_end2:
_tile_overlayer_lowered:
.L_overlay_start_2:
0x2ec: {  	(tag) =	ssettag $0x2  }
0x2ed: {  	s0 =	rddreg [dreg:$0x0];
	s2 =	stileid.u32  }
0x2ee: {  	s1 =	rddreg [dreg:$0x1];
	p0 =	sne.s32 s2, $0x0  }
0x2ef: {  	s3 =	rddreg [dreg:$0x2];
	[bflag:$0x3] =	sbarrier.arrive $0xFFFF;
	s2 =	simm.s32 @!p0 $0x1C02  }
0x2f0: {  	[timem:s3], [sflag:s2] =	dma.local @!p0 [hbm:s0], s1  }
0x2f1: {  	s0 =	simm.s32 @!p0 $0x2  }
0x2f2: {  	_ =	swait.ge @!p0 [sflag:s0], s1  }
0x2f3: {  	s1 =	ssub.s32 @!p0 $0x0, s1;
	[sflag:s0] =	ssyncset.done @!p0 $0x0  }
0x2f4: {  	[sflag:s0] =	ssyncadd.s32 @!p0 s1  }
0x2f5: {  	[bflag:$0x3] =	sbarrier.arrive $0xFFFF  }
0x2f6: {  	_ =	shalt  }

</sc_bundles>
